<compile_context>
chip_gen: v7x
topology: tpu7x:2x2x1
jax: 0.10.2.dev20260603
libtpu: 0.0.44.dev20260713+nightly
codegen_flags: <defaults>
</compile_context>

<pallas_src>
import functools

import jax
import jax.numpy as jnp
import numpy as np
from jax import lax
from jax.experimental import pallas as pl
from jax.experimental.pallas import tpu as pltpu
from jax.experimental.pallas import tpu_sc as plsc

N = 10000
E = 320000
D = 128
DA = 8
DE = 16
FC_H = 8
LOG2 = float(np.log(2.0))
INV_SQRT_D = 1.0 / float(np.sqrt(float(D)))
INV_SQRT_DE = 1.0 / float(np.sqrt(float(DE)))
INV_SQRT_H = 1.0 / float(np.sqrt(float(FC_H)))
INV_SQRT_AVG = 1.0 / float(np.sqrt(32.0))
INV_SQRT_DDA = 1.0 / float(np.sqrt(float(D * DA)))

NC = 2
NS = 16
CHUNK = 80
EH = E // NC
NCH = EH // CHUNK
ROWS_A = 624
ROWS_LAST = N - (NS - 1) * ROWS_A
ZR = 16


def _ssp(x):
    return jax.nn.softplus(x) - LOG2


def _x_body(nf_ref, w1_ref, o_ref):
    o_ref[...] = jnp.dot(nf_ref[...], w1_ref[...],
                         preferred_element_type=jnp.float32) * INV_SQRT_D


def _node_linear(nf, w1):
    bn = 2000
    return pl.pallas_call(
        _x_body,
        grid=(N // bn,),
        in_specs=[
            pl.BlockSpec((bn, D), lambda i: (i, 0)),
            pl.BlockSpec((D, D), lambda i: (0, 0)),
        ],
        out_specs=pl.BlockSpec((bn, D), lambda i: (i, 0)),
        out_shape=jax.ShapeDtypeStruct((N, D), jnp.float32),
    )(nf, w1)


_BE = 3200
_GE = _BE // 128
_GP = _BE // 80


def _cw_body(eet_ref, ea2_ref, wr1t_ref, wr2_ref, o_ref):
    ee = jnp.transpose(eet_ref[...])
    h = _ssp(lax.dot_general(ee, wr1t_ref[...],
                             (((1,), (1,)), ((), ())),
                             preferred_element_type=jnp.float32) * INV_SQRT_DE)
    w = jnp.dot(h, wr2_ref[...], preferred_element_type=jnp.float32) * INV_SQRT_H
    ea_t = jnp.transpose(ea2_ref[0])
    ea_col = jnp.concatenate([ea_t[:, g:g + 1] for g in range(_GE)], axis=0)
    cw = w * ea_col
    cwv = jnp.reshape(cw, (_GP, 80, D))
    u_lo = lax.bitcast_convert_type(cwv[:, :40, :], jnp.uint32)
    u_hi = lax.bitcast_convert_type(cwv[:, 40:, :], jnp.uint32)
    pk = (((u_lo + jnp.uint32(0x8000)) >> 16)
          | ((u_hi + jnp.uint32(0x8000)) & jnp.uint32(0xFFFF0000)))
    o_ref[...] = lax.bitcast_convert_type(
        jnp.reshape(pk, (_BE // 2, D)), jnp.int32)


def _edge_coeffs(ee, ea, wr1, wr2):
    ee_t = jnp.transpose(ee)
    ea2 = jnp.reshape(ea, (E // _BE, _GE, 128))
    wr1_t = jnp.transpose(wr1)
    return pl.pallas_call(
        _cw_body,
        grid=(E // _BE,),
        in_specs=[
            pl.BlockSpec((DE, _BE), lambda i: (0, i)),
            pl.BlockSpec((1, _GE, 128), lambda i: (i, 0, 0)),
            pl.BlockSpec((FC_H, DE), lambda i: (0, 0)),
            pl.BlockSpec((FC_H, D), lambda i: (0, 0)),
        ],
        out_specs=pl.BlockSpec((_BE // 2, D), lambda i: (i, 0)),
        out_shape=jax.ShapeDtypeStruct((E // 2, D), jnp.int32),
    )(ee_t, ea2, wr1_t, wr2)


def _sc_edge_body(x_hbm, cw_hbm, src_hbm, dst_hbm, out_hbm, agg_sh,
                  s0, s1, s2, d0, d1, d2, c0, c1, c2, g0, g1, g2,
                  ss0, ss1, ss2, sd0, sd1, sd2, sc0, sc1, sc2,
                  sg0, sg1, sg2, sa0, sa1, sa2):
    cid = lax.axis_index("c")
    sid = lax.axis_index("s")
    srcs, dsts, pks, xgs = [s0, s1, s2], [d0, d1, d2], [c0, c1, c2], [g0, g1, g2]
    sem_s, sem_d, sem_c = [ss0, ss1, ss2], [sd0, sd1, sd2], [sc0, sc1, sc2]
    sem_g, sem_a = [sg0, sg1, sg2], [sa0, sa1, sa2]

    def zrow(r, _):
        for c in range(D // 16):
            g0[r, pl.ds(c * 16, 16)] = jnp.zeros((16,), jnp.float32)
        return 0
    lax.fori_loop(0, ZR, zrow, 0)
    row0 = pl.multiple_of(sid * ROWS_A, 8)
    nz = jnp.where(sid == NS - 1, ROWS_LAST // ZR, ROWS_A // ZR)

    def zcopy(k, _):
        pltpu.sync_copy(g0.at[pl.ds(0, ZR)],
                        agg_sh.at[pl.ds(pl.multiple_of(row0 + k * ZR, 8), ZR)])
        return 0
    lax.fori_loop(0, nz, zcopy, 0)
    plsc.subcore_barrier()

    NJ = NCH // NS
    assert NCH % NS == 0

    def ebase(j):
        return cid * EH + (sid + j * NS) * CHUNK

    def prefetch(j, b):
        base = ebase(j)
        pltpu.async_copy(src_hbm.at[pl.ds(base, CHUNK)], srcs[b], sem_s[b])
        pltpu.async_copy(dst_hbm.at[pl.ds(base, CHUNK)], dsts[b], sem_d[b])
        pltpu.async_copy(cw_hbm.at[pl.ds(pl.multiple_of(base // 2, 8), CHUNK // 2)],
                         pks[b], sem_c[b])

    def gather(j, b):
        pltpu.make_async_copy(src_hbm.at[pl.ds(ebase(j), CHUNK)],
                              srcs[b], sem_s[b]).wait()
        pltpu.async_copy(x_hbm.at[srcs[b]], xgs[b], sem_g[b])

    for jj in (0, 1):
        prefetch(jj, jj)
        gather(jj, jj)

    def triple(t, _):
        for b in (0, 1, 2):
            j = 3 * t + b
            s2 = (b + 2) % 3

            @pl.when(j < NJ)
            def _process():
                @pl.when(j >= 1)
                def _drain_prev_scatter():
                    pltpu.make_async_copy(xgs[s2], agg_sh.at[dsts[s2]],
                                          sem_a[s2]).wait()

                @pl.when(j + 2 < NJ)
                def _pf():
                    prefetch(j + 2, s2)

                pltpu.make_async_copy(dst_hbm.at[pl.ds(ebase(j), CHUNK)],
                                      dsts[b], sem_d[b]).wait()
                pltpu.make_async_copy(
                    cw_hbm.at[pl.ds(pl.multiple_of(ebase(j) // 2, 8), CHUNK // 2)],
                    pks[b], sem_c[b]).wait()
                pltpu.make_async_copy(x_hbm.at[srcs[b]], xgs[b], sem_g[b]).wait()

                def mulrow(q, _):
                    for c in range(D // 16):
                        sl = pl.ds(c * 16, 16)
                        pkv = pks[b][q, sl]
                        wlo = lax.bitcast_convert_type(pkv << 16, jnp.float32)
                        whi = lax.bitcast_convert_type(
                            pkv & jnp.int32(-65536), jnp.float32)
                        xgs[b][q, sl] = xgs[b][q, sl] * wlo
                        xgs[b][q + CHUNK // 2, sl] = (
                            xgs[b][q + CHUNK // 2, sl] * whi)
                    return 0
                lax.fori_loop(0, CHUNK // 2, mulrow, 0)

                @pl.when(j + 2 < NJ)
                def _gather_next():
                    gather(j + 2, s2)

                pltpu.async_copy(xgs[b], agg_sh.at[dsts[b]], sem_a[b], add=True)
        return 0
    lax.fori_loop(0, (NJ + 2) // 3, triple, 0)
    lb = (NJ - 1) % 3
    pltpu.make_async_copy(xgs[lb], agg_sh.at[dsts[lb]], sem_a[lb]).wait()
    plsc.subcore_barrier()

    out0 = pl.multiple_of(cid * N + row0, 8)

    @pl.when(sid < NS - 1)
    def _dump_a():
        pltpu.sync_copy(agg_sh.at[pl.ds(row0, ROWS_A)],
                        out_hbm.at[pl.ds(out0, ROWS_A)])

    @pl.when(sid == NS - 1)
    def _dump_last():
        pltpu.sync_copy(agg_sh.at[pl.ds(row0, ROWS_LAST)],
                        out_hbm.at[pl.ds(out0, ROWS_LAST)])


def _sc_edge_aggregate(x, cw, src, dst):
    mesh = plsc.VectorSubcoreMesh(core_axis_name="c", subcore_axis_name="s")
    return pl.kernel(
        _sc_edge_body,
        mesh=mesh,
        out_type=jax.ShapeDtypeStruct((NC * N, D), jnp.float32),
        scratch_types=(
            [pltpu.VMEM_SHARED((N, D), jnp.float32)]
            + [pltpu.VMEM((CHUNK,), jnp.int32) for _ in range(6)]
            + [pltpu.VMEM((CHUNK // 2, D), jnp.int32) for _ in range(3)]
            + [pltpu.VMEM((CHUNK, D), jnp.float32) for _ in range(3)]
            + [pltpu.SemaphoreType.DMA for _ in range(15)]
        ),
    )(x, cw, src, dst)


def _post_body(pa_ref, pb_ref, nf_ref, na_ref, w2_ref, wsc_ref, o_ref):
    agg = (pa_ref[...] + pb_ref[...]) * INV_SQRT_AVG
    t = jnp.dot(agg, w2_ref[...], preferred_element_type=jnp.float32) * INV_SQRT_D
    nf = nf_ref[...]
    na = na_ref[...]
    acc = jnp.zeros_like(t)
    for v in range(DA):
        wv = wsc_ref[:, v, :]
        yv = jnp.dot(nf, wv, preferred_element_type=jnp.float32)
        acc = acc + na[:, v:v + 1] * yv
    o_ref[...] = nf + _ssp(t + acc * INV_SQRT_DDA)


def _postprocess(partials, nf, na, w2, wsc):
    bn = 2000
    nb = N // bn
    return pl.pallas_call(
        _post_body,
        grid=(nb,),
        in_specs=[
            pl.BlockSpec((bn, D), lambda i: (i, 0)),
            pl.BlockSpec((bn, D), lambda i, _nb=nb: (i + _nb, 0)),
            pl.BlockSpec((bn, D), lambda i: (i, 0)),
            pl.BlockSpec((bn, DA), lambda i: (i, 0)),
            pl.BlockSpec((D, D), lambda i: (0, 0)),
            pl.BlockSpec((D, DA, D), lambda i: (0, 0, 0)),
        ],
        out_specs=pl.BlockSpec((bn, D), lambda i: (i, 0)),
        out_shape=jax.ShapeDtypeStruct((N, D), jnp.float32),
    )(partials, partials, nf, na, w2, wsc)


def kernel(node_features, node_attrs, edge_embedding, edge_attrs, edge_index,
           W1, Wr1, Wr2, W2, Wsc):
    src = edge_index[0]
    dst = edge_index[1]
    x = _node_linear(node_features, W1)
    cw = _edge_coeffs(edge_embedding, edge_attrs, Wr1, Wr2)
    partials = _sc_edge_aggregate(x, cw, src, dst)
    return _postprocess(partials, node_features, node_attrs, W2, Wsc)

# --- scband reference (transcript-rebuilt; emitter-appended) ---
"""Pipeline reference for scband-tfnlayer-26079041421318 (READ-ONLY COPY).

The authoritative reference and input builder live on the scoring server;
editing this copy changes nothing except your own understanding.
"""

import jax, jax.numpy as jnp
import numpy as np

N = 10000
E = 320000
D = 128   # node feature dim (128x0e)
DA = 8    # node attr dim (8x0e)
DE = 16   # edge embedding dim (16x0e)
FC_H = 8  # radial MLP hidden size
AVG_NEIGH = 32.0
LOG2 = float(np.log(2.0))


def ssp(x):
    # ShiftedSoftPlus
    return jax.nn.softplus(x) - LOG2


def setup_inputs(seed: int = 0) -> dict:
    key = jax.random.key(seed)
    ks = jax.random.split(key, 10)
    node_features = jax.random.normal(ks[0], (N, D), dtype=jnp.float32)
    node_attrs = jax.random.normal(ks[1], (N, DA), dtype=jnp.float32)
    edge_embedding = jax.random.uniform(ks[2], (E, DE), dtype=jnp.float32)
    edge_attrs = jax.random.normal(ks[3], (E, 1), dtype=jnp.float32)
    edge_index = jax.random.randint(ks[4], (2, E), 0, N, dtype=jnp.int32)
    # learned parameters
    W1 = jax.random.normal(ks[5], (D, D), dtype=jnp.float32)      # linear_1 (e3nn Linear on 128x0e)
    Wr1 = jax.random.normal(ks[6], (DE, FC_H), dtype=jnp.float32) # radial MLP layer 1
    Wr2 = jax.random.normal(ks[7], (FC_H, D), dtype=jnp.float32)  # radial MLP layer 2 -> tp.weight_numel = 128
    W2 = jax.random.normal(ks[8], (D, D), dtype=jnp.float32)      # linear_2
    Wsc = jax.random.normal(ks[9], (D, DA, D), dtype=jnp.float32) # self-connection FullyConnectedTensorProduct
    return {
        'node_features': node_features,
        'node_attrs': node_attrs,
        'edge_embedding': edge_embedding,
        'edge_attrs': edge_attrs,
        'edge_index': edge_index,
        'W1': W1, 'Wr1': Wr1, 'Wr2': Wr2, 'W2': W2, 'Wsc': Wsc,
    }


def reference(node_features, node_attrs, edge_embedding, edge_attrs, edge_index, W1, Wr1, Wr2, W2, Wsc):
    src = edge_index[0]
    dst = edge_index[1]
    # linear_1: e3nn Linear on 128x0e -> dense matmul with 1/sqrt(fan_in) path normalization
    x = (node_features @ W1) / jnp.sqrt(float(D))
    # radial_nn: FullyConnectedNet([16, 8, 128], act=ssp), no bias, weight/sqrt(fan_in)
    h = ssp((edge_embedding @ Wr1) / jnp.sqrt(float(DE)))
    w = (h @ Wr2) / jnp.sqrt(float(FC_H))  # [E, 128] per-edge tp weights
    # TensorProduct(128x0e, 1x0e -> 128x0e, 'uvu', shared_weights=False):
    # edge_feats[e,u] = x[src[e],u] * edge_attrs[e,0] * w[e,u]
    edge_feats = x[src] * edge_attrs * w
    # scatter-add onto destination nodes
    agg = jax.ops.segment_sum(edge_feats, dst, num_segments=N)
    agg = agg / jnp.sqrt(AVG_NEIGH)
    # linear_2
    out = (agg @ W2) / jnp.sqrt(float(D))
    # self connection: FullyConnectedTensorProduct(128x0e, 8x0e -> 128x0e)
    sc = jnp.einsum('nu,nv,uvk->nk', node_features, node_attrs, Wsc) / jnp.sqrt(float(D * DA))
    conv = out + sc
    # gate activation: all-scalar even irreps -> ssp elementwise
    act = ssp(conv)
    # resnet: irreps_in == irreps_out -> residual add
    return node_features + act

if __name__ == "__main__":
    import jax
    _d = setup_inputs()
    print(jax.jit(kernel)(*tuple(_d.values())))

</pallas_src>

<mosaic_0001>
#map = affine_map<(d0, d1) -> (0, 0)>
#map1 = affine_map<(d0, d1) -> (0)>
module attributes {stable_mosaic.version = 14 : i64} {
  func.func @_sc_edge_body(%arg0: i32, %arg1: i32, %arg2: memref<10000x128xf32, #tpu.memory_space<hbm>>, %arg3: memref<160000x128xi32, #tpu.memory_space<hbm>>, %arg4: memref<320000xi32, #tpu.memory_space<hbm>>, %arg5: memref<320000xi32, #tpu.memory_space<hbm>>, %arg6: memref<20000x128xf32, #tpu.memory_space<hbm>>, %arg7: memref<10000x128xf32, #tpu.memory_space<vmem_shared>>, %arg8: memref<80xi32, #tpu.memory_space<vmem>>, %arg9: memref<80xi32, #tpu.memory_space<vmem>>, %arg10: memref<80xi32, #tpu.memory_space<vmem>>, %arg11: memref<80xi32, #tpu.memory_space<vmem>>, %arg12: memref<80xi32, #tpu.memory_space<vmem>>, %arg13: memref<80xi32, #tpu.memory_space<vmem>>, %arg14: memref<40x128xi32, #tpu.memory_space<vmem>>, %arg15: memref<40x128xi32, #tpu.memory_space<vmem>>, %arg16: memref<40x128xi32, #tpu.memory_space<vmem>>, %arg17: memref<80x128xf32, #tpu.memory_space<vmem>>, %arg18: memref<80x128xf32, #tpu.memory_space<vmem>>, %arg19: memref<80x128xf32, #tpu.memory_space<vmem>>, %arg20: memref<!tpu.dma_semaphore, #tpu.memory_space<semaphore_mem>>, %arg21: memref<!tpu.dma_semaphore, #tpu.memory_space<semaphore_mem>>, %arg22: memref<!tpu.dma_semaphore, #tpu.memory_space<semaphore_mem>>, %arg23: memref<!tpu.dma_semaphore, #tpu.memory_space<semaphore_mem>>, %arg24: memref<!tpu.dma_semaphore, #tpu.memory_space<semaphore_mem>>, %arg25: memref<!tpu.dma_semaphore, #tpu.memory_space<semaphore_mem>>, %arg26: memref<!tpu.dma_semaphore, #tpu.memory_space<semaphore_mem>>, %arg27: memref<!tpu.dma_semaphore, #tpu.memory_space<semaphore_mem>>, %arg28: memref<!tpu.dma_semaphore, #tpu.memory_space<semaphore_mem>>, %arg29: memref<!tpu.dma_semaphore, #tpu.memory_space<semaphore_mem>>, %arg30: memref<!tpu.dma_semaphore, #tpu.memory_space<semaphore_mem>>, %arg31: memref<!tpu.dma_semaphore, #tpu.memory_space<semaphore_mem>>, %arg32: memref<!tpu.dma_semaphore, #tpu.memory_space<semaphore_mem>>, %arg33: memref<!tpu.dma_semaphore, #tpu.memory_space<semaphore_mem>>, %arg34: memref<!tpu.dma_semaphore, #tpu.memory_space<semaphore_mem>>) attributes {dimension_semantics = [#tpu.dimension_semantics<core_parallel>, #tpu.dimension_semantics<subcore_parallel>], iteration_bounds = array<i64: 2, 16>, scalar_prefetch = 0 : i64, scratch_operands = 28 : i64, tpu.core_type = #tpu.core_type<sc_vector_subcore>, window_params = [{transform_indices = #map}, {transform_indices = #map}, {transform_indices = #map1}, {transform_indices = #map1}, {transform_indices = #map}]} {
    %scan3A = arith.constant 0 : i32
    %scan3A_0 = arith.constant 0 : i32
    %scan3A_1 = arith.constant 16 : i32
    %scan3A_2 = arith.addi %scan3A_0, %scan3A_1 : i32
    %scan3A_3 = arith.constant 1 : i32
    %scan3A_4 = scf.for %scan3A_137 = %scan3A_0 to %scan3A_2 step %scan3A_3 iter_args(%scan3A_138 = %scan3A) -> (i32)  : i32 {
      %broadcast_in_dim3A = arith.constant 0.000000e+00 : f32
      %broadcast_in_dim3A_139 = vector.broadcast %broadcast_in_dim3A : f32 to vector<16xf32>
      %swap3A = arith.index_cast %scan3A_137 : i32 to index
      %swap3A_140 = arith.constant 0 : index
      %swap3A_141 = tpu.vector_load %arg17[%swap3A, %swap3A_140] {strides = array<i32>} : memref<80x128xf32, #tpu.memory_space<vmem>>, vector<1x16xf32>,
      %swap3A_142 = vector.shape_cast %swap3A_141 : vector<1x16xf32> to vector<16xf32>
      %swap3A_143 = vector.shape_cast %broadcast_in_dim3A_139 : vector<16xf32> to vector<1x16xf32>
      tpu.vector_store %arg17[%swap3A, %swap3A_140], %swap3A_143 {strides = array<i32>} : memref<80x128xf32, #tpu.memory_space<vmem>>, vector<1x16xf32>,
      %broadcast_in_dim3A_144 = arith.constant 0.000000e+00 : f32
      %broadcast_in_dim3A_145 = vector.broadcast %broadcast_in_dim3A_144 : f32 to vector<16xf32>
      %swap3A_146 = arith.index_cast %scan3A_137 : i32 to index
      %swap3A_147 = arith.constant 16 : index
      %swap3A_148 = tpu.vector_load %arg17[%swap3A_146, %swap3A_147] {strides = array<i32>} : memref<80x128xf32, #tpu.memory_space<vmem>>, vector<1x16xf32>,
      %swap3A_149 = vector.shape_cast %swap3A_148 : vector<1x16xf32> to vector<16xf32>
      %swap3A_150 = vector.shape_cast %broadcast_in_dim3A_145 : vector<16xf32> to vector<1x16xf32>
      tpu.vector_store %arg17[%swap3A_146, %swap3A_147], %swap3A_150 {strides = array<i32>} : memref<80x128xf32, #tpu.memory_space<vmem>>, vector<1x16xf32>,
      %broadcast_in_dim3A_151 = arith.constant 0.000000e+00 : f32
      %broadcast_in_dim3A_152 = vector.broadcast %broadcast_in_dim3A_151 : f32 to vector<16xf32>
      %swap3A_153 = arith.index_cast %scan3A_137 : i32 to index
      %swap3A_154 = arith.constant 32 : index
      %swap3A_155 = tpu.vector_load %arg17[%swap3A_153, %swap3A_154] {strides = array<i32>} : memref<80x128xf32, #tpu.memory_space<vmem>>, vector<1x16xf32>,
      %swap3A_156 = vector.shape_cast %swap3A_155 : vector<1x16xf32> to vector<16xf32>
      %swap3A_157 = vector.shape_cast %broadcast_in_dim3A_152 : vector<16xf32> to vector<1x16xf32>
      tpu.vector_store %arg17[%swap3A_153, %swap3A_154], %swap3A_157 {strides = array<i32>} : memref<80x128xf32, #tpu.memory_space<vmem>>, vector<1x16xf32>,
      %broadcast_in_dim3A_158 = arith.constant 0.000000e+00 : f32
      %broadcast_in_dim3A_159 = vector.broadcast %broadcast_in_dim3A_158 : f32 to vector<16xf32>
      %swap3A_160 = arith.index_cast %scan3A_137 : i32 to index
      %swap3A_161 = arith.constant 48 : index
      %swap3A_162 = tpu.vector_load %arg17[%swap3A_160, %swap3A_161] {strides = array<i32>} : memref<80x128xf32, #tpu.memory_space<vmem>>, vector<1x16xf32>,
      %swap3A_163 = vector.shape_cast %swap3A_162 : vector<1x16xf32> to vector<16xf32>
      %swap3A_164 = vector.shape_cast %broadcast_in_dim3A_159 : vector<16xf32> to vector<1x16xf32>
      tpu.vector_store %arg17[%swap3A_160, %swap3A_161], %swap3A_164 {strides = array<i32>} : memref<80x128xf32, #tpu.memory_space<vmem>>, vector<1x16xf32>,
      %broadcast_in_dim3A_165 = arith.constant 0.000000e+00 : f32
      %broadcast_in_dim3A_166 = vector.broadcast %broadcast_in_dim3A_165 : f32 to vector<16xf32>
      %swap3A_167 = arith.index_cast %scan3A_137 : i32 to index
      %swap3A_168 = arith.constant 64 : index
      %swap3A_169 = tpu.vector_load %arg17[%swap3A_167, %swap3A_168] {strides = array<i32>} : memref<80x128xf32, #tpu.memory_space<vmem>>, vector<1x16xf32>,
      %swap3A_170 = vector.shape_cast %swap3A_169 : vector<1x16xf32> to vector<16xf32>
      %swap3A_171 = vector.shape_cast %broadcast_in_dim3A_166 : vector<16xf32> to vector<1x16xf32>
      tpu.vector_store %arg17[%swap3A_167, %swap3A_168], %swap3A_171 {strides = array<i32>} : memref<80x128xf32, #tpu.memory_space<vmem>>, vector<1x16xf32>,
      %broadcast_in_dim3A_172 = arith.constant 0.000000e+00 : f32
      %broadcast_in_dim3A_173 = vector.broadcast %broadcast_in_dim3A_172 : f32 to vector<16xf32>
      %swap3A_174 = arith.index_cast %scan3A_137 : i32 to index
      %swap3A_175 = arith.constant 80 : index
      %swap3A_176 = tpu.vector_load %arg17[%swap3A_174, %swap3A_175] {strides = array<i32>} : memref<80x128xf32, #tpu.memory_space<vmem>>, vector<1x16xf32>,
      %swap3A_177 = vector.shape_cast %swap3A_176 : vector<1x16xf32> to vector<16xf32>
      %swap3A_178 = vector.shape_cast %broadcast_in_dim3A_173 : vector<16xf32> to vector<1x16xf32>
      tpu.vector_store %arg17[%swap3A_174, %swap3A_175], %swap3A_178 {strides = array<i32>} : memref<80x128xf32, #tpu.memory_space<vmem>>, vector<1x16xf32>,
      %broadcast_in_dim3A_179 = arith.constant 0.000000e+00 : f32
      %broadcast_in_dim3A_180 = vector.broadcast %broadcast_in_dim3A_179 : f32 to vector<16xf32>
      %swap3A_181 = arith.index_cast %scan3A_137 : i32 to index
      %swap3A_182 = arith.constant 96 : index
      %swap3A_183 = tpu.vector_load %arg17[%swap3A_181, %swap3A_182] {strides = array<i32>} : memref<80x128xf32, #tpu.memory_space<vmem>>, vector<1x16xf32>,
      %swap3A_184 = vector.shape_cast %swap3A_183 : vector<1x16xf32> to vector<16xf32>
      %swap3A_185 = vector.shape_cast %broadcast_in_dim3A_180 : vector<16xf32> to vector<1x16xf32>
      tpu.vector_store %arg17[%swap3A_181, %swap3A_182], %swap3A_185 {strides = array<i32>} : memref<80x128xf32, #tpu.memory_space<vmem>>, vector<1x16xf32>,
      %broadcast_in_dim3A_186 = arith.constant 0.000000e+00 : f32
      %broadcast_in_dim3A_187 = vector.broadcast %broadcast_in_dim3A_186 : f32 to vector<16xf32>
      %swap3A_188 = arith.index_cast %scan3A_137 : i32 to index
      %swap3A_189 = arith.constant 112 : index
      %swap3A_190 = tpu.vector_load %arg17[%swap3A_188, %swap3A_189] {strides = array<i32>} : memref<80x128xf32, #tpu.memory_space<vmem>>, vector<1x16xf32>,
      %swap3A_191 = vector.shape_cast %swap3A_190 : vector<1x16xf32> to vector<16xf32>
      %swap3A_192 = vector.shape_cast %broadcast_in_dim3A_187 : vector<16xf32> to vector<1x16xf32>
      tpu.vector_store %arg17[%swap3A_188, %swap3A_189], %swap3A_192 {strides = array<i32>} : memref<80x128xf32, #tpu.memory_space<vmem>>, vector<1x16xf32>,
      %scan3A_193 = arith.constant 0 : i32
      scf.yield %scan3A_193 : i32
    }
    %scan3A_5 = arith.constant 16 : i32
    %mul3A = arith.constant 624 : i32
    %mul3A_6 = arith.muli %arg1, %mul3A : i32
    %multiple_of3A = tpu.assume_multiple %mul3A_6, 8 : i32
    %eq3A = arith.constant 15 : i32
    %eq3A_7 = arith.cmpi eq, %arg1, %eq3A : i32
    %jit3A = arith.constant 40 : i32
    %jit3A_8 = arith.constant 39 : i32
    %select_n3A = arith.select %eq3A_7, %jit3A, %jit3A_8 : i32
    %while3A = arith.constant 0 : i32
    %while3A_9 = arith.constant 0 : i32
    %while3A_10 = arith.subi %select_n3A, %while3A : i32
    %while3A_11 = arith.addi %while3A, %while3A_10 : i32
    %while3A_12 = arith.constant 1 : i32
    %while3A_13 = arith.divsi %while3A_10, %while3A_12 : i32
    %while3A_14 = arith.muli %while3A_13, %while3A_12 : i32
    %while3A_15 = arith.addi %while3A, %while3A_14 : i32
    %while3A_16 = arith.constant 1 : i32
    %while3A_17 = scf.for %while3A_137 = %while3A to %while3A_15 step %while3A_16 iter_args(%while3A_138 = %while3A_9) -> (i32)  : i32 {
      %mul3A_139 = arith.constant 16 : i32
      %mul3A_140 = arith.muli %while3A_137, %mul3A_139 : i32
      %add3A_141 = arith.addi %multiple_of3A, %mul3A_140 : i32
      %multiple_of3A_142 = tpu.assume_multiple %add3A_141, 8 : i32
      "tpu.region"() ({
        %run_scoped3A = tpu.sem_alloc : memref<!tpu.dma_semaphore, #tpu.memory_space<semaphore_mem>>
        %dma_start3A_144 = arith.constant 0 : i32
        %dma_start3A_145 = arith.constant 0 : i32
        %dma_start3A_146 = tpu.memref_slice %arg17[%dma_start3A_144, %dma_start3A_145] : memref<80x128xf32, #tpu.memory_space<vmem>> -> memref<16x128xf32, #tpu.memory_space<vmem>>
        %dma_start3A_147 = arith.constant 0 : i32
        %dma_start3A_148 = tpu.memref_slice %arg7[%multiple_of3A_142, %dma_start3A_147] : memref<10000x128xf32, #tpu.memory_space<vmem_shared>> -> memref<16x128xf32, #tpu.memory_space<vmem_shared>>
        %dma_start3A_149 = arith.constant 0 : i32
        %dma_start3A_150 = tpu.memref_slice %arg7[%multiple_of3A_142, %dma_start3A_149] : memref<10000x128xf32, #tpu.memory_space<vmem_shared>> -> memref<16x128xf32, #tpu.memory_space<vmem_shared>>
        %dma_start3A_151 = arith.constant 0 : i32
        %dma_start3A_152 = arith.constant 0 : i32
        %dma_start3A_153 = tpu.memref_slice %arg17[%dma_start3A_151, %dma_start3A_152] : memref<80x128xf32, #tpu.memory_space<vmem>> -> memref<16x128xf32, #tpu.memory_space<vmem>>
        tpu.enqueue_dma source(%dma_start3A_153 : memref<16x128xf32, #tpu.memory_space<vmem>>) target(%dma_start3A_150 : memref<16x128xf32, #tpu.memory_space<vmem_shared>>) target_semaphore(%run_scoped3A : memref<!tpu.dma_semaphore, #tpu.memory_space<semaphore_mem>>)
        %dma_wait3A_154 = arith.constant 0 : i32
        %dma_wait3A_155 = arith.constant 0 : i32
        %dma_wait3A_156 = tpu.memref_slice %arg17[%dma_wait3A_154, %dma_wait3A_155] : memref<80x128xf32, #tpu.memory_space<vmem>> -> memref<16x128xf32, #tpu.memory_space<vmem>>
        %dma_wait3A_157 = arith.constant 0 : i32
        %dma_wait3A_158 = tpu.memref_slice %arg7[%multiple_of3A_142, %dma_wait3A_157] : memref<10000x128xf32, #tpu.memory_space<vmem_shared>> -> memref<16x128xf32, #tpu.memory_space<vmem_shared>>
        %dma_wait3A_159 = arith.constant 0 : i32
        %dma_wait3A_160 = tpu.memref_slice %arg7[%multiple_of3A_142, %dma_wait3A_159] : memref<10000x128xf32, #tpu.memory_space<vmem_shared>> -> memref<16x128xf32, #tpu.memory_space<vmem_shared>>
        %dma_wait3A_161 = arith.constant 0 : i32
        %dma_wait3A_162 = arith.constant 0 : i32
        %dma_wait3A_163 = tpu.memref_slice %arg17[%dma_wait3A_161, %dma_wait3A_162] : memref<80x128xf32, #tpu.memory_space<vmem>> -> memref<16x128xf32, #tpu.memory_space<vmem>>
        tpu.wait_dma2 semaphore(%run_scoped3A : memref<!tpu.dma_semaphore, #tpu.memory_space<semaphore_mem>>) src(%dma_wait3A_163 : memref<16x128xf32, #tpu.memory_space<vmem>>) dst(%dma_wait3A_160 : memref<16x128xf32, #tpu.memory_space<vmem_shared>>)
        tpu.yield
      }) : () -> ()
      %while3A_143 = arith.constant 0 : i32
      scf.yield %while3A_143 : i32
    }
    %while3A_18 = arith.constant 1 : i32
    %while3A_19 = scf.for %while3A_137 = %while3A_15 to %while3A_11 step %while3A_18 iter_args(%while3A_138 = %while3A_17) -> (i32)  : i32 {
      %mul3A_139 = arith.constant 16 : i32
      %mul3A_140 = arith.muli %while3A_137, %mul3A_139 : i32
      %add3A_141 = arith.addi %multiple_of3A, %mul3A_140 : i32
      %multiple_of3A_142 = tpu.assume_multiple %add3A_141, 8 : i32
      "tpu.region"() ({
        %run_scoped3A = tpu.sem_alloc : memref<!tpu.dma_semaphore, #tpu.memory_space<semaphore_mem>>
        %dma_start3A_144 = arith.constant 0 : i32
        %dma_start3A_145 = arith.constant 0 : i32
        %dma_start3A_146 = tpu.memref_slice %arg17[%dma_start3A_144, %dma_start3A_145] : memref<80x128xf32, #tpu.memory_space<vmem>> -> memref<16x128xf32, #tpu.memory_space<vmem>>
        %dma_start3A_147 = arith.constant 0 : i32
        %dma_start3A_148 = tpu.memref_slice %arg7[%multiple_of3A_142, %dma_start3A_147] : memref<10000x128xf32, #tpu.memory_space<vmem_shared>> -> memref<16x128xf32, #tpu.memory_space<vmem_shared>>
        %dma_start3A_149 = arith.constant 0 : i32
        %dma_start3A_150 = tpu.memref_slice %arg7[%multiple_of3A_142, %dma_start3A_149] : memref<10000x128xf32, #tpu.memory_space<vmem_shared>> -> memref<16x128xf32, #tpu.memory_space<vmem_shared>>
        %dma_start3A_151 = arith.constant 0 : i32
        %dma_start3A_152 = arith.constant 0 : i32
        %dma_start3A_153 = tpu.memref_slice %arg17[%dma_start3A_151, %dma_start3A_152] : memref<80x128xf32, #tpu.memory_space<vmem>> -> memref<16x128xf32, #tpu.memory_space<vmem>>
        tpu.enqueue_dma source(%dma_start3A_153 : memref<16x128xf32, #tpu.memory_space<vmem>>) target(%dma_start3A_150 : memref<16x128xf32, #tpu.memory_space<vmem_shared>>) target_semaphore(%run_scoped3A : memref<!tpu.dma_semaphore, #tpu.memory_space<semaphore_mem>>)
        %dma_wait3A_154 = arith.constant 0 : i32
        %dma_wait3A_155 = arith.constant 0 : i32
        %dma_wait3A_156 = tpu.memref_slice %arg17[%dma_wait3A_154, %dma_wait3A_155] : memref<80x128xf32, #tpu.memory_space<vmem>> -> memref<16x128xf32, #tpu.memory_space<vmem>>
        %dma_wait3A_157 = arith.constant 0 : i32
        %dma_wait3A_158 = tpu.memref_slice %arg7[%multiple_of3A_142, %dma_wait3A_157] : memref<10000x128xf32, #tpu.memory_space<vmem_shared>> -> memref<16x128xf32, #tpu.memory_space<vmem_shared>>
        %dma_wait3A_159 = arith.constant 0 : i32
        %dma_wait3A_160 = tpu.memref_slice %arg7[%multiple_of3A_142, %dma_wait3A_159] : memref<10000x128xf32, #tpu.memory_space<vmem_shared>> -> memref<16x128xf32, #tpu.memory_space<vmem_shared>>
        %dma_wait3A_161 = arith.constant 0 : i32
        %dma_wait3A_162 = arith.constant 0 : i32
        %dma_wait3A_163 = tpu.memref_slice %arg17[%dma_wait3A_161, %dma_wait3A_162] : memref<80x128xf32, #tpu.memory_space<vmem>> -> memref<16x128xf32, #tpu.memory_space<vmem>>
        tpu.wait_dma2 semaphore(%run_scoped3A : memref<!tpu.dma_semaphore, #tpu.memory_space<semaphore_mem>>) src(%dma_wait3A_163 : memref<16x128xf32, #tpu.memory_space<vmem>>) dst(%dma_wait3A_160 : memref<16x128xf32, #tpu.memory_space<vmem_shared>>)
        tpu.yield
      }) : () -> ()
      %while3A_143 = arith.constant 0 : i32
      scf.yield %while3A_143 : i32
    }
    %barrier3A = arith.constant 0 : index
    tpu.barrier barrier_id(%barrier3A)
    %mul3A_20 = arith.constant 160000 : i32
    %mul3A_21 = arith.muli %arg0, %mul3A_20 : i32
    %add3A = arith.constant 0 : i32
    %add3A_22 = arith.addi %arg1, %add3A : i32
    %mul3A_23 = arith.constant 80 : i32
    %mul3A_24 = arith.muli %add3A_22, %mul3A_23 : i32
    %add3A_25 = arith.addi %mul3A_21, %mul3A_24 : i32
    %dma_start3A = tpu.memref_slice %arg4[%add3A_25] : memref<320000xi32, #tpu.memory_space<hbm>> -> memref<80xi32, #tpu.memory_space<hbm>>
    %dma_start3A_26 = tpu.memref_slice %arg4[%add3A_25] : memref<320000xi32, #tpu.memory_space<hbm>> -> memref<80xi32, #tpu.memory_space<hbm>>
    tpu.enqueue_dma source(%dma_start3A_26 : memref<80xi32, #tpu.memory_space<hbm>>) target(%arg8 : memref<80xi32, #tpu.memory_space<vmem>>) target_semaphore(%arg20 : memref<!tpu.dma_semaphore, #tpu.memory_space<semaphore_mem>>)
    %dma_start3A_27 = tpu.memref_slice %arg5[%add3A_25] : memref<320000xi32, #tpu.memory_space<hbm>> -> memref<80xi32, #tpu.memory_space<hbm>>
    %dma_start3A_28 = tpu.memref_slice %arg5[%add3A_25] : memref<320000xi32, #tpu.memory_space<hbm>> -> memref<80xi32, #tpu.memory_space<hbm>>
    tpu.enqueue_dma source(%dma_start3A_28 : memref<80xi32, #tpu.memory_space<hbm>>) target(%arg11 : memref<80xi32, #tpu.memory_space<vmem>>) target_semaphore(%arg23 : memref<!tpu.dma_semaphore, #tpu.memory_space<semaphore_mem>>)
    %jit3A_29 = arith.constant 2 : i32
    %div3A = arith.divsi %add3A_25, %jit3A_29 : i32
    %sign3A = arith.constant 0 : i32
    %sign3A_30 = arith.cmpi sgt, %add3A_25, %sign3A : i32
    %sign3A_31 = arith.extui %sign3A_30 : i1 to i32
    %sign3A_32 = arith.constant 0 : i32
    %sign3A_33 = arith.cmpi slt, %add3A_25, %sign3A_32 : i32
    %sign3A_34 = arith.extui %sign3A_33 : i1 to i32
    %sign3A_35 = arith.subi %sign3A_31, %sign3A_34 : i32
    %sign3A_36 = arith.constant 0 : i32
    %sign3A_37 = arith.cmpi sgt, %jit3A_29, %sign3A_36 : i32
    %sign3A_38 = arith.extui %sign3A_37 : i1 to i32
    %sign3A_39 = arith.constant 0 : i32
    %sign3A_40 = arith.cmpi slt, %jit3A_29, %sign3A_39 : i32
    %sign3A_41 = arith.extui %sign3A_40 : i1 to i32
    %sign3A_42 = arith.subi %sign3A_38, %sign3A_41 : i32
    %ne3A = arith.cmpi ne, %sign3A_35, %sign3A_42 : i32
    %rem3A = arith.remsi %add3A_25, %jit3A_29 : i32
    %ne3A_43 = arith.constant 0 : i32
    %ne3A_44 = arith.cmpi ne, %rem3A, %ne3A_43 : i32
    %and3A = arith.andi %ne3A, %ne3A_44 : i1
    %sub3A = arith.constant 1 : i32
    %sub3A_45 = arith.subi %div3A, %sub3A : i32
    %select_n3A_46 = arith.select %and3A, %sub3A_45, %div3A : i32
    %multiple_of3A_47 = tpu.assume_multiple %select_n3A_46, 8 : i32
    %dma_start3A_48 = arith.constant 0 : i32
    %dma_start3A_49 = tpu.memref_slice %arg3[%multiple_of3A_47, %dma_start3A_48] : memref<160000x128xi32, #tpu.memory_space<hbm>> -> memref<40x128xi32, #tpu.memory_space<hbm>>
    %dma_start3A_50 = arith.constant 0 : i32
    %dma_start3A_51 = tpu.memref_slice %arg3[%multiple_of3A_47, %dma_start3A_50] : memref<160000x128xi32, #tpu.memory_space<hbm>> -> memref<40x128xi32, #tpu.memory_space<hbm>>
    tpu.enqueue_dma source(%dma_start3A_51 : memref<40x128xi32, #tpu.memory_space<hbm>>) target(%arg14 : memref<40x128xi32, #tpu.memory_space<vmem>>) target_semaphore(%arg26 : memref<!tpu.dma_semaphore, #tpu.memory_space<semaphore_mem>>)
    %mul3A_52 = arith.constant 160000 : i32
    %mul3A_53 = arith.muli %arg0, %mul3A_52 : i32
    %add3A_54 = arith.constant 0 : i32
    %add3A_55 = arith.addi %arg1, %add3A_54 : i32
    %mul3A_56 = arith.constant 80 : i32
    %mul3A_57 = arith.muli %add3A_55, %mul3A_56 : i32
    %add3A_58 = arith.addi %mul3A_53, %mul3A_57 : i32
    %dma_wait3A = tpu.memref_slice %arg4[%add3A_58] : memref<320000xi32, #tpu.memory_space<hbm>> -> memref<80xi32, #tpu.memory_space<hbm>>
    %dma_wait3A_59 = tpu.memref_slice %arg4[%add3A_58] : memref<320000xi32, #tpu.memory_space<hbm>> -> memref<80xi32, #tpu.memory_space<hbm>>
    tpu.wait_dma2 semaphore(%arg20 : memref<!tpu.dma_semaphore, #tpu.memory_space<semaphore_mem>>) src(%dma_wait3A_59 : memref<80xi32, #tpu.memory_space<hbm>>) dst(%arg8 : memref<80xi32, #tpu.memory_space<vmem>>)
    %dma_start3A_60 = arith.constant 0 : i32
    %dma_start3A_61 = arith.constant 0 : i32
    %dma_start3A_62 = tpu.memref_slice %arg2[%dma_start3A_60, %dma_start3A_61] : memref<10000x128xf32, #tpu.memory_space<hbm>> -> memref<10000x128xf32, #tpu.memory_space<hbm>>
    tpu.enqueue_indirect_dma source(%dma_start3A_62 : memref<10000x128xf32, #tpu.memory_space<hbm>>) target(%arg17 : memref<80x128xf32, #tpu.memory_space<vmem>>) offsets(%arg8 : memref<80xi32, #tpu.memory_space<vmem>>) semaphore(%arg29 : memref<!tpu.dma_semaphore, #tpu.memory_space<semaphore_mem>>)
    %mul3A_63 = arith.constant 160000 : i32
    %mul3A_64 = arith.muli %arg0, %mul3A_63 : i32
    %add3A_65 = arith.constant 16 : i32
    %add3A_66 = arith.addi %arg1, %add3A_65 : i32
    %mul3A_67 = arith.constant 80 : i32
    %mul3A_68 = arith.muli %add3A_66, %mul3A_67 : i32
    %add3A_69 = arith.addi %mul3A_64, %mul3A_68 : i32
    %dma_start3A_70 = tpu.memref_slice %arg4[%add3A_69] : memref<320000xi32, #tpu.memory_space<hbm>> -> memref<80xi32, #tpu.memory_space<hbm>>
    %dma_start3A_71 = tpu.memref_slice %arg4[%add3A_69] : memref<320000xi32, #tpu.memory_space<hbm>> -> memref<80xi32, #tpu.memory_space<hbm>>
    tpu.enqueue_dma source(%dma_start3A_71 : memref<80xi32, #tpu.memory_space<hbm>>) target(%arg9 : memref<80xi32, #tpu.memory_space<vmem>>) target_semaphore(%arg21 : memref<!tpu.dma_semaphore, #tpu.memory_space<semaphore_mem>>)
    %dma_start3A_72 = tpu.memref_slice %arg5[%add3A_69] : memref<320000xi32, #tpu.memory_space<hbm>> -> memref<80xi32, #tpu.memory_space<hbm>>
    %dma_start3A_73 = tpu.memref_slice %arg5[%add3A_69] : memref<320000xi32, #tpu.memory_space<hbm>> -> memref<80xi32, #tpu.memory_space<hbm>>
    tpu.enqueue_dma source(%dma_start3A_73 : memref<80xi32, #tpu.memory_space<hbm>>) target(%arg12 : memref<80xi32, #tpu.memory_space<vmem>>) target_semaphore(%arg24 : memref<!tpu.dma_semaphore, #tpu.memory_space<semaphore_mem>>)
    %jit3A_74 = arith.constant 2 : i32
    %div3A_75 = arith.divsi %add3A_69, %jit3A_74 : i32
    %sign3A_76 = arith.constant 0 : i32
    %sign3A_77 = arith.cmpi sgt, %add3A_69, %sign3A_76 : i32
    %sign3A_78 = arith.extui %sign3A_77 : i1 to i32
    %sign3A_79 = arith.constant 0 : i32
    %sign3A_80 = arith.cmpi slt, %add3A_69, %sign3A_79 : i32
    %sign3A_81 = arith.extui %sign3A_80 : i1 to i32
    %sign3A_82 = arith.subi %sign3A_78, %sign3A_81 : i32
    %sign3A_83 = arith.constant 0 : i32
    %sign3A_84 = arith.cmpi sgt, %jit3A_74, %sign3A_83 : i32
    %sign3A_85 = arith.extui %sign3A_84 : i1 to i32
    %sign3A_86 = arith.constant 0 : i32
    %sign3A_87 = arith.cmpi slt, %jit3A_74, %sign3A_86 : i32
    %sign3A_88 = arith.extui %sign3A_87 : i1 to i32
    %sign3A_89 = arith.subi %sign3A_85, %sign3A_88 : i32
    %ne3A_90 = arith.cmpi ne, %sign3A_82, %sign3A_89 : i32
    %rem3A_91 = arith.remsi %add3A_69, %jit3A_74 : i32
    %ne3A_92 = arith.constant 0 : i32
    %ne3A_93 = arith.cmpi ne, %rem3A_91, %ne3A_92 : i32
    %and3A_94 = arith.andi %ne3A_90, %ne3A_93 : i1
    %sub3A_95 = arith.constant 1 : i32
    %sub3A_96 = arith.subi %div3A_75, %sub3A_95 : i32
    %select_n3A_97 = arith.select %and3A_94, %sub3A_96, %div3A_75 : i32
    %multiple_of3A_98 = tpu.assume_multiple %select_n3A_97, 8 : i32
    %dma_start3A_99 = arith.constant 0 : i32
    %dma_start3A_100 = tpu.memref_slice %arg3[%multiple_of3A_98, %dma_start3A_99] : memref<160000x128xi32, #tpu.memory_space<hbm>> -> memref<40x128xi32, #tpu.memory_space<hbm>>
    %dma_start3A_101 = arith.constant 0 : i32
    %dma_start3A_102 = tpu.memref_slice %arg3[%multiple_of3A_98, %dma_start3A_101] : memref<160000x128xi32, #tpu.memory_space<hbm>> -> memref<40x128xi32, #tpu.memory_space<hbm>>
    tpu.enqueue_dma source(%dma_start3A_102 : memref<40x128xi32, #tpu.memory_space<hbm>>) target(%arg15 : memref<40x128xi32, #tpu.memory_space<vmem>>) target_semaphore(%arg27 : memref<!tpu.dma_semaphore, #tpu.memory_space<semaphore_mem>>)
    %mul3A_103 = arith.constant 160000 : i32
    %mul3A_104 = arith.muli %arg0, %mul3A_103 : i32
    %add3A_105 = arith.constant 16 : i32
    %add3A_106 = arith.addi %arg1, %add3A_105 : i32
    %mul3A_107 = arith.constant 80 : i32
    %mul3A_108 = arith.muli %add3A_106, %mul3A_107 : i32
    %add3A_109 = arith.addi %mul3A_104, %mul3A_108 : i32
    %dma_wait3A_110 = tpu.memref_slice %arg4[%add3A_109] : memref<320000xi32, #tpu.memory_space<hbm>> -> memref<80xi32, #tpu.memory_space<hbm>>
    %dma_wait3A_111 = tpu.memref_slice %arg4[%add3A_109] : memref<320000xi32, #tpu.memory_space<hbm>> -> memref<80xi32, #tpu.memory_space<hbm>>
    tpu.wait_dma2 semaphore(%arg21 : memref<!tpu.dma_semaphore, #tpu.memory_space<semaphore_mem>>) src(%dma_wait3A_111 : memref<80xi32, #tpu.memory_space<hbm>>) dst(%arg9 : memref<80xi32, #tpu.memory_space<vmem>>)
    %dma_start3A_112 = arith.constant 0 : i32
    %dma_start3A_113 = arith.constant 0 : i32
    %dma_start3A_114 = tpu.memref_slice %arg2[%dma_start3A_112, %dma_start3A_113] : memref<10000x128xf32, #tpu.memory_space<hbm>> -> memref<10000x128xf32, #tpu.memory_space<hbm>>
    tpu.enqueue_indirect_dma source(%dma_start3A_114 : memref<10000x128xf32, #tpu.memory_space<hbm>>) target(%arg18 : memref<80x128xf32, #tpu.memory_space<vmem>>) offsets(%arg9 : memref<80xi32, #tpu.memory_space<vmem>>) semaphore(%arg30 : memref<!tpu.dma_semaphore, #tpu.memory_space<semaphore_mem>>)
    %scan3A_115 = arith.constant 0 : i32
    %scan3A_116 = arith.constant 0 : i32
    %scan3A_117 = arith.constant 42 : i32
    %scan3A_118 = arith.addi %scan3A_116, %scan3A_117 : i32
    %scan3A_119 = arith.constant 1 : i32
    %scan3A_120 = scf.for %scan3A_137 = %scan3A_116 to %scan3A_118 step %scan3A_119 iter_args(%scan3A_138 = %scan3A_115) -> (i32)  : i32 {
      %mul3A_139 = arith.constant 3 : i32
      %mul3A_140 = arith.muli %mul3A_139, %scan3A_137 : i32
      %add3A_141 = arith.constant 0 : i32
      %add3A_142 = arith.addi %mul3A_140, %add3A_141 : i32
      %lt3A_143 = arith.constant 125 : i32
      %lt3A_144 = arith.cmpi slt, %add3A_142, %lt3A_143 : i32
      %convert_element_type3A_145 = arith.extui %lt3A_144 : i1 to i32
      %cond3A_146 = arith.constant 0 : i32
      %cond3A_147 = arith.cmpi ne, %convert_element_type3A_145, %cond3A_146 : i32
      scf.if %cond3A_147 {
        %ge3A = arith.constant 1 : i32
        %ge3A_167 = arith.cmpi sge, %add3A_142, %ge3A : i32
        %convert_element_type3A_168 = arith.extui %ge3A_167 : i1 to i32
        %cond3A_169 = arith.constant 0 : i32
        %cond3A_170 = arith.cmpi ne, %convert_element_type3A_168, %cond3A_169 : i32
        scf.if %cond3A_170 {
          %dma_wait3A_245 = arith.constant 0 : i32
          %dma_wait3A_246 = arith.constant 0 : i32
          %dma_wait3A_247 = tpu.memref_slice %arg7[%dma_wait3A_245, %dma_wait3A_246] : memref<10000x128xf32, #tpu.memory_space<vmem_shared>> -> memref<10000x128xf32, #tpu.memory_space<vmem_shared>>
          tpu.wait_indirect_dma semaphore(%arg34 : memref<!tpu.dma_semaphore, #tpu.memory_space<semaphore_mem>>) src(%arg19 : memref<80x128xf32, #tpu.memory_space<vmem>>) dst(%dma_wait3A_247 : memref<10000x128xf32, #tpu.memory_space<vmem_shared>>)
        } else {
        }
        %add3A_171 = arith.constant 2 : i32
        %add3A_172 = arith.addi %add3A_142, %add3A_171 : i32
        %lt3A_173 = arith.constant 125 : i32
        %lt3A_174 = arith.cmpi slt, %add3A_172, %lt3A_173 : i32
        %convert_element_type3A_175 = arith.extui %lt3A_174 : i1 to i32
        %cond3A_176 = arith.constant 0 : i32
        %cond3A_177 = arith.cmpi ne, %convert_element_type3A_175, %cond3A_176 : i32
        scf.if %cond3A_177 {
          %add3A_245 = arith.constant 2 : i32
          %add3A_246 = arith.addi %add3A_142, %add3A_245 : i32
          %mul3A_247 = arith.constant 160000 : i32
          %mul3A_248 = arith.muli %arg0, %mul3A_247 : i32
          %mul3A_249 = arith.constant 16 : i32
          %mul3A_250 = arith.muli %add3A_246, %mul3A_249 : i32
          %add3A_251 = arith.addi %arg1, %mul3A_250 : i32
          %mul3A_252 = arith.constant 80 : i32
          %mul3A_253 = arith.muli %add3A_251, %mul3A_252 : i32
          %add3A_254 = arith.addi %mul3A_248, %mul3A_253 : i32
          %dma_start3A_255 = tpu.memref_slice %arg4[%add3A_254] : memref<320000xi32, #tpu.memory_space<hbm>> -> memref<80xi32, #tpu.memory_space<hbm>>
          %dma_start3A_256 = tpu.memref_slice %arg4[%add3A_254] : memref<320000xi32, #tpu.memory_space<hbm>> -> memref<80xi32, #tpu.memory_space<hbm>>
          tpu.enqueue_dma source(%dma_start3A_256 : memref<80xi32, #tpu.memory_space<hbm>>) target(%arg10 : memref<80xi32, #tpu.memory_space<vmem>>) target_semaphore(%arg22 : memref<!tpu.dma_semaphore, #tpu.memory_space<semaphore_mem>>)
          %dma_start3A_257 = tpu.memref_slice %arg5[%add3A_254] : memref<320000xi32, #tpu.memory_space<hbm>> -> memref<80xi32, #tpu.memory_space<hbm>>
          %dma_start3A_258 = tpu.memref_slice %arg5[%add3A_254] : memref<320000xi32, #tpu.memory_space<hbm>> -> memref<80xi32, #tpu.memory_space<hbm>>
          tpu.enqueue_dma source(%dma_start3A_258 : memref<80xi32, #tpu.memory_space<hbm>>) target(%arg13 : memref<80xi32, #tpu.memory_space<vmem>>) target_semaphore(%arg25 : memref<!tpu.dma_semaphore, #tpu.memory_space<semaphore_mem>>)
          %jit3A_259 = arith.constant 2 : i32
          %div3A_260 = arith.divsi %add3A_254, %jit3A_259 : i32
          %sign3A_261 = arith.constant 0 : i32
          %sign3A_262 = arith.cmpi sgt, %add3A_254, %sign3A_261 : i32
          %sign3A_263 = arith.extui %sign3A_262 : i1 to i32
          %sign3A_264 = arith.constant 0 : i32
          %sign3A_265 = arith.cmpi slt, %add3A_254, %sign3A_264 : i32
          %sign3A_266 = arith.extui %sign3A_265 : i1 to i32
          %sign3A_267 = arith.subi %sign3A_263, %sign3A_266 : i32
          %sign3A_268 = arith.constant 0 : i32
          %sign3A_269 = arith.cmpi sgt, %jit3A_259, %sign3A_268 : i32
          %sign3A_270 = arith.extui %sign3A_269 : i1 to i32
          %sign3A_271 = arith.constant 0 : i32
          %sign3A_272 = arith.cmpi slt, %jit3A_259, %sign3A_271 : i32
          %sign3A_273 = arith.extui %sign3A_272 : i1 to i32
          %sign3A_274 = arith.subi %sign3A_270, %sign3A_273 : i32
          %ne3A_275 = arith.cmpi ne, %sign3A_267, %sign3A_274 : i32
          %rem3A_276 = arith.remsi %add3A_254, %jit3A_259 : i32
          %ne3A_277 = arith.constant 0 : i32
          %ne3A_278 = arith.cmpi ne, %rem3A_276, %ne3A_277 : i32
          %and3A_279 = arith.andi %ne3A_275, %ne3A_278 : i1
          %sub3A_280 = arith.constant 1 : i32
          %sub3A_281 = arith.subi %div3A_260, %sub3A_280 : i32
          %select_n3A_282 = arith.select %and3A_279, %sub3A_281, %div3A_260 : i32
          %multiple_of3A_283 = tpu.assume_multiple %select_n3A_282, 8 : i32
          %dma_start3A_284 = arith.constant 0 : i32
          %dma_start3A_285 = tpu.memref_slice %arg3[%multiple_of3A_283, %dma_start3A_284] : memref<160000x128xi32, #tpu.memory_space<hbm>> -> memref<40x128xi32, #tpu.memory_space<hbm>>
          %dma_start3A_286 = arith.constant 0 : i32
          %dma_start3A_287 = tpu.memref_slice %arg3[%multiple_of3A_283, %dma_start3A_286] : memref<160000x128xi32, #tpu.memory_space<hbm>> -> memref<40x128xi32, #tpu.memory_space<hbm>>
          tpu.enqueue_dma source(%dma_start3A_287 : memref<40x128xi32, #tpu.memory_space<hbm>>) target(%arg16 : memref<40x128xi32, #tpu.memory_space<vmem>>) target_semaphore(%arg28 : memref<!tpu.dma_semaphore, #tpu.memory_space<semaphore_mem>>)
        } else {
        }
        %mul3A_178 = arith.constant 160000 : i32
        %mul3A_179 = arith.muli %arg0, %mul3A_178 : i32
        %mul3A_180 = arith.constant 16 : i32
        %mul3A_181 = arith.muli %add3A_142, %mul3A_180 : i32
        %add3A_182 = arith.addi %arg1, %mul3A_181 : i32
        %mul3A_183 = arith.constant 80 : i32
        %mul3A_184 = arith.muli %add3A_182, %mul3A_183 : i32
        %add3A_185 = arith.addi %mul3A_179, %mul3A_184 : i32
        %dma_wait3A_186 = tpu.memref_slice %arg5[%add3A_185] : memref<320000xi32, #tpu.memory_space<hbm>> -> memref<80xi32, #tpu.memory_space<hbm>>
        %dma_wait3A_187 = tpu.memref_slice %arg5[%add3A_185] : memref<320000xi32, #tpu.memory_space<hbm>> -> memref<80xi32, #tpu.memory_space<hbm>>
        tpu.wait_dma2 semaphore(%arg23 : memref<!tpu.dma_semaphore, #tpu.memory_space<semaphore_mem>>) src(%dma_wait3A_187 : memref<80xi32, #tpu.memory_space<hbm>>) dst(%arg11 : memref<80xi32, #tpu.memory_space<vmem>>)
        %mul3A_188 = arith.constant 160000 : i32
        %mul3A_189 = arith.muli %arg0, %mul3A_188 : i32
        %mul3A_190 = arith.constant 16 : i32
        %mul3A_191 = arith.muli %add3A_142, %mul3A_190 : i32
        %add3A_192 = arith.addi %arg1, %mul3A_191 : i32
        %mul3A_193 = arith.constant 80 : i32
        %mul3A_194 = arith.muli %add3A_192, %mul3A_193 : i32
        %add3A_195 = arith.addi %mul3A_189, %mul3A_194 : i32
        %jit3A_196 = arith.constant 2 : i32
        %div3A_197 = arith.divsi %add3A_195, %jit3A_196 : i32
        %sign3A_198 = arith.constant 0 : i32
        %sign3A_199 = arith.cmpi sgt, %add3A_195, %sign3A_198 : i32
        %sign3A_200 = arith.extui %sign3A_199 : i1 to i32
        %sign3A_201 = arith.constant 0 : i32
        %sign3A_202 = arith.cmpi slt, %add3A_195, %sign3A_201 : i32
        %sign3A_203 = arith.extui %sign3A_202 : i1 to i32
        %sign3A_204 = arith.subi %sign3A_200, %sign3A_203 : i32
        %sign3A_205 = arith.constant 0 : i32
        %sign3A_206 = arith.cmpi sgt, %jit3A_196, %sign3A_205 : i32
        %sign3A_207 = arith.extui %sign3A_206 : i1 to i32
        %sign3A_208 = arith.constant 0 : i32
        %sign3A_209 = arith.cmpi slt, %jit3A_196, %sign3A_208 : i32
        %sign3A_210 = arith.extui %sign3A_209 : i1 to i32
        %sign3A_211 = arith.subi %sign3A_207, %sign3A_210 : i32
        %ne3A_212 = arith.cmpi ne, %sign3A_204, %sign3A_211 : i32
        %rem3A_213 = arith.remsi %add3A_195, %jit3A_196 : i32
        %ne3A_214 = arith.constant 0 : i32
        %ne3A_215 = arith.cmpi ne, %rem3A_213, %ne3A_214 : i32
        %and3A_216 = arith.andi %ne3A_212, %ne3A_215 : i1
        %sub3A_217 = arith.constant 1 : i32
        %sub3A_218 = arith.subi %div3A_197, %sub3A_217 : i32
        %select_n3A_219 = arith.select %and3A_216, %sub3A_218, %div3A_197 : i32
        %multiple_of3A_220 = tpu.assume_multiple %select_n3A_219, 8 : i32
        %dma_wait3A_221 = arith.constant 0 : i32
        %dma_wait3A_222 = tpu.memref_slice %arg3[%multiple_of3A_220, %dma_wait3A_221] : memref<160000x128xi32, #tpu.memory_space<hbm>> -> memref<40x128xi32, #tpu.memory_space<hbm>>
        %dma_wait3A_223 = arith.constant 0 : i32
        %dma_wait3A_224 = tpu.memref_slice %arg3[%multiple_of3A_220, %dma_wait3A_223] : memref<160000x128xi32, #tpu.memory_space<hbm>> -> memref<40x128xi32, #tpu.memory_space<hbm>>
        tpu.wait_dma2 semaphore(%arg26 : memref<!tpu.dma_semaphore, #tpu.memory_space<semaphore_mem>>) src(%dma_wait3A_224 : memref<40x128xi32, #tpu.memory_space<hbm>>) dst(%arg14 : memref<40x128xi32, #tpu.memory_space<vmem>>)
        %dma_wait3A_225 = arith.constant 0 : i32
        %dma_wait3A_226 = arith.constant 0 : i32
        %dma_wait3A_227 = tpu.memref_slice %arg2[%dma_wait3A_225, %dma_wait3A_226] : memref<10000x128xf32, #tpu.memory_space<hbm>> -> memref<10000x128xf32, #tpu.memory_space<hbm>>
        tpu.wait_indirect_dma semaphore(%arg29 : memref<!tpu.dma_semaphore, #tpu.memory_space<semaphore_mem>>) src(%dma_wait3A_227 : memref<10000x128xf32, #tpu.memory_space<hbm>>) dst(%arg17 : memref<80x128xf32, #tpu.memory_space<vmem>>)
        %scan3A_228 = arith.constant 0 : i32
        %scan3A_229 = arith.constant 0 : i32
        %scan3A_230 = arith.constant 40 : i32
        %scan3A_231 = arith.addi %scan3A_229, %scan3A_230 : i32
        %scan3A_232 = arith.constant 1 : i32
        %scan3A_233 = scf.for %scan3A_245 = %scan3A_229 to %scan3A_231 step %scan3A_232 iter_args(%scan3A_246 = %scan3A_228) -> (i32)  : i32 {
          %get3A = arith.index_cast %scan3A_245 : i32 to index
          %get3A_247 = arith.constant 0 : index
          %get3A_248 = tpu.vector_load %arg14[%get3A, %get3A_247] {strides = array<i32>} : memref<40x128xi32, #tpu.memory_space<vmem>>, vector<1x16xi32>,
          %get3A_249 = vector.shape_cast %get3A_248 : vector<1x16xi32> to vector<16xi32>
          %shift_left3A = arith.constant 16 : i32
          %shift_left3A_250 = vector.broadcast %shift_left3A : i32 to vector<16xi32>
          %shift_left3A_251 = arith.shli %get3A_249, %shift_left3A_250 : vector<16xi32>
          %bitcast_convert_type3A = tpu.bitcast %shift_left3A_251 : vector<16xi32> -> vector<16xf32>
          %and3A_252 = arith.constant -65536 : i32
          %and3A_253 = vector.broadcast %and3A_252 : i32 to vector<16xi32>
          %and3A_254 = arith.andi %get3A_249, %and3A_253 : vector<16xi32>
          %bitcast_convert_type3A_255 = tpu.bitcast %and3A_254 : vector<16xi32> -> vector<16xf32>
          %get3A_256 = arith.index_cast %scan3A_245 : i32 to index
          %get3A_257 = arith.constant 0 : index
          %get3A_258 = tpu.vector_load %arg17[%get3A_256, %get3A_257] {strides = array<i32>} : memref<80x128xf32, #tpu.memory_space<vmem>>, vector<1x16xf32>,
          %get3A_259 = vector.shape_cast %get3A_258 : vector<1x16xf32> to vector<16xf32>
          %mul3A_260 = arith.mulf %get3A_259, %bitcast_convert_type3A : vector<16xf32>
          %swap3A = arith.index_cast %scan3A_245 : i32 to index
          %swap3A_261 = arith.constant 0 : index
          %swap3A_262 = tpu.vector_load %arg17[%swap3A, %swap3A_261] {strides = array<i32>} : memref<80x128xf32, #tpu.memory_space<vmem>>, vector<1x16xf32>,
          %swap3A_263 = vector.shape_cast %swap3A_262 : vector<1x16xf32> to vector<16xf32>
          %swap3A_264 = vector.shape_cast %mul3A_260 : vector<16xf32> to vector<1x16xf32>
          tpu.vector_store %arg17[%swap3A, %swap3A_261], %swap3A_264 {strides = array<i32>} : memref<80x128xf32, #tpu.memory_space<vmem>>, vector<1x16xf32>,
          %add3A_265 = arith.constant 40 : i32
          %add3A_266 = arith.addi %scan3A_245, %add3A_265 : i32
          %get3A_267 = arith.index_cast %add3A_266 : i32 to index
          %get3A_268 = arith.constant 0 : index
          %get3A_269 = tpu.vector_load %arg17[%get3A_267, %get3A_268] {strides = array<i32>} : memref<80x128xf32, #tpu.memory_space<vmem>>, vector<1x16xf32>,
          %get3A_270 = vector.shape_cast %get3A_269 : vector<1x16xf32> to vector<16xf32>
          %mul3A_271 = arith.mulf %get3A_270, %bitcast_convert_type3A_255 : vector<16xf32>
          %add3A_272 = arith.constant 40 : i32
          %add3A_273 = arith.addi %scan3A_245, %add3A_272 : i32
          %swap3A_274 = arith.index_cast %add3A_273 : i32 to index
          %swap3A_275 = arith.constant 0 : index
          %swap3A_276 = tpu.vector_load %arg17[%swap3A_274, %swap3A_275] {strides = array<i32>} : memref<80x128xf32, #tpu.memory_space<vmem>>, vector<1x16xf32>,
          %swap3A_277 = vector.shape_cast %swap3A_276 : vector<1x16xf32> to vector<16xf32>
          %swap3A_278 = vector.shape_cast %mul3A_271 : vector<16xf32> to vector<1x16xf32>
          tpu.vector_store %arg17[%swap3A_274, %swap3A_275], %swap3A_278 {strides = array<i32>} : memref<80x128xf32, #tpu.memory_space<vmem>>, vector<1x16xf32>,
          %get3A_279 = arith.index_cast %scan3A_245 : i32 to index
          %get3A_280 = arith.constant 16 : index
          %get3A_281 = tpu.vector_load %arg14[%get3A_279, %get3A_280] {strides = array<i32>} : memref<40x128xi32, #tpu.memory_space<vmem>>, vector<1x16xi32>,
          %get3A_282 = vector.shape_cast %get3A_281 : vector<1x16xi32> to vector<16xi32>
          %shift_left3A_283 = arith.constant 16 : i32
          %shift_left3A_284 = vector.broadcast %shift_left3A_283 : i32 to vector<16xi32>
          %shift_left3A_285 = arith.shli %get3A_282, %shift_left3A_284 : vector<16xi32>
          %bitcast_convert_type3A_286 = tpu.bitcast %shift_left3A_285 : vector<16xi32> -> vector<16xf32>
          %and3A_287 = arith.constant -65536 : i32
          %and3A_288 = vector.broadcast %and3A_287 : i32 to vector<16xi32>
          %and3A_289 = arith.andi %get3A_282, %and3A_288 : vector<16xi32>
          %bitcast_convert_type3A_290 = tpu.bitcast %and3A_289 : vector<16xi32> -> vector<16xf32>
          %get3A_291 = arith.index_cast %scan3A_245 : i32 to index
          %get3A_292 = arith.constant 16 : index
          %get3A_293 = tpu.vector_load %arg17[%get3A_291, %get3A_292] {strides = array<i32>} : memref<80x128xf32, #tpu.memory_space<vmem>>, vector<1x16xf32>,
          %get3A_294 = vector.shape_cast %get3A_293 : vector<1x16xf32> to vector<16xf32>
          %mul3A_295 = arith.mulf %get3A_294, %bitcast_convert_type3A_286 : vector<16xf32>
          %swap3A_296 = arith.index_cast %scan3A_245 : i32 to index
          %swap3A_297 = arith.constant 16 : index
          %swap3A_298 = tpu.vector_load %arg17[%swap3A_296, %swap3A_297] {strides = array<i32>} : memref<80x128xf32, #tpu.memory_space<vmem>>, vector<1x16xf32>,
          %swap3A_299 = vector.shape_cast %swap3A_298 : vector<1x16xf32> to vector<16xf32>
          %swap3A_300 = vector.shape_cast %mul3A_295 : vector<16xf32> to vector<1x16xf32>
          tpu.vector_store %arg17[%swap3A_296, %swap3A_297], %swap3A_300 {strides = array<i32>} : memref<80x128xf32, #tpu.memory_space<vmem>>, vector<1x16xf32>,
          %add3A_301 = arith.constant 40 : i32
          %add3A_302 = arith.addi %scan3A_245, %add3A_301 : i32
          %get3A_303 = arith.index_cast %add3A_302 : i32 to index
          %get3A_304 = arith.constant 16 : index
          %get3A_305 = tpu.vector_load %arg17[%get3A_303, %get3A_304] {strides = array<i32>} : memref<80x128xf32, #tpu.memory_space<vmem>>, vector<1x16xf32>,
          %get3A_306 = vector.shape_cast %get3A_305 : vector<1x16xf32> to vector<16xf32>
          %mul3A_307 = arith.mulf %get3A_306, %bitcast_convert_type3A_290 : vector<16xf32>
          %add3A_308 = arith.constant 40 : i32
          %add3A_309 = arith.addi %scan3A_245, %add3A_308 : i32
          %swap3A_310 = arith.index_cast %add3A_309 : i32 to index
          %swap3A_311 = arith.constant 16 : index
          %swap3A_312 = tpu.vector_load %arg17[%swap3A_310, %swap3A_311] {strides = array<i32>} : memref<80x128xf32, #tpu.memory_space<vmem>>, vector<1x16xf32>,
          %swap3A_313 = vector.shape_cast %swap3A_312 : vector<1x16xf32> to vector<16xf32>
          %swap3A_314 = vector.shape_cast %mul3A_307 : vector<16xf32> to vector<1x16xf32>
          tpu.vector_store %arg17[%swap3A_310, %swap3A_311], %swap3A_314 {strides = array<i32>} : memref<80x128xf32, #tpu.memory_space<vmem>>, vector<1x16xf32>,
          %get3A_315 = arith.index_cast %scan3A_245 : i32 to index
          %get3A_316 = arith.constant 32 : index
          %get3A_317 = tpu.vector_load %arg14[%get3A_315, %get3A_316] {strides = array<i32>} : memref<40x128xi32, #tpu.memory_space<vmem>>, vector<1x16xi32>,
          %get3A_318 = vector.shape_cast %get3A_317 : vector<1x16xi32> to vector<16xi32>
          %shift_left3A_319 = arith.constant 16 : i32
          %shift_left3A_320 = vector.broadcast %shift_left3A_319 : i32 to vector<16xi32>
          %shift_left3A_321 = arith.shli %get3A_318, %shift_left3A_320 : vector<16xi32>
          %bitcast_convert_type3A_322 = tpu.bitcast %shift_left3A_321 : vector<16xi32> -> vector<16xf32>
          %and3A_323 = arith.constant -65536 : i32
          %and3A_324 = vector.broadcast %and3A_323 : i32 to vector<16xi32>
          %and3A_325 = arith.andi %get3A_318, %and3A_324 : vector<16xi32>
          %bitcast_convert_type3A_326 = tpu.bitcast %and3A_325 : vector<16xi32> -> vector<16xf32>
          %get3A_327 = arith.index_cast %scan3A_245 : i32 to index
          %get3A_328 = arith.constant 32 : index
          %get3A_329 = tpu.vector_load %arg17[%get3A_327, %get3A_328] {strides = array<i32>} : memref<80x128xf32, #tpu.memory_space<vmem>>, vector<1x16xf32>,
          %get3A_330 = vector.shape_cast %get3A_329 : vector<1x16xf32> to vector<16xf32>
          %mul3A_331 = arith.mulf %get3A_330, %bitcast_convert_type3A_322 : vector<16xf32>
          %swap3A_332 = arith.index_cast %scan3A_245 : i32 to index
          %swap3A_333 = arith.constant 32 : index
          %swap3A_334 = tpu.vector_load %arg17[%swap3A_332, %swap3A_333] {strides = array<i32>} : memref<80x128xf32, #tpu.memory_space<vmem>>, vector<1x16xf32>,
          %swap3A_335 = vector.shape_cast %swap3A_334 : vector<1x16xf32> to vector<16xf32>
          %swap3A_336 = vector.shape_cast %mul3A_331 : vector<16xf32> to vector<1x16xf32>
          tpu.vector_store %arg17[%swap3A_332, %swap3A_333], %swap3A_336 {strides = array<i32>} : memref<80x128xf32, #tpu.memory_space<vmem>>, vector<1x16xf32>,
          %add3A_337 = arith.constant 40 : i32
          %add3A_338 = arith.addi %scan3A_245, %add3A_337 : i32
          %get3A_339 = arith.index_cast %add3A_338 : i32 to index
          %get3A_340 = arith.constant 32 : index
          %get3A_341 = tpu.vector_load %arg17[%get3A_339, %get3A_340] {strides = array<i32>} : memref<80x128xf32, #tpu.memory_space<vmem>>, vector<1x16xf32>,
          %get3A_342 = vector.shape_cast %get3A_341 : vector<1x16xf32> to vector<16xf32>
          %mul3A_343 = arith.mulf %get3A_342, %bitcast_convert_type3A_326 : vector<16xf32>
          %add3A_344 = arith.constant 40 : i32
          %add3A_345 = arith.addi %scan3A_245, %add3A_344 : i32
          %swap3A_346 = arith.index_cast %add3A_345 : i32 to index
          %swap3A_347 = arith.constant 32 : index
          %swap3A_348 = tpu.vector_load %arg17[%swap3A_346, %swap3A_347] {strides = array<i32>} : memref<80x128xf32, #tpu.memory_space<vmem>>, vector<1x16xf32>,
          %swap3A_349 = vector.shape_cast %swap3A_348 : vector<1x16xf32> to vector<16xf32>
          %swap3A_350 = vector.shape_cast %mul3A_343 : vector<16xf32> to vector<1x16xf32>
          tpu.vector_store %arg17[%swap3A_346, %swap3A_347], %swap3A_350 {strides = array<i32>} : memref<80x128xf32, #tpu.memory_space<vmem>>, vector<1x16xf32>,
          %get3A_351 = arith.index_cast %scan3A_245 : i32 to index
          %get3A_352 = arith.constant 48 : index
          %get3A_353 = tpu.vector_load %arg14[%get3A_351, %get3A_352] {strides = array<i32>} : memref<40x128xi32, #tpu.memory_space<vmem>>, vector<1x16xi32>,
          %get3A_354 = vector.shape_cast %get3A_353 : vector<1x16xi32> to vector<16xi32>
          %shift_left3A_355 = arith.constant 16 : i32
          %shift_left3A_356 = vector.broadcast %shift_left3A_355 : i32 to vector<16xi32>
          %shift_left3A_357 = arith.shli %get3A_354, %shift_left3A_356 : vector<16xi32>
          %bitcast_convert_type3A_358 = tpu.bitcast %shift_left3A_357 : vector<16xi32> -> vector<16xf32>
          %and3A_359 = arith.constant -65536 : i32
          %and3A_360 = vector.broadcast %and3A_359 : i32 to vector<16xi32>
          %and3A_361 = arith.andi %get3A_354, %and3A_360 : vector<16xi32>
          %bitcast_convert_type3A_362 = tpu.bitcast %and3A_361 : vector<16xi32> -> vector<16xf32>
          %get3A_363 = arith.index_cast %scan3A_245 : i32 to index
          %get3A_364 = arith.constant 48 : index
          %get3A_365 = tpu.vector_load %arg17[%get3A_363, %get3A_364] {strides = array<i32>} : memref<80x128xf32, #tpu.memory_space<vmem>>, vector<1x16xf32>,
          %get3A_366 = vector.shape_cast %get3A_365 : vector<1x16xf32> to vector<16xf32>
          %mul3A_367 = arith.mulf %get3A_366, %bitcast_convert_type3A_358 : vector<16xf32>
          %swap3A_368 = arith.index_cast %scan3A_245 : i32 to index
          %swap3A_369 = arith.constant 48 : index
          %swap3A_370 = tpu.vector_load %arg17[%swap3A_368, %swap3A_369] {strides = array<i32>} : memref<80x128xf32, #tpu.memory_space<vmem>>, vector<1x16xf32>,
          %swap3A_371 = vector.shape_cast %swap3A_370 : vector<1x16xf32> to vector<16xf32>
          %swap3A_372 = vector.shape_cast %mul3A_367 : vector<16xf32> to vector<1x16xf32>
          tpu.vector_store %arg17[%swap3A_368, %swap3A_369], %swap3A_372 {strides = array<i32>} : memref<80x128xf32, #tpu.memory_space<vmem>>, vector<1x16xf32>,
          %add3A_373 = arith.constant 40 : i32
          %add3A_374 = arith.addi %scan3A_245, %add3A_373 : i32
          %get3A_375 = arith.index_cast %add3A_374 : i32 to index
          %get3A_376 = arith.constant 48 : index
          %get3A_377 = tpu.vector_load %arg17[%get3A_375, %get3A_376] {strides = array<i32>} : memref<80x128xf32, #tpu.memory_space<vmem>>, vector<1x16xf32>,
          %get3A_378 = vector.shape_cast %get3A_377 : vector<1x16xf32> to vector<16xf32>
          %mul3A_379 = arith.mulf %get3A_378, %bitcast_convert_type3A_362 : vector<16xf32>
          %add3A_380 = arith.constant 40 : i32
          %add3A_381 = arith.addi %scan3A_245, %add3A_380 : i32
          %swap3A_382 = arith.index_cast %add3A_381 : i32 to index
          %swap3A_383 = arith.constant 48 : index
          %swap3A_384 = tpu.vector_load %arg17[%swap3A_382, %swap3A_383] {strides = array<i32>} : memref<80x128xf32, #tpu.memory_space<vmem>>, vector<1x16xf32>,
          %swap3A_385 = vector.shape_cast %swap3A_384 : vector<1x16xf32> to vector<16xf32>
          %swap3A_386 = vector.shape_cast %mul3A_379 : vector<16xf32> to vector<1x16xf32>
          tpu.vector_store %arg17[%swap3A_382, %swap3A_383], %swap3A_386 {strides = array<i32>} : memref<80x128xf32, #tpu.memory_space<vmem>>, vector<1x16xf32>,
          %get3A_387 = arith.index_cast %scan3A_245 : i32 to index
          %get3A_388 = arith.constant 64 : index
          %get3A_389 = tpu.vector_load %arg14[%get3A_387, %get3A_388] {strides = array<i32>} : memref<40x128xi32, #tpu.memory_space<vmem>>, vector<1x16xi32>,
          %get3A_390 = vector.shape_cast %get3A_389 : vector<1x16xi32> to vector<16xi32>
          %shift_left3A_391 = arith.constant 16 : i32
          %shift_left3A_392 = vector.broadcast %shift_left3A_391 : i32 to vector<16xi32>
          %shift_left3A_393 = arith.shli %get3A_390, %shift_left3A_392 : vector<16xi32>
          %bitcast_convert_type3A_394 = tpu.bitcast %shift_left3A_393 : vector<16xi32> -> vector<16xf32>
          %and3A_395 = arith.constant -65536 : i32
          %and3A_396 = vector.broadcast %and3A_395 : i32 to vector<16xi32>
          %and3A_397 = arith.andi %get3A_390, %and3A_396 : vector<16xi32>
          %bitcast_convert_type3A_398 = tpu.bitcast %and3A_397 : vector<16xi32> -> vector<16xf32>
          %get3A_399 = arith.index_cast %scan3A_245 : i32 to index
          %get3A_400 = arith.constant 64 : index
          %get3A_401 = tpu.vector_load %arg17[%get3A_399, %get3A_400] {strides = array<i32>} : memref<80x128xf32, #tpu.memory_space<vmem>>, vector<1x16xf32>,
          %get3A_402 = vector.shape_cast %get3A_401 : vector<1x16xf32> to vector<16xf32>
          %mul3A_403 = arith.mulf %get3A_402, %bitcast_convert_type3A_394 : vector<16xf32>
          %swap3A_404 = arith.index_cast %scan3A_245 : i32 to index
          %swap3A_405 = arith.constant 64 : index
          %swap3A_406 = tpu.vector_load %arg17[%swap3A_404, %swap3A_405] {strides = array<i32>} : memref<80x128xf32, #tpu.memory_space<vmem>>, vector<1x16xf32>,
          %swap3A_407 = vector.shape_cast %swap3A_406 : vector<1x16xf32> to vector<16xf32>
          %swap3A_408 = vector.shape_cast %mul3A_403 : vector<16xf32> to vector<1x16xf32>
          tpu.vector_store %arg17[%swap3A_404, %swap3A_405], %swap3A_408 {strides = array<i32>} : memref<80x128xf32, #tpu.memory_space<vmem>>, vector<1x16xf32>,
          %add3A_409 = arith.constant 40 : i32
          %add3A_410 = arith.addi %scan3A_245, %add3A_409 : i32
          %get3A_411 = arith.index_cast %add3A_410 : i32 to index
          %get3A_412 = arith.constant 64 : index
          %get3A_413 = tpu.vector_load %arg17[%get3A_411, %get3A_412] {strides = array<i32>} : memref<80x128xf32, #tpu.memory_space<vmem>>, vector<1x16xf32>,
          %get3A_414 = vector.shape_cast %get3A_413 : vector<1x16xf32> to vector<16xf32>
          %mul3A_415 = arith.mulf %get3A_414, %bitcast_convert_type3A_398 : vector<16xf32>
          %add3A_416 = arith.constant 40 : i32
          %add3A_417 = arith.addi %scan3A_245, %add3A_416 : i32
          %swap3A_418 = arith.index_cast %add3A_417 : i32 to index
          %swap3A_419 = arith.constant 64 : index
          %swap3A_420 = tpu.vector_load %arg17[%swap3A_418, %swap3A_419] {strides = array<i32>} : memref<80x128xf32, #tpu.memory_space<vmem>>, vector<1x16xf32>,
          %swap3A_421 = vector.shape_cast %swap3A_420 : vector<1x16xf32> to vector<16xf32>
          %swap3A_422 = vector.shape_cast %mul3A_415 : vector<16xf32> to vector<1x16xf32>
          tpu.vector_store %arg17[%swap3A_418, %swap3A_419], %swap3A_422 {strides = array<i32>} : memref<80x128xf32, #tpu.memory_space<vmem>>, vector<1x16xf32>,
          %get3A_423 = arith.index_cast %scan3A_245 : i32 to index
          %get3A_424 = arith.constant 80 : index
          %get3A_425 = tpu.vector_load %arg14[%get3A_423, %get3A_424] {strides = array<i32>} : memref<40x128xi32, #tpu.memory_space<vmem>>, vector<1x16xi32>,
          %get3A_426 = vector.shape_cast %get3A_425 : vector<1x16xi32> to vector<16xi32>
          %shift_left3A_427 = arith.constant 16 : i32
          %shift_left3A_428 = vector.broadcast %shift_left3A_427 : i32 to vector<16xi32>
          %shift_left3A_429 = arith.shli %get3A_426, %shift_left3A_428 : vector<16xi32>
          %bitcast_convert_type3A_430 = tpu.bitcast %shift_left3A_429 : vector<16xi32> -> vector<16xf32>
          %and3A_431 = arith.constant -65536 : i32
          %and3A_432 = vector.broadcast %and3A_431 : i32 to vector<16xi32>
          %and3A_433 = arith.andi %get3A_426, %and3A_432 : vector<16xi32>
          %bitcast_convert_type3A_434 = tpu.bitcast %and3A_433 : vector<16xi32> -> vector<16xf32>
          %get3A_435 = arith.index_cast %scan3A_245 : i32 to index
          %get3A_436 = arith.constant 80 : index
          %get3A_437 = tpu.vector_load %arg17[%get3A_435, %get3A_436] {strides = array<i32>} : memref<80x128xf32, #tpu.memory_space<vmem>>, vector<1x16xf32>,
          %get3A_438 = vector.shape_cast %get3A_437 : vector<1x16xf32> to vector<16xf32>
          %mul3A_439 = arith.mulf %get3A_438, %bitcast_convert_type3A_430 : vector<16xf32>
          %swap3A_440 = arith.index_cast %scan3A_245 : i32 to index
          %swap3A_441 = arith.constant 80 : index
          %swap3A_442 = tpu.vector_load %arg17[%swap3A_440, %swap3A_441] {strides = array<i32>} : memref<80x128xf32, #tpu.memory_space<vmem>>, vector<1x16xf32>,
          %swap3A_443 = vector.shape_cast %swap3A_442 : vector<1x16xf32> to vector<16xf32>
          %swap3A_444 = vector.shape_cast %mul3A_439 : vector<16xf32> to vector<1x16xf32>
          tpu.vector_store %arg17[%swap3A_440, %swap3A_441], %swap3A_444 {strides = array<i32>} : memref<80x128xf32, #tpu.memory_space<vmem>>, vector<1x16xf32>,
          %add3A_445 = arith.constant 40 : i32
          %add3A_446 = arith.addi %scan3A_245, %add3A_445 : i32
          %get3A_447 = arith.index_cast %add3A_446 : i32 to index
          %get3A_448 = arith.constant 80 : index
          %get3A_449 = tpu.vector_load %arg17[%get3A_447, %get3A_448] {strides = array<i32>} : memref<80x128xf32, #tpu.memory_space<vmem>>, vector<1x16xf32>,
          %get3A_450 = vector.shape_cast %get3A_449 : vector<1x16xf32> to vector<16xf32>
          %mul3A_451 = arith.mulf %get3A_450, %bitcast_convert_type3A_434 : vector<16xf32>
          %add3A_452 = arith.constant 40 : i32
          %add3A_453 = arith.addi %scan3A_245, %add3A_452 : i32
          %swap3A_454 = arith.index_cast %add3A_453 : i32 to index
          %swap3A_455 = arith.constant 80 : index
          %swap3A_456 = tpu.vector_load %arg17[%swap3A_454, %swap3A_455] {strides = array<i32>} : memref<80x128xf32, #tpu.memory_space<vmem>>, vector<1x16xf32>,
          %swap3A_457 = vector.shape_cast %swap3A_456 : vector<1x16xf32> to vector<16xf32>
          %swap3A_458 = vector.shape_cast %mul3A_451 : vector<16xf32> to vector<1x16xf32>
          tpu.vector_store %arg17[%swap3A_454, %swap3A_455], %swap3A_458 {strides = array<i32>} : memref<80x128xf32, #tpu.memory_space<vmem>>, vector<1x16xf32>,
          %get3A_459 = arith.index_cast %scan3A_245 : i32 to index
          %get3A_460 = arith.constant 96 : index
          %get3A_461 = tpu.vector_load %arg14[%get3A_459, %get3A_460] {strides = array<i32>} : memref<40x128xi32, #tpu.memory_space<vmem>>, vector<1x16xi32>,
          %get3A_462 = vector.shape_cast %get3A_461 : vector<1x16xi32> to vector<16xi32>
          %shift_left3A_463 = arith.constant 16 : i32
          %shift_left3A_464 = vector.broadcast %shift_left3A_463 : i32 to vector<16xi32>
          %shift_left3A_465 = arith.shli %get3A_462, %shift_left3A_464 : vector<16xi32>
          %bitcast_convert_type3A_466 = tpu.bitcast %shift_left3A_465 : vector<16xi32> -> vector<16xf32>
          %and3A_467 = arith.constant -65536 : i32
          %and3A_468 = vector.broadcast %and3A_467 : i32 to vector<16xi32>
          %and3A_469 = arith.andi %get3A_462, %and3A_468 : vector<16xi32>
          %bitcast_convert_type3A_470 = tpu.bitcast %and3A_469 : vector<16xi32> -> vector<16xf32>
          %get3A_471 = arith.index_cast %scan3A_245 : i32 to index
          %get3A_472 = arith.constant 96 : index
          %get3A_473 = tpu.vector_load %arg17[%get3A_471, %get3A_472] {strides = array<i32>} : memref<80x128xf32, #tpu.memory_space<vmem>>, vector<1x16xf32>,
          %get3A_474 = vector.shape_cast %get3A_473 : vector<1x16xf32> to vector<16xf32>
          %mul3A_475 = arith.mulf %get3A_474, %bitcast_convert_type3A_466 : vector<16xf32>
          %swap3A_476 = arith.index_cast %scan3A_245 : i32 to index
          %swap3A_477 = arith.constant 96 : index
          %swap3A_478 = tpu.vector_load %arg17[%swap3A_476, %swap3A_477] {strides = array<i32>} : memref<80x128xf32, #tpu.memory_space<vmem>>, vector<1x16xf32>,
          %swap3A_479 = vector.shape_cast %swap3A_478 : vector<1x16xf32> to vector<16xf32>
          %swap3A_480 = vector.shape_cast %mul3A_475 : vector<16xf32> to vector<1x16xf32>
          tpu.vector_store %arg17[%swap3A_476, %swap3A_477], %swap3A_480 {strides = array<i32>} : memref<80x128xf32, #tpu.memory_space<vmem>>, vector<1x16xf32>,
          %add3A_481 = arith.constant 40 : i32
          %add3A_482 = arith.addi %scan3A_245, %add3A_481 : i32
          %get3A_483 = arith.index_cast %add3A_482 : i32 to index
          %get3A_484 = arith.constant 96 : index
          %get3A_485 = tpu.vector_load %arg17[%get3A_483, %get3A_484] {strides = array<i32>} : memref<80x128xf32, #tpu.memory_space<vmem>>, vector<1x16xf32>,
          %get3A_486 = vector.shape_cast %get3A_485 : vector<1x16xf32> to vector<16xf32>
          %mul3A_487 = arith.mulf %get3A_486, %bitcast_convert_type3A_470 : vector<16xf32>
          %add3A_488 = arith.constant 40 : i32
          %add3A_489 = arith.addi %scan3A_245, %add3A_488 : i32
          %swap3A_490 = arith.index_cast %add3A_489 : i32 to index
          %swap3A_491 = arith.constant 96 : index
          %swap3A_492 = tpu.vector_load %arg17[%swap3A_490, %swap3A_491] {strides = array<i32>} : memref<80x128xf32, #tpu.memory_space<vmem>>, vector<1x16xf32>,
          %swap3A_493 = vector.shape_cast %swap3A_492 : vector<1x16xf32> to vector<16xf32>
          %swap3A_494 = vector.shape_cast %mul3A_487 : vector<16xf32> to vector<1x16xf32>
          tpu.vector_store %arg17[%swap3A_490, %swap3A_491], %swap3A_494 {strides = array<i32>} : memref<80x128xf32, #tpu.memory_space<vmem>>, vector<1x16xf32>,
          %get3A_495 = arith.index_cast %scan3A_245 : i32 to index
          %get3A_496 = arith.constant 112 : index
          %get3A_497 = tpu.vector_load %arg14[%get3A_495, %get3A_496] {strides = array<i32>} : memref<40x128xi32, #tpu.memory_space<vmem>>, vector<1x16xi32>,
          %get3A_498 = vector.shape_cast %get3A_497 : vector<1x16xi32> to vector<16xi32>
          %shift_left3A_499 = arith.constant 16 : i32
          %shift_left3A_500 = vector.broadcast %shift_left3A_499 : i32 to vector<16xi32>
          %shift_left3A_501 = arith.shli %get3A_498, %shift_left3A_500 : vector<16xi32>
          %bitcast_convert_type3A_502 = tpu.bitcast %shift_left3A_501 : vector<16xi32> -> vector<16xf32>
          %and3A_503 = arith.constant -65536 : i32
          %and3A_504 = vector.broadcast %and3A_503 : i32 to vector<16xi32>
          %and3A_505 = arith.andi %get3A_498, %and3A_504 : vector<16xi32>
          %bitcast_convert_type3A_506 = tpu.bitcast %and3A_505 : vector<16xi32> -> vector<16xf32>
          %get3A_507 = arith.index_cast %scan3A_245 : i32 to index
          %get3A_508 = arith.constant 112 : index
          %get3A_509 = tpu.vector_load %arg17[%get3A_507, %get3A_508] {strides = array<i32>} : memref<80x128xf32, #tpu.memory_space<vmem>>, vector<1x16xf32>,
          %get3A_510 = vector.shape_cast %get3A_509 : vector<1x16xf32> to vector<16xf32>
          %mul3A_511 = arith.mulf %get3A_510, %bitcast_convert_type3A_502 : vector<16xf32>
          %swap3A_512 = arith.index_cast %scan3A_245 : i32 to index
          %swap3A_513 = arith.constant 112 : index
          %swap3A_514 = tpu.vector_load %arg17[%swap3A_512, %swap3A_513] {strides = array<i32>} : memref<80x128xf32, #tpu.memory_space<vmem>>, vector<1x16xf32>,
          %swap3A_515 = vector.shape_cast %swap3A_514 : vector<1x16xf32> to vector<16xf32>
          %swap3A_516 = vector.shape_cast %mul3A_511 : vector<16xf32> to vector<1x16xf32>
          tpu.vector_store %arg17[%swap3A_512, %swap3A_513], %swap3A_516 {strides = array<i32>} : memref<80x128xf32, #tpu.memory_space<vmem>>, vector<1x16xf32>,
          %add3A_517 = arith.constant 40 : i32
          %add3A_518 = arith.addi %scan3A_245, %add3A_517 : i32
          %get3A_519 = arith.index_cast %add3A_518 : i32 to index
          %get3A_520 = arith.constant 112 : index
          %get3A_521 = tpu.vector_load %arg17[%get3A_519, %get3A_520] {strides = array<i32>} : memref<80x128xf32, #tpu.memory_space<vmem>>, vector<1x16xf32>,
          %get3A_522 = vector.shape_cast %get3A_521 : vector<1x16xf32> to vector<16xf32>
          %mul3A_523 = arith.mulf %get3A_522, %bitcast_convert_type3A_506 : vector<16xf32>
          %add3A_524 = arith.constant 40 : i32
          %add3A_525 = arith.addi %scan3A_245, %add3A_524 : i32
          %swap3A_526 = arith.index_cast %add3A_525 : i32 to index
          %swap3A_527 = arith.constant 112 : index
          %swap3A_528 = tpu.vector_load %arg17[%swap3A_526, %swap3A_527] {strides = array<i32>} : memref<80x128xf32, #tpu.memory_space<vmem>>, vector<1x16xf32>,
          %swap3A_529 = vector.shape_cast %swap3A_528 : vector<1x16xf32> to vector<16xf32>
          %swap3A_530 = vector.shape_cast %mul3A_523 : vector<16xf32> to vector<1x16xf32>
          tpu.vector_store %arg17[%swap3A_526, %swap3A_527], %swap3A_530 {strides = array<i32>} : memref<80x128xf32, #tpu.memory_space<vmem>>, vector<1x16xf32>,
          %scan3A_531 = arith.constant 0 : i32
          scf.yield %scan3A_531 : i32
        }
        %scan3A_234 = arith.constant 40 : i32
        %add3A_235 = arith.constant 2 : i32
        %add3A_236 = arith.addi %add3A_142, %add3A_235 : i32
        %lt3A_237 = arith.constant 125 : i32
        %lt3A_238 = arith.cmpi slt, %add3A_236, %lt3A_237 : i32
        %convert_element_type3A_239 = arith.extui %lt3A_238 : i1 to i32
        %cond3A_240 = arith.constant 0 : i32
        %cond3A_241 = arith.cmpi ne, %convert_element_type3A_239, %cond3A_240 : i32
        scf.if %cond3A_241 {
          %add3A_245 = arith.constant 2 : i32
          %add3A_246 = arith.addi %add3A_142, %add3A_245 : i32
          %mul3A_247 = arith.constant 160000 : i32
          %mul3A_248 = arith.muli %arg0, %mul3A_247 : i32
          %mul3A_249 = arith.constant 16 : i32
          %mul3A_250 = arith.muli %add3A_246, %mul3A_249 : i32
          %add3A_251 = arith.addi %arg1, %mul3A_250 : i32
          %mul3A_252 = arith.constant 80 : i32
          %mul3A_253 = arith.muli %add3A_251, %mul3A_252 : i32
          %add3A_254 = arith.addi %mul3A_248, %mul3A_253 : i32
          %dma_wait3A_255 = tpu.memref_slice %arg4[%add3A_254] : memref<320000xi32, #tpu.memory_space<hbm>> -> memref<80xi32, #tpu.memory_space<hbm>>
          %dma_wait3A_256 = tpu.memref_slice %arg4[%add3A_254] : memref<320000xi32, #tpu.memory_space<hbm>> -> memref<80xi32, #tpu.memory_space<hbm>>
          tpu.wait_dma2 semaphore(%arg22 : memref<!tpu.dma_semaphore, #tpu.memory_space<semaphore_mem>>) src(%dma_wait3A_256 : memref<80xi32, #tpu.memory_space<hbm>>) dst(%arg10 : memref<80xi32, #tpu.memory_space<vmem>>)
          %dma_start3A_257 = arith.constant 0 : i32
          %dma_start3A_258 = arith.constant 0 : i32
          %dma_start3A_259 = tpu.memref_slice %arg2[%dma_start3A_257, %dma_start3A_258] : memref<10000x128xf32, #tpu.memory_space<hbm>> -> memref<10000x128xf32, #tpu.memory_space<hbm>>
          tpu.enqueue_indirect_dma source(%dma_start3A_259 : memref<10000x128xf32, #tpu.memory_space<hbm>>) target(%arg19 : memref<80x128xf32, #tpu.memory_space<vmem>>) offsets(%arg10 : memref<80xi32, #tpu.memory_space<vmem>>) semaphore(%arg31 : memref<!tpu.dma_semaphore, #tpu.memory_space<semaphore_mem>>)
        } else {
        }
        %dma_start3A_242 = arith.constant 0 : i32
        %dma_start3A_243 = arith.constant 0 : i32
        %dma_start3A_244 = tpu.memref_slice %arg7[%dma_start3A_242, %dma_start3A_243] : memref<10000x128xf32, #tpu.memory_space<vmem_shared>> -> memref<10000x128xf32, #tpu.memory_space<vmem_shared>>
        tpu.enqueue_indirect_dma source(%arg17 : memref<80x128xf32, #tpu.memory_space<vmem>>) target(%dma_start3A_244 : memref<10000x128xf32, #tpu.memory_space<vmem_shared>>) offsets(%arg11 : memref<80xi32, #tpu.memory_space<vmem>>) semaphore(%arg32 : memref<!tpu.dma_semaphore, #tpu.memory_space<semaphore_mem>>) {add = true}
      } else {
      }
      %mul3A_148 = arith.constant 3 : i32
      %mul3A_149 = arith.muli %mul3A_148, %scan3A_137 : i32
      %add3A_150 = arith.constant 1 : i32
      %add3A_151 = arith.addi %mul3A_149, %add3A_150 : i32
      %lt3A_152 = arith.constant 125 : i32
      %lt3A_153 = arith.cmpi slt, %add3A_151, %lt3A_152 : i32
      %convert_element_type3A_154 = arith.extui %lt3A_153 : i1 to i32
      %cond3A_155 = arith.constant 0 : i32
      %cond3A_156 = arith.cmpi ne, %convert_element_type3A_154, %cond3A_155 : i32
      scf.if %cond3A_156 {
        %ge3A = arith.constant 1 : i32
        %ge3A_167 = arith.cmpi sge, %add3A_151, %ge3A : i32
        %convert_element_type3A_168 = arith.extui %ge3A_167 : i1 to i32
        %cond3A_169 = arith.constant 0 : i32
        %cond3A_170 = arith.cmpi ne, %convert_element_type3A_168, %cond3A_169 : i32
        scf.if %cond3A_170 {
          %dma_wait3A_245 = arith.constant 0 : i32
          %dma_wait3A_246 = arith.constant 0 : i32
          %dma_wait3A_247 = tpu.memref_slice %arg7[%dma_wait3A_245, %dma_wait3A_246] : memref<10000x128xf32, #tpu.memory_space<vmem_shared>> -> memref<10000x128xf32, #tpu.memory_space<vmem_shared>>
          tpu.wait_indirect_dma semaphore(%arg32 : memref<!tpu.dma_semaphore, #tpu.memory_space<semaphore_mem>>) src(%arg17 : memref<80x128xf32, #tpu.memory_space<vmem>>) dst(%dma_wait3A_247 : memref<10000x128xf32, #tpu.memory_space<vmem_shared>>)
        } else {
        }
        %add3A_171 = arith.constant 2 : i32
        %add3A_172 = arith.addi %add3A_151, %add3A_171 : i32
        %lt3A_173 = arith.constant 125 : i32
        %lt3A_174 = arith.cmpi slt, %add3A_172, %lt3A_173 : i32
        %convert_element_type3A_175 = arith.extui %lt3A_174 : i1 to i32
        %cond3A_176 = arith.constant 0 : i32
        %cond3A_177 = arith.cmpi ne, %convert_element_type3A_175, %cond3A_176 : i32
        scf.if %cond3A_177 {
          %add3A_245 = arith.constant 2 : i32
          %add3A_246 = arith.addi %add3A_151, %add3A_245 : i32
          %mul3A_247 = arith.constant 160000 : i32
          %mul3A_248 = arith.muli %arg0, %mul3A_247 : i32
          %mul3A_249 = arith.constant 16 : i32
          %mul3A_250 = arith.muli %add3A_246, %mul3A_249 : i32
          %add3A_251 = arith.addi %arg1, %mul3A_250 : i32
          %mul3A_252 = arith.constant 80 : i32
          %mul3A_253 = arith.muli %add3A_251, %mul3A_252 : i32
          %add3A_254 = arith.addi %mul3A_248, %mul3A_253 : i32
          %dma_start3A_255 = tpu.memref_slice %arg4[%add3A_254] : memref<320000xi32, #tpu.memory_space<hbm>> -> memref<80xi32, #tpu.memory_space<hbm>>
          %dma_start3A_256 = tpu.memref_slice %arg4[%add3A_254] : memref<320000xi32, #tpu.memory_space<hbm>> -> memref<80xi32, #tpu.memory_space<hbm>>
          tpu.enqueue_dma source(%dma_start3A_256 : memref<80xi32, #tpu.memory_space<hbm>>) target(%arg8 : memref<80xi32, #tpu.memory_space<vmem>>) target_semaphore(%arg20 : memref<!tpu.dma_semaphore, #tpu.memory_space<semaphore_mem>>)
          %dma_start3A_257 = tpu.memref_slice %arg5[%add3A_254] : memref<320000xi32, #tpu.memory_space<hbm>> -> memref<80xi32, #tpu.memory_space<hbm>>
          %dma_start3A_258 = tpu.memref_slice %arg5[%add3A_254] : memref<320000xi32, #tpu.memory_space<hbm>> -> memref<80xi32, #tpu.memory_space<hbm>>
          tpu.enqueue_dma source(%dma_start3A_258 : memref<80xi32, #tpu.memory_space<hbm>>) target(%arg11 : memref<80xi32, #tpu.memory_space<vmem>>) target_semaphore(%arg23 : memref<!tpu.dma_semaphore, #tpu.memory_space<semaphore_mem>>)
          %jit3A_259 = arith.constant 2 : i32
          %div3A_260 = arith.divsi %add3A_254, %jit3A_259 : i32
          %sign3A_261 = arith.constant 0 : i32
          %sign3A_262 = arith.cmpi sgt, %add3A_254, %sign3A_261 : i32
          %sign3A_263 = arith.extui %sign3A_262 : i1 to i32
          %sign3A_264 = arith.constant 0 : i32
          %sign3A_265 = arith.cmpi slt, %add3A_254, %sign3A_264 : i32
          %sign3A_266 = arith.extui %sign3A_265 : i1 to i32
          %sign3A_267 = arith.subi %sign3A_263, %sign3A_266 : i32
          %sign3A_268 = arith.constant 0 : i32
          %sign3A_269 = arith.cmpi sgt, %jit3A_259, %sign3A_268 : i32
          %sign3A_270 = arith.extui %sign3A_269 : i1 to i32
          %sign3A_271 = arith.constant 0 : i32
          %sign3A_272 = arith.cmpi slt, %jit3A_259, %sign3A_271 : i32
          %sign3A_273 = arith.extui %sign3A_272 : i1 to i32
          %sign3A_274 = arith.subi %sign3A_270, %sign3A_273 : i32
          %ne3A_275 = arith.cmpi ne, %sign3A_267, %sign3A_274 : i32
          %rem3A_276 = arith.remsi %add3A_254, %jit3A_259 : i32
          %ne3A_277 = arith.constant 0 : i32
          %ne3A_278 = arith.cmpi ne, %rem3A_276, %ne3A_277 : i32
          %and3A_279 = arith.andi %ne3A_275, %ne3A_278 : i1
          %sub3A_280 = arith.constant 1 : i32
          %sub3A_281 = arith.subi %div3A_260, %sub3A_280 : i32
          %select_n3A_282 = arith.select %and3A_279, %sub3A_281, %div3A_260 : i32
          %multiple_of3A_283 = tpu.assume_multiple %select_n3A_282, 8 : i32
          %dma_start3A_284 = arith.constant 0 : i32
          %dma_start3A_285 = tpu.memref_slice %arg3[%multiple_of3A_283, %dma_start3A_284] : memref<160000x128xi32, #tpu.memory_space<hbm>> -> memref<40x128xi32, #tpu.memory_space<hbm>>
          %dma_start3A_286 = arith.constant 0 : i32
          %dma_start3A_287 = tpu.memref_slice %arg3[%multiple_of3A_283, %dma_start3A_286] : memref<160000x128xi32, #tpu.memory_space<hbm>> -> memref<40x128xi32, #tpu.memory_space<hbm>>
          tpu.enqueue_dma source(%dma_start3A_287 : memref<40x128xi32, #tpu.memory_space<hbm>>) target(%arg14 : memref<40x128xi32, #tpu.memory_space<vmem>>) target_semaphore(%arg26 : memref<!tpu.dma_semaphore, #tpu.memory_space<semaphore_mem>>)
        } else {
        }
        %mul3A_178 = arith.constant 160000 : i32
        %mul3A_179 = arith.muli %arg0, %mul3A_178 : i32
        %mul3A_180 = arith.constant 16 : i32
        %mul3A_181 = arith.muli %add3A_151, %mul3A_180 : i32
        %add3A_182 = arith.addi %arg1, %mul3A_181 : i32
        %mul3A_183 = arith.constant 80 : i32
        %mul3A_184 = arith.muli %add3A_182, %mul3A_183 : i32
        %add3A_185 = arith.addi %mul3A_179, %mul3A_184 : i32
        %dma_wait3A_186 = tpu.memref_slice %arg5[%add3A_185] : memref<320000xi32, #tpu.memory_space<hbm>> -> memref<80xi32, #tpu.memory_space<hbm>>
        %dma_wait3A_187 = tpu.memref_slice %arg5[%add3A_185] : memref<320000xi32, #tpu.memory_space<hbm>> -> memref<80xi32, #tpu.memory_space<hbm>>
        tpu.wait_dma2 semaphore(%arg24 : memref<!tpu.dma_semaphore, #tpu.memory_space<semaphore_mem>>) src(%dma_wait3A_187 : memref<80xi32, #tpu.memory_space<hbm>>) dst(%arg12 : memref<80xi32, #tpu.memory_space<vmem>>)
        %mul3A_188 = arith.constant 160000 : i32
        %mul3A_189 = arith.muli %arg0, %mul3A_188 : i32
        %mul3A_190 = arith.constant 16 : i32
        %mul3A_191 = arith.muli %add3A_151, %mul3A_190 : i32
        %add3A_192 = arith.addi %arg1, %mul3A_191 : i32
        %mul3A_193 = arith.constant 80 : i32
        %mul3A_194 = arith.muli %add3A_192, %mul3A_193 : i32
        %add3A_195 = arith.addi %mul3A_189, %mul3A_194 : i32
        %jit3A_196 = arith.constant 2 : i32
        %div3A_197 = arith.divsi %add3A_195, %jit3A_196 : i32
        %sign3A_198 = arith.constant 0 : i32
        %sign3A_199 = arith.cmpi sgt, %add3A_195, %sign3A_198 : i32
        %sign3A_200 = arith.extui %sign3A_199 : i1 to i32
        %sign3A_201 = arith.constant 0 : i32
        %sign3A_202 = arith.cmpi slt, %add3A_195, %sign3A_201 : i32
        %sign3A_203 = arith.extui %sign3A_202 : i1 to i32
        %sign3A_204 = arith.subi %sign3A_200, %sign3A_203 : i32
        %sign3A_205 = arith.constant 0 : i32
        %sign3A_206 = arith.cmpi sgt, %jit3A_196, %sign3A_205 : i32
        %sign3A_207 = arith.extui %sign3A_206 : i1 to i32
        %sign3A_208 = arith.constant 0 : i32
        %sign3A_209 = arith.cmpi slt, %jit3A_196, %sign3A_208 : i32
        %sign3A_210 = arith.extui %sign3A_209 : i1 to i32
        %sign3A_211 = arith.subi %sign3A_207, %sign3A_210 : i32
        %ne3A_212 = arith.cmpi ne, %sign3A_204, %sign3A_211 : i32
        %rem3A_213 = arith.remsi %add3A_195, %jit3A_196 : i32
        %ne3A_214 = arith.constant 0 : i32
        %ne3A_215 = arith.cmpi ne, %rem3A_213, %ne3A_214 : i32
        %and3A_216 = arith.andi %ne3A_212, %ne3A_215 : i1
        %sub3A_217 = arith.constant 1 : i32
        %sub3A_218 = arith.subi %div3A_197, %sub3A_217 : i32
        %select_n3A_219 = arith.select %and3A_216, %sub3A_218, %div3A_197 : i32
        %multiple_of3A_220 = tpu.assume_multiple %select_n3A_219, 8 : i32
        %dma_wait3A_221 = arith.constant 0 : i32
        %dma_wait3A_222 = tpu.memref_slice %arg3[%multiple_of3A_220, %dma_wait3A_221] : memref<160000x128xi32, #tpu.memory_space<hbm>> -> memref<40x128xi32, #tpu.memory_space<hbm>>
        %dma_wait3A_223 = arith.constant 0 : i32
        %dma_wait3A_224 = tpu.memref_slice %arg3[%multiple_of3A_220, %dma_wait3A_223] : memref<160000x128xi32, #tpu.memory_space<hbm>> -> memref<40x128xi32, #tpu.memory_space<hbm>>
        tpu.wait_dma2 semaphore(%arg27 : memref<!tpu.dma_semaphore, #tpu.memory_space<semaphore_mem>>) src(%dma_wait3A_224 : memref<40x128xi32, #tpu.memory_space<hbm>>) dst(%arg15 : memref<40x128xi32, #tpu.memory_space<vmem>>)
        %dma_wait3A_225 = arith.constant 0 : i32
        %dma_wait3A_226 = arith.constant 0 : i32
        %dma_wait3A_227 = tpu.memref_slice %arg2[%dma_wait3A_225, %dma_wait3A_226] : memref<10000x128xf32, #tpu.memory_space<hbm>> -> memref<10000x128xf32, #tpu.memory_space<hbm>>
        tpu.wait_indirect_dma semaphore(%arg30 : memref<!tpu.dma_semaphore, #tpu.memory_space<semaphore_mem>>) src(%dma_wait3A_227 : memref<10000x128xf32, #tpu.memory_space<hbm>>) dst(%arg18 : memref<80x128xf32, #tpu.memory_space<vmem>>)
        %scan3A_228 = arith.constant 0 : i32
        %scan3A_229 = arith.constant 0 : i32
        %scan3A_230 = arith.constant 40 : i32
        %scan3A_231 = arith.addi %scan3A_229, %scan3A_230 : i32
        %scan3A_232 = arith.constant 1 : i32
        %scan3A_233 = scf.for %scan3A_245 = %scan3A_229 to %scan3A_231 step %scan3A_232 iter_args(%scan3A_246 = %scan3A_228) -> (i32)  : i32 {
          %get3A = arith.index_cast %scan3A_245 : i32 to index
          %get3A_247 = arith.constant 0 : index
          %get3A_248 = tpu.vector_load %arg15[%get3A, %get3A_247] {strides = array<i32>} : memref<40x128xi32, #tpu.memory_space<vmem>>, vector<1x16xi32>,
          %get3A_249 = vector.shape_cast %get3A_248 : vector<1x16xi32> to vector<16xi32>
          %shift_left3A = arith.constant 16 : i32
          %shift_left3A_250 = vector.broadcast %shift_left3A : i32 to vector<16xi32>
          %shift_left3A_251 = arith.shli %get3A_249, %shift_left3A_250 : vector<16xi32>
          %bitcast_convert_type3A = tpu.bitcast %shift_left3A_251 : vector<16xi32> -> vector<16xf32>
          %and3A_252 = arith.constant -65536 : i32
          %and3A_253 = vector.broadcast %and3A_252 : i32 to vector<16xi32>
          %and3A_254 = arith.andi %get3A_249, %and3A_253 : vector<16xi32>
          %bitcast_convert_type3A_255 = tpu.bitcast %and3A_254 : vector<16xi32> -> vector<16xf32>
          %get3A_256 = arith.index_cast %scan3A_245 : i32 to index
          %get3A_257 = arith.constant 0 : index
          %get3A_258 = tpu.vector_load %arg18[%get3A_256, %get3A_257] {strides = array<i32>} : memref<80x128xf32, #tpu.memory_space<vmem>>, vector<1x16xf32>,
          %get3A_259 = vector.shape_cast %get3A_258 : vector<1x16xf32> to vector<16xf32>
          %mul3A_260 = arith.mulf %get3A_259, %bitcast_convert_type3A : vector<16xf32>
          %swap3A = arith.index_cast %scan3A_245 : i32 to index
          %swap3A_261 = arith.constant 0 : index
          %swap3A_262 = tpu.vector_load %arg18[%swap3A, %swap3A_261] {strides = array<i32>} : memref<80x128xf32, #tpu.memory_space<vmem>>, vector<1x16xf32>,
          %swap3A_263 = vector.shape_cast %swap3A_262 : vector<1x16xf32> to vector<16xf32>
          %swap3A_264 = vector.shape_cast %mul3A_260 : vector<16xf32> to vector<1x16xf32>
          tpu.vector_store %arg18[%swap3A, %swap3A_261], %swap3A_264 {strides = array<i32>} : memref<80x128xf32, #tpu.memory_space<vmem>>, vector<1x16xf32>,
          %add3A_265 = arith.constant 40 : i32
          %add3A_266 = arith.addi %scan3A_245, %add3A_265 : i32
          %get3A_267 = arith.index_cast %add3A_266 : i32 to index
          %get3A_268 = arith.constant 0 : index
          %get3A_269 = tpu.vector_load %arg18[%get3A_267, %get3A_268] {strides = array<i32>} : memref<80x128xf32, #tpu.memory_space<vmem>>, vector<1x16xf32>,
          %get3A_270 = vector.shape_cast %get3A_269 : vector<1x16xf32> to vector<16xf32>
          %mul3A_271 = arith.mulf %get3A_270, %bitcast_convert_type3A_255 : vector<16xf32>
          %add3A_272 = arith.constant 40 : i32
          %add3A_273 = arith.addi %scan3A_245, %add3A_272 : i32
          %swap3A_274 = arith.index_cast %add3A_273 : i32 to index
          %swap3A_275 = arith.constant 0 : index
          %swap3A_276 = tpu.vector_load %arg18[%swap3A_274, %swap3A_275] {strides = array<i32>} : memref<80x128xf32, #tpu.memory_space<vmem>>, vector<1x16xf32>,
          %swap3A_277 = vector.shape_cast %swap3A_276 : vector<1x16xf32> to vector<16xf32>
          %swap3A_278 = vector.shape_cast %mul3A_271 : vector<16xf32> to vector<1x16xf32>
          tpu.vector_store %arg18[%swap3A_274, %swap3A_275], %swap3A_278 {strides = array<i32>} : memref<80x128xf32, #tpu.memory_space<vmem>>, vector<1x16xf32>,
          %get3A_279 = arith.index_cast %scan3A_245 : i32 to index
          %get3A_280 = arith.constant 16 : index
          %get3A_281 = tpu.vector_load %arg15[%get3A_279, %get3A_280] {strides = array<i32>} : memref<40x128xi32, #tpu.memory_space<vmem>>, vector<1x16xi32>,
          %get3A_282 = vector.shape_cast %get3A_281 : vector<1x16xi32> to vector<16xi32>
          %shift_left3A_283 = arith.constant 16 : i32
          %shift_left3A_284 = vector.broadcast %shift_left3A_283 : i32 to vector<16xi32>
          %shift_left3A_285 = arith.shli %get3A_282, %shift_left3A_284 : vector<16xi32>
          %bitcast_convert_type3A_286 = tpu.bitcast %shift_left3A_285 : vector<16xi32> -> vector<16xf32>
          %and3A_287 = arith.constant -65536 : i32
          %and3A_288 = vector.broadcast %and3A_287 : i32 to vector<16xi32>
          %and3A_289 = arith.andi %get3A_282, %and3A_288 : vector<16xi32>
          %bitcast_convert_type3A_290 = tpu.bitcast %and3A_289 : vector<16xi32> -> vector<16xf32>
          %get3A_291 = arith.index_cast %scan3A_245 : i32 to index
          %get3A_292 = arith.constant 16 : index
          %get3A_293 = tpu.vector_load %arg18[%get3A_291, %get3A_292] {strides = array<i32>} : memref<80x128xf32, #tpu.memory_space<vmem>>, vector<1x16xf32>,
          %get3A_294 = vector.shape_cast %get3A_293 : vector<1x16xf32> to vector<16xf32>
          %mul3A_295 = arith.mulf %get3A_294, %bitcast_convert_type3A_286 : vector<16xf32>
          %swap3A_296 = arith.index_cast %scan3A_245 : i32 to index
          %swap3A_297 = arith.constant 16 : index
          %swap3A_298 = tpu.vector_load %arg18[%swap3A_296, %swap3A_297] {strides = array<i32>} : memref<80x128xf32, #tpu.memory_space<vmem>>, vector<1x16xf32>,
          %swap3A_299 = vector.shape_cast %swap3A_298 : vector<1x16xf32> to vector<16xf32>
          %swap3A_300 = vector.shape_cast %mul3A_295 : vector<16xf32> to vector<1x16xf32>
          tpu.vector_store %arg18[%swap3A_296, %swap3A_297], %swap3A_300 {strides = array<i32>} : memref<80x128xf32, #tpu.memory_space<vmem>>, vector<1x16xf32>,
          %add3A_301 = arith.constant 40 : i32
          %add3A_302 = arith.addi %scan3A_245, %add3A_301 : i32
          %get3A_303 = arith.index_cast %add3A_302 : i32 to index
          %get3A_304 = arith.constant 16 : index
          %get3A_305 = tpu.vector_load %arg18[%get3A_303, %get3A_304] {strides = array<i32>} : memref<80x128xf32, #tpu.memory_space<vmem>>, vector<1x16xf32>,
          %get3A_306 = vector.shape_cast %get3A_305 : vector<1x16xf32> to vector<16xf32>
          %mul3A_307 = arith.mulf %get3A_306, %bitcast_convert_type3A_290 : vector<16xf32>
          %add3A_308 = arith.constant 40 : i32
          %add3A_309 = arith.addi %scan3A_245, %add3A_308 : i32
          %swap3A_310 = arith.index_cast %add3A_309 : i32 to index
          %swap3A_311 = arith.constant 16 : index
          %swap3A_312 = tpu.vector_load %arg18[%swap3A_310, %swap3A_311] {strides = array<i32>} : memref<80x128xf32, #tpu.memory_space<vmem>>, vector<1x16xf32>,
          %swap3A_313 = vector.shape_cast %swap3A_312 : vector<1x16xf32> to vector<16xf32>
          %swap3A_314 = vector.shape_cast %mul3A_307 : vector<16xf32> to vector<1x16xf32>
          tpu.vector_store %arg18[%swap3A_310, %swap3A_311], %swap3A_314 {strides = array<i32>} : memref<80x128xf32, #tpu.memory_space<vmem>>, vector<1x16xf32>,
          %get3A_315 = arith.index_cast %scan3A_245 : i32 to index
          %get3A_316 = arith.constant 32 : index
          %get3A_317 = tpu.vector_load %arg15[%get3A_315, %get3A_316] {strides = array<i32>} : memref<40x128xi32, #tpu.memory_space<vmem>>, vector<1x16xi32>,
          %get3A_318 = vector.shape_cast %get3A_317 : vector<1x16xi32> to vector<16xi32>
          %shift_left3A_319 = arith.constant 16 : i32
          %shift_left3A_320 = vector.broadcast %shift_left3A_319 : i32 to vector<16xi32>
          %shift_left3A_321 = arith.shli %get3A_318, %shift_left3A_320 : vector<16xi32>
          %bitcast_convert_type3A_322 = tpu.bitcast %shift_left3A_321 : vector<16xi32> -> vector<16xf32>
          %and3A_323 = arith.constant -65536 : i32
          %and3A_324 = vector.broadcast %and3A_323 : i32 to vector<16xi32>
          %and3A_325 = arith.andi %get3A_318, %and3A_324 : vector<16xi32>
          %bitcast_convert_type3A_326 = tpu.bitcast %and3A_325 : vector<16xi32> -> vector<16xf32>
          %get3A_327 = arith.index_cast %scan3A_245 : i32 to index
          %get3A_328 = arith.constant 32 : index
          %get3A_329 = tpu.vector_load %arg18[%get3A_327, %get3A_328] {strides = array<i32>} : memref<80x128xf32, #tpu.memory_space<vmem>>, vector<1x16xf32>,
          %get3A_330 = vector.shape_cast %get3A_329 : vector<1x16xf32> to vector<16xf32>
          %mul3A_331 = arith.mulf %get3A_330, %bitcast_convert_type3A_322 : vector<16xf32>
          %swap3A_332 = arith.index_cast %scan3A_245 : i32 to index
          %swap3A_333 = arith.constant 32 : index
          %swap3A_334 = tpu.vector_load %arg18[%swap3A_332, %swap3A_333] {strides = array<i32>} : memref<80x128xf32, #tpu.memory_space<vmem>>, vector<1x16xf32>,
          %swap3A_335 = vector.shape_cast %swap3A_334 : vector<1x16xf32> to vector<16xf32>
          %swap3A_336 = vector.shape_cast %mul3A_331 : vector<16xf32> to vector<1x16xf32>
          tpu.vector_store %arg18[%swap3A_332, %swap3A_333], %swap3A_336 {strides = array<i32>} : memref<80x128xf32, #tpu.memory_space<vmem>>, vector<1x16xf32>,
          %add3A_337 = arith.constant 40 : i32
          %add3A_338 = arith.addi %scan3A_245, %add3A_337 : i32
          %get3A_339 = arith.index_cast %add3A_338 : i32 to index
          %get3A_340 = arith.constant 32 : index
          %get3A_341 = tpu.vector_load %arg18[%get3A_339, %get3A_340] {strides = array<i32>} : memref<80x128xf32, #tpu.memory_space<vmem>>, vector<1x16xf32>,
          %get3A_342 = vector.shape_cast %get3A_341 : vector<1x16xf32> to vector<16xf32>
          %mul3A_343 = arith.mulf %get3A_342, %bitcast_convert_type3A_326 : vector<16xf32>
          %add3A_344 = arith.constant 40 : i32
          %add3A_345 = arith.addi %scan3A_245, %add3A_344 : i32
          %swap3A_346 = arith.index_cast %add3A_345 : i32 to index
          %swap3A_347 = arith.constant 32 : index
          %swap3A_348 = tpu.vector_load %arg18[%swap3A_346, %swap3A_347] {strides = array<i32>} : memref<80x128xf32, #tpu.memory_space<vmem>>, vector<1x16xf32>,
          %swap3A_349 = vector.shape_cast %swap3A_348 : vector<1x16xf32> to vector<16xf32>
          %swap3A_350 = vector.shape_cast %mul3A_343 : vector<16xf32> to vector<1x16xf32>
          tpu.vector_store %arg18[%swap3A_346, %swap3A_347], %swap3A_350 {strides = array<i32>} : memref<80x128xf32, #tpu.memory_space<vmem>>, vector<1x16xf32>,
          %get3A_351 = arith.index_cast %scan3A_245 : i32 to index
          %get3A_352 = arith.constant 48 : index
          %get3A_353 = tpu.vector_load %arg15[%get3A_351, %get3A_352] {strides = array<i32>} : memref<40x128xi32, #tpu.memory_space<vmem>>, vector<1x16xi32>,
          %get3A_354 = vector.shape_cast %get3A_353 : vector<1x16xi32> to vector<16xi32>
          %shift_left3A_355 = arith.constant 16 : i32
          %shift_left3A_356 = vector.broadcast %shift_left3A_355 : i32 to vector<16xi32>
          %shift_left3A_357 = arith.shli %get3A_354, %shift_left3A_356 : vector<16xi32>
          %bitcast_convert_type3A_358 = tpu.bitcast %shift_left3A_357 : vector<16xi32> -> vector<16xf32>
          %and3A_359 = arith.constant -65536 : i32
          %and3A_360 = vector.broadcast %and3A_359 : i32 to vector<16xi32>
          %and3A_361 = arith.andi %get3A_354, %and3A_360 : vector<16xi32>
          %bitcast_convert_type3A_362 = tpu.bitcast %and3A_361 : vector<16xi32> -> vector<16xf32>
          %get3A_363 = arith.index_cast %scan3A_245 : i32 to index
          %get3A_364 = arith.constant 48 : index
          %get3A_365 = tpu.vector_load %arg18[%get3A_363, %get3A_364] {strides = array<i32>} : memref<80x128xf32, #tpu.memory_space<vmem>>, vector<1x16xf32>,
          %get3A_366 = vector.shape_cast %get3A_365 : vector<1x16xf32> to vector<16xf32>
          %mul3A_367 = arith.mulf %get3A_366, %bitcast_convert_type3A_358 : vector<16xf32>
          %swap3A_368 = arith.index_cast %scan3A_245 : i32 to index
          %swap3A_369 = arith.constant 48 : index
          %swap3A_370 = tpu.vector_load %arg18[%swap3A_368, %swap3A_369] {strides = array<i32>} : memref<80x128xf32, #tpu.memory_space<vmem>>, vector<1x16xf32>,
          %swap3A_371 = vector.shape_cast %swap3A_370 : vector<1x16xf32> to vector<16xf32>
          %swap3A_372 = vector.shape_cast %mul3A_367 : vector<16xf32> to vector<1x16xf32>
          tpu.vector_store %arg18[%swap3A_368, %swap3A_369], %swap3A_372 {strides = array<i32>} : memref<80x128xf32, #tpu.memory_space<vmem>>, vector<1x16xf32>,
          %add3A_373 = arith.constant 40 : i32
          %add3A_374 = arith.addi %scan3A_245, %add3A_373 : i32
          %get3A_375 = arith.index_cast %add3A_374 : i32 to index
          %get3A_376 = arith.constant 48 : index
          %get3A_377 = tpu.vector_load %arg18[%get3A_375, %get3A_376] {strides = array<i32>} : memref<80x128xf32, #tpu.memory_space<vmem>>, vector<1x16xf32>,
          %get3A_378 = vector.shape_cast %get3A_377 : vector<1x16xf32> to vector<16xf32>
          %mul3A_379 = arith.mulf %get3A_378, %bitcast_convert_type3A_362 : vector<16xf32>
          %add3A_380 = arith.constant 40 : i32
          %add3A_381 = arith.addi %scan3A_245, %add3A_380 : i32
          %swap3A_382 = arith.index_cast %add3A_381 : i32 to index
          %swap3A_383 = arith.constant 48 : index
          %swap3A_384 = tpu.vector_load %arg18[%swap3A_382, %swap3A_383] {strides = array<i32>} : memref<80x128xf32, #tpu.memory_space<vmem>>, vector<1x16xf32>,
          %swap3A_385 = vector.shape_cast %swap3A_384 : vector<1x16xf32> to vector<16xf32>
          %swap3A_386 = vector.shape_cast %mul3A_379 : vector<16xf32> to vector<1x16xf32>
          tpu.vector_store %arg18[%swap3A_382, %swap3A_383], %swap3A_386 {strides = array<i32>} : memref<80x128xf32, #tpu.memory_space<vmem>>, vector<1x16xf32>,
          %get3A_387 = arith.index_cast %scan3A_245 : i32 to index
          %get3A_388 = arith.constant 64 : index
          %get3A_389 = tpu.vector_load %arg15[%get3A_387, %get3A_388] {strides = array<i32>} : memref<40x128xi32, #tpu.memory_space<vmem>>, vector<1x16xi32>,
          %get3A_390 = vector.shape_cast %get3A_389 : vector<1x16xi32> to vector<16xi32>
          %shift_left3A_391 = arith.constant 16 : i32
          %shift_left3A_392 = vector.broadcast %shift_left3A_391 : i32 to vector<16xi32>
          %shift_left3A_393 = arith.shli %get3A_390, %shift_left3A_392 : vector<16xi32>
          %bitcast_convert_type3A_394 = tpu.bitcast %shift_left3A_393 : vector<16xi32> -> vector<16xf32>
          %and3A_395 = arith.constant -65536 : i32
          %and3A_396 = vector.broadcast %and3A_395 : i32 to vector<16xi32>
          %and3A_397 = arith.andi %get3A_390, %and3A_396 : vector<16xi32>
          %bitcast_convert_type3A_398 = tpu.bitcast %and3A_397 : vector<16xi32> -> vector<16xf32>
          %get3A_399 = arith.index_cast %scan3A_245 : i32 to index
          %get3A_400 = arith.constant 64 : index
          %get3A_401 = tpu.vector_load %arg18[%get3A_399, %get3A_400] {strides = array<i32>} : memref<80x128xf32, #tpu.memory_space<vmem>>, vector<1x16xf32>,
          %get3A_402 = vector.shape_cast %get3A_401 : vector<1x16xf32> to vector<16xf32>
          %mul3A_403 = arith.mulf %get3A_402, %bitcast_convert_type3A_394 : vector<16xf32>
          %swap3A_404 = arith.index_cast %scan3A_245 : i32 to index
          %swap3A_405 = arith.constant 64 : index
          %swap3A_406 = tpu.vector_load %arg18[%swap3A_404, %swap3A_405] {strides = array<i32>} : memref<80x128xf32, #tpu.memory_space<vmem>>, vector<1x16xf32>,
          %swap3A_407 = vector.shape_cast %swap3A_406 : vector<1x16xf32> to vector<16xf32>
          %swap3A_408 = vector.shape_cast %mul3A_403 : vector<16xf32> to vector<1x16xf32>
          tpu.vector_store %arg18[%swap3A_404, %swap3A_405], %swap3A_408 {strides = array<i32>} : memref<80x128xf32, #tpu.memory_space<vmem>>, vector<1x16xf32>,
          %add3A_409 = arith.constant 40 : i32
          %add3A_410 = arith.addi %scan3A_245, %add3A_409 : i32
          %get3A_411 = arith.index_cast %add3A_410 : i32 to index
          %get3A_412 = arith.constant 64 : index
          %get3A_413 = tpu.vector_load %arg18[%get3A_411, %get3A_412] {strides = array<i32>} : memref<80x128xf32, #tpu.memory_space<vmem>>, vector<1x16xf32>,
          %get3A_414 = vector.shape_cast %get3A_413 : vector<1x16xf32> to vector<16xf32>
          %mul3A_415 = arith.mulf %get3A_414, %bitcast_convert_type3A_398 : vector<16xf32>
          %add3A_416 = arith.constant 40 : i32
          %add3A_417 = arith.addi %scan3A_245, %add3A_416 : i32
          %swap3A_418 = arith.index_cast %add3A_417 : i32 to index
          %swap3A_419 = arith.constant 64 : index
          %swap3A_420 = tpu.vector_load %arg18[%swap3A_418, %swap3A_419] {strides = array<i32>} : memref<80x128xf32, #tpu.memory_space<vmem>>, vector<1x16xf32>,
          %swap3A_421 = vector.shape_cast %swap3A_420 : vector<1x16xf32> to vector<16xf32>
          %swap3A_422 = vector.shape_cast %mul3A_415 : vector<16xf32> to vector<1x16xf32>
          tpu.vector_store %arg18[%swap3A_418, %swap3A_419], %swap3A_422 {strides = array<i32>} : memref<80x128xf32, #tpu.memory_space<vmem>>, vector<1x16xf32>,
          %get3A_423 = arith.index_cast %scan3A_245 : i32 to index
          %get3A_424 = arith.constant 80 : index
          %get3A_425 = tpu.vector_load %arg15[%get3A_423, %get3A_424] {strides = array<i32>} : memref<40x128xi32, #tpu.memory_space<vmem>>, vector<1x16xi32>,
          %get3A_426 = vector.shape_cast %get3A_425 : vector<1x16xi32> to vector<16xi32>
          %shift_left3A_427 = arith.constant 16 : i32
          %shift_left3A_428 = vector.broadcast %shift_left3A_427 : i32 to vector<16xi32>
          %shift_left3A_429 = arith.shli %get3A_426, %shift_left3A_428 : vector<16xi32>
          %bitcast_convert_type3A_430 = tpu.bitcast %shift_left3A_429 : vector<16xi32> -> vector<16xf32>
          %and3A_431 = arith.constant -65536 : i32
          %and3A_432 = vector.broadcast %and3A_431 : i32 to vector<16xi32>
          %and3A_433 = arith.andi %get3A_426, %and3A_432 : vector<16xi32>
          %bitcast_convert_type3A_434 = tpu.bitcast %and3A_433 : vector<16xi32> -> vector<16xf32>
          %get3A_435 = arith.index_cast %scan3A_245 : i32 to index
          %get3A_436 = arith.constant 80 : index
          %get3A_437 = tpu.vector_load %arg18[%get3A_435, %get3A_436] {strides = array<i32>} : memref<80x128xf32, #tpu.memory_space<vmem>>, vector<1x16xf32>,
          %get3A_438 = vector.shape_cast %get3A_437 : vector<1x16xf32> to vector<16xf32>
          %mul3A_439 = arith.mulf %get3A_438, %bitcast_convert_type3A_430 : vector<16xf32>
          %swap3A_440 = arith.index_cast %scan3A_245 : i32 to index
          %swap3A_441 = arith.constant 80 : index
          %swap3A_442 = tpu.vector_load %arg18[%swap3A_440, %swap3A_441] {strides = array<i32>} : memref<80x128xf32, #tpu.memory_space<vmem>>, vector<1x16xf32>,
          %swap3A_443 = vector.shape_cast %swap3A_442 : vector<1x16xf32> to vector<16xf32>
          %swap3A_444 = vector.shape_cast %mul3A_439 : vector<16xf32> to vector<1x16xf32>
          tpu.vector_store %arg18[%swap3A_440, %swap3A_441], %swap3A_444 {strides = array<i32>} : memref<80x128xf32, #tpu.memory_space<vmem>>, vector<1x16xf32>,
          %add3A_445 = arith.constant 40 : i32
          %add3A_446 = arith.addi %scan3A_245, %add3A_445 : i32
          %get3A_447 = arith.index_cast %add3A_446 : i32 to index
          %get3A_448 = arith.constant 80 : index
          %get3A_449 = tpu.vector_load %arg18[%get3A_447, %get3A_448] {strides = array<i32>} : memref<80x128xf32, #tpu.memory_space<vmem>>, vector<1x16xf32>,
          %get3A_450 = vector.shape_cast %get3A_449 : vector<1x16xf32> to vector<16xf32>
          %mul3A_451 = arith.mulf %get3A_450, %bitcast_convert_type3A_434 : vector<16xf32>
          %add3A_452 = arith.constant 40 : i32
          %add3A_453 = arith.addi %scan3A_245, %add3A_452 : i32
          %swap3A_454 = arith.index_cast %add3A_453 : i32 to index
          %swap3A_455 = arith.constant 80 : index
          %swap3A_456 = tpu.vector_load %arg18[%swap3A_454, %swap3A_455] {strides = array<i32>} : memref<80x128xf32, #tpu.memory_space<vmem>>, vector<1x16xf32>,
          %swap3A_457 = vector.shape_cast %swap3A_456 : vector<1x16xf32> to vector<16xf32>
          %swap3A_458 = vector.shape_cast %mul3A_451 : vector<16xf32> to vector<1x16xf32>
          tpu.vector_store %arg18[%swap3A_454, %swap3A_455], %swap3A_458 {strides = array<i32>} : memref<80x128xf32, #tpu.memory_space<vmem>>, vector<1x16xf32>,
          %get3A_459 = arith.index_cast %scan3A_245 : i32 to index
          %get3A_460 = arith.constant 96 : index
          %get3A_461 = tpu.vector_load %arg15[%get3A_459, %get3A_460] {strides = array<i32>} : memref<40x128xi32, #tpu.memory_space<vmem>>, vector<1x16xi32>,
          %get3A_462 = vector.shape_cast %get3A_461 : vector<1x16xi32> to vector<16xi32>
          %shift_left3A_463 = arith.constant 16 : i32
          %shift_left3A_464 = vector.broadcast %shift_left3A_463 : i32 to vector<16xi32>
          %shift_left3A_465 = arith.shli %get3A_462, %shift_left3A_464 : vector<16xi32>
          %bitcast_convert_type3A_466 = tpu.bitcast %shift_left3A_465 : vector<16xi32> -> vector<16xf32>
          %and3A_467 = arith.constant -65536 : i32
          %and3A_468 = vector.broadcast %and3A_467 : i32 to vector<16xi32>
          %and3A_469 = arith.andi %get3A_462, %and3A_468 : vector<16xi32>
          %bitcast_convert_type3A_470 = tpu.bitcast %and3A_469 : vector<16xi32> -> vector<16xf32>
          %get3A_471 = arith.index_cast %scan3A_245 : i32 to index
          %get3A_472 = arith.constant 96 : index
          %get3A_473 = tpu.vector_load %arg18[%get3A_471, %get3A_472] {strides = array<i32>} : memref<80x128xf32, #tpu.memory_space<vmem>>, vector<1x16xf32>,
          %get3A_474 = vector.shape_cast %get3A_473 : vector<1x16xf32> to vector<16xf32>
          %mul3A_475 = arith.mulf %get3A_474, %bitcast_convert_type3A_466 : vector<16xf32>
          %swap3A_476 = arith.index_cast %scan3A_245 : i32 to index
          %swap3A_477 = arith.constant 96 : index
          %swap3A_478 = tpu.vector_load %arg18[%swap3A_476, %swap3A_477] {strides = array<i32>} : memref<80x128xf32, #tpu.memory_space<vmem>>, vector<1x16xf32>,
          %swap3A_479 = vector.shape_cast %swap3A_478 : vector<1x16xf32> to vector<16xf32>
          %swap3A_480 = vector.shape_cast %mul3A_475 : vector<16xf32> to vector<1x16xf32>
          tpu.vector_store %arg18[%swap3A_476, %swap3A_477], %swap3A_480 {strides = array<i32>} : memref<80x128xf32, #tpu.memory_space<vmem>>, vector<1x16xf32>,
          %add3A_481 = arith.constant 40 : i32
          %add3A_482 = arith.addi %scan3A_245, %add3A_481 : i32
          %get3A_483 = arith.index_cast %add3A_482 : i32 to index
          %get3A_484 = arith.constant 96 : index
          %get3A_485 = tpu.vector_load %arg18[%get3A_483, %get3A_484] {strides = array<i32>} : memref<80x128xf32, #tpu.memory_space<vmem>>, vector<1x16xf32>,
          %get3A_486 = vector.shape_cast %get3A_485 : vector<1x16xf32> to vector<16xf32>
          %mul3A_487 = arith.mulf %get3A_486, %bitcast_convert_type3A_470 : vector<16xf32>
          %add3A_488 = arith.constant 40 : i32
          %add3A_489 = arith.addi %scan3A_245, %add3A_488 : i32
          %swap3A_490 = arith.index_cast %add3A_489 : i32 to index
          %swap3A_491 = arith.constant 96 : index
          %swap3A_492 = tpu.vector_load %arg18[%swap3A_490, %swap3A_491] {strides = array<i32>} : memref<80x128xf32, #tpu.memory_space<vmem>>, vector<1x16xf32>,
          %swap3A_493 = vector.shape_cast %swap3A_492 : vector<1x16xf32> to vector<16xf32>
          %swap3A_494 = vector.shape_cast %mul3A_487 : vector<16xf32> to vector<1x16xf32>
          tpu.vector_store %arg18[%swap3A_490, %swap3A_491], %swap3A_494 {strides = array<i32>} : memref<80x128xf32, #tpu.memory_space<vmem>>, vector<1x16xf32>,
          %get3A_495 = arith.index_cast %scan3A_245 : i32 to index
          %get3A_496 = arith.constant 112 : index
          %get3A_497 = tpu.vector_load %arg15[%get3A_495, %get3A_496] {strides = array<i32>} : memref<40x128xi32, #tpu.memory_space<vmem>>, vector<1x16xi32>,
          %get3A_498 = vector.shape_cast %get3A_497 : vector<1x16xi32> to vector<16xi32>
          %shift_left3A_499 = arith.constant 16 : i32
          %shift_left3A_500 = vector.broadcast %shift_left3A_499 : i32 to vector<16xi32>
          %shift_left3A_501 = arith.shli %get3A_498, %shift_left3A_500 : vector<16xi32>
          %bitcast_convert_type3A_502 = tpu.bitcast %shift_left3A_501 : vector<16xi32> -> vector<16xf32>
          %and3A_503 = arith.constant -65536 : i32
          %and3A_504 = vector.broadcast %and3A_503 : i32 to vector<16xi32>
          %and3A_505 = arith.andi %get3A_498, %and3A_504 : vector<16xi32>
          %bitcast_convert_type3A_506 = tpu.bitcast %and3A_505 : vector<16xi32> -> vector<16xf32>
          %get3A_507 = arith.index_cast %scan3A_245 : i32 to index
          %get3A_508 = arith.constant 112 : index
          %get3A_509 = tpu.vector_load %arg18[%get3A_507, %get3A_508] {strides = array<i32>} : memref<80x128xf32, #tpu.memory_space<vmem>>, vector<1x16xf32>,
          %get3A_510 = vector.shape_cast %get3A_509 : vector<1x16xf32> to vector<16xf32>
          %mul3A_511 = arith.mulf %get3A_510, %bitcast_convert_type3A_502 : vector<16xf32>
          %swap3A_512 = arith.index_cast %scan3A_245 : i32 to index
          %swap3A_513 = arith.constant 112 : index
          %swap3A_514 = tpu.vector_load %arg18[%swap3A_512, %swap3A_513] {strides = array<i32>} : memref<80x128xf32, #tpu.memory_space<vmem>>, vector<1x16xf32>,
          %swap3A_515 = vector.shape_cast %swap3A_514 : vector<1x16xf32> to vector<16xf32>
          %swap3A_516 = vector.shape_cast %mul3A_511 : vector<16xf32> to vector<1x16xf32>
          tpu.vector_store %arg18[%swap3A_512, %swap3A_513], %swap3A_516 {strides = array<i32>} : memref<80x128xf32, #tpu.memory_space<vmem>>, vector<1x16xf32>,
          %add3A_517 = arith.constant 40 : i32
          %add3A_518 = arith.addi %scan3A_245, %add3A_517 : i32
          %get3A_519 = arith.index_cast %add3A_518 : i32 to index
          %get3A_520 = arith.constant 112 : index
          %get3A_521 = tpu.vector_load %arg18[%get3A_519, %get3A_520] {strides = array<i32>} : memref<80x128xf32, #tpu.memory_space<vmem>>, vector<1x16xf32>,
          %get3A_522 = vector.shape_cast %get3A_521 : vector<1x16xf32> to vector<16xf32>
          %mul3A_523 = arith.mulf %get3A_522, %bitcast_convert_type3A_506 : vector<16xf32>
          %add3A_524 = arith.constant 40 : i32
          %add3A_525 = arith.addi %scan3A_245, %add3A_524 : i32
          %swap3A_526 = arith.index_cast %add3A_525 : i32 to index
          %swap3A_527 = arith.constant 112 : index
          %swap3A_528 = tpu.vector_load %arg18[%swap3A_526, %swap3A_527] {strides = array<i32>} : memref<80x128xf32, #tpu.memory_space<vmem>>, vector<1x16xf32>,
          %swap3A_529 = vector.shape_cast %swap3A_528 : vector<1x16xf32> to vector<16xf32>
          %swap3A_530 = vector.shape_cast %mul3A_523 : vector<16xf32> to vector<1x16xf32>
          tpu.vector_store %arg18[%swap3A_526, %swap3A_527], %swap3A_530 {strides = array<i32>} : memref<80x128xf32, #tpu.memory_space<vmem>>, vector<1x16xf32>,
          %scan3A_531 = arith.constant 0 : i32
          scf.yield %scan3A_531 : i32
        }
        %scan3A_234 = arith.constant 40 : i32
        %add3A_235 = arith.constant 2 : i32
        %add3A_236 = arith.addi %add3A_151, %add3A_235 : i32
        %lt3A_237 = arith.constant 125 : i32
        %lt3A_238 = arith.cmpi slt, %add3A_236, %lt3A_237 : i32
        %convert_element_type3A_239 = arith.extui %lt3A_238 : i1 to i32
        %cond3A_240 = arith.constant 0 : i32
        %cond3A_241 = arith.cmpi ne, %convert_element_type3A_239, %cond3A_240 : i32
        scf.if %cond3A_241 {
          %add3A_245 = arith.constant 2 : i32
          %add3A_246 = arith.addi %add3A_151, %add3A_245 : i32
          %mul3A_247 = arith.constant 160000 : i32
          %mul3A_248 = arith.muli %arg0, %mul3A_247 : i32
          %mul3A_249 = arith.constant 16 : i32
          %mul3A_250 = arith.muli %add3A_246, %mul3A_249 : i32
          %add3A_251 = arith.addi %arg1, %mul3A_250 : i32
          %mul3A_252 = arith.constant 80 : i32
          %mul3A_253 = arith.muli %add3A_251, %mul3A_252 : i32
          %add3A_254 = arith.addi %mul3A_248, %mul3A_253 : i32
          %dma_wait3A_255 = tpu.memref_slice %arg4[%add3A_254] : memref<320000xi32, #tpu.memory_space<hbm>> -> memref<80xi32, #tpu.memory_space<hbm>>
          %dma_wait3A_256 = tpu.memref_slice %arg4[%add3A_254] : memref<320000xi32, #tpu.memory_space<hbm>> -> memref<80xi32, #tpu.memory_space<hbm>>
          tpu.wait_dma2 semaphore(%arg20 : memref<!tpu.dma_semaphore, #tpu.memory_space<semaphore_mem>>) src(%dma_wait3A_256 : memref<80xi32, #tpu.memory_space<hbm>>) dst(%arg8 : memref<80xi32, #tpu.memory_space<vmem>>)
          %dma_start3A_257 = arith.constant 0 : i32
          %dma_start3A_258 = arith.constant 0 : i32
          %dma_start3A_259 = tpu.memref_slice %arg2[%dma_start3A_257, %dma_start3A_258] : memref<10000x128xf32, #tpu.memory_space<hbm>> -> memref<10000x128xf32, #tpu.memory_space<hbm>>
          tpu.enqueue_indirect_dma source(%dma_start3A_259 : memref<10000x128xf32, #tpu.memory_space<hbm>>) target(%arg17 : memref<80x128xf32, #tpu.memory_space<vmem>>) offsets(%arg8 : memref<80xi32, #tpu.memory_space<vmem>>) semaphore(%arg29 : memref<!tpu.dma_semaphore, #tpu.memory_space<semaphore_mem>>)
        } else {
        }
        %dma_start3A_242 = arith.constant 0 : i32
        %dma_start3A_243 = arith.constant 0 : i32
        %dma_start3A_244 = tpu.memref_slice %arg7[%dma_start3A_242, %dma_start3A_243] : memref<10000x128xf32, #tpu.memory_space<vmem_shared>> -> memref<10000x128xf32, #tpu.memory_space<vmem_shared>>
        tpu.enqueue_indirect_dma source(%arg18 : memref<80x128xf32, #tpu.memory_space<vmem>>) target(%dma_start3A_244 : memref<10000x128xf32, #tpu.memory_space<vmem_shared>>) offsets(%arg12 : memref<80xi32, #tpu.memory_space<vmem>>) semaphore(%arg33 : memref<!tpu.dma_semaphore, #tpu.memory_space<semaphore_mem>>) {add = true}
      } else {
      }
      %mul3A_157 = arith.constant 3 : i32
      %mul3A_158 = arith.muli %mul3A_157, %scan3A_137 : i32
      %add3A_159 = arith.constant 2 : i32
      %add3A_160 = arith.addi %mul3A_158, %add3A_159 : i32
      %lt3A_161 = arith.constant 125 : i32
      %lt3A_162 = arith.cmpi slt, %add3A_160, %lt3A_161 : i32
      %convert_element_type3A_163 = arith.extui %lt3A_162 : i1 to i32
      %cond3A_164 = arith.constant 0 : i32
      %cond3A_165 = arith.cmpi ne, %convert_element_type3A_163, %cond3A_164 : i32
      scf.if %cond3A_165 {
        %ge3A = arith.constant 1 : i32
        %ge3A_167 = arith.cmpi sge, %add3A_160, %ge3A : i32
        %convert_element_type3A_168 = arith.extui %ge3A_167 : i1 to i32
        %cond3A_169 = arith.constant 0 : i32
        %cond3A_170 = arith.cmpi ne, %convert_element_type3A_168, %cond3A_169 : i32
        scf.if %cond3A_170 {
          %dma_wait3A_245 = arith.constant 0 : i32
          %dma_wait3A_246 = arith.constant 0 : i32
          %dma_wait3A_247 = tpu.memref_slice %arg7[%dma_wait3A_245, %dma_wait3A_246] : memref<10000x128xf32, #tpu.memory_space<vmem_shared>> -> memref<10000x128xf32, #tpu.memory_space<vmem_shared>>
          tpu.wait_indirect_dma semaphore(%arg33 : memref<!tpu.dma_semaphore, #tpu.memory_space<semaphore_mem>>) src(%arg18 : memref<80x128xf32, #tpu.memory_space<vmem>>) dst(%dma_wait3A_247 : memref<10000x128xf32, #tpu.memory_space<vmem_shared>>)
        } else {
        }
        %add3A_171 = arith.constant 2 : i32
        %add3A_172 = arith.addi %add3A_160, %add3A_171 : i32
        %lt3A_173 = arith.constant 125 : i32
        %lt3A_174 = arith.cmpi slt, %add3A_172, %lt3A_173 : i32
        %convert_element_type3A_175 = arith.extui %lt3A_174 : i1 to i32
        %cond3A_176 = arith.constant 0 : i32
        %cond3A_177 = arith.cmpi ne, %convert_element_type3A_175, %cond3A_176 : i32
        scf.if %cond3A_177 {
          %add3A_245 = arith.constant 2 : i32
          %add3A_246 = arith.addi %add3A_160, %add3A_245 : i32
          %mul3A_247 = arith.constant 160000 : i32
          %mul3A_248 = arith.muli %arg0, %mul3A_247 : i32
          %mul3A_249 = arith.constant 16 : i32
          %mul3A_250 = arith.muli %add3A_246, %mul3A_249 : i32
          %add3A_251 = arith.addi %arg1, %mul3A_250 : i32
          %mul3A_252 = arith.constant 80 : i32
          %mul3A_253 = arith.muli %add3A_251, %mul3A_252 : i32
          %add3A_254 = arith.addi %mul3A_248, %mul3A_253 : i32
          %dma_start3A_255 = tpu.memref_slice %arg4[%add3A_254] : memref<320000xi32, #tpu.memory_space<hbm>> -> memref<80xi32, #tpu.memory_space<hbm>>
          %dma_start3A_256 = tpu.memref_slice %arg4[%add3A_254] : memref<320000xi32, #tpu.memory_space<hbm>> -> memref<80xi32, #tpu.memory_space<hbm>>
          tpu.enqueue_dma source(%dma_start3A_256 : memref<80xi32, #tpu.memory_space<hbm>>) target(%arg9 : memref<80xi32, #tpu.memory_space<vmem>>) target_semaphore(%arg21 : memref<!tpu.dma_semaphore, #tpu.memory_space<semaphore_mem>>)
          %dma_start3A_257 = tpu.memref_slice %arg5[%add3A_254] : memref<320000xi32, #tpu.memory_space<hbm>> -> memref<80xi32, #tpu.memory_space<hbm>>
          %dma_start3A_258 = tpu.memref_slice %arg5[%add3A_254] : memref<320000xi32, #tpu.memory_space<hbm>> -> memref<80xi32, #tpu.memory_space<hbm>>
          tpu.enqueue_dma source(%dma_start3A_258 : memref<80xi32, #tpu.memory_space<hbm>>) target(%arg12 : memref<80xi32, #tpu.memory_space<vmem>>) target_semaphore(%arg24 : memref<!tpu.dma_semaphore, #tpu.memory_space<semaphore_mem>>)
          %jit3A_259 = arith.constant 2 : i32
          %div3A_260 = arith.divsi %add3A_254, %jit3A_259 : i32
          %sign3A_261 = arith.constant 0 : i32
          %sign3A_262 = arith.cmpi sgt, %add3A_254, %sign3A_261 : i32
          %sign3A_263 = arith.extui %sign3A_262 : i1 to i32
          %sign3A_264 = arith.constant 0 : i32
          %sign3A_265 = arith.cmpi slt, %add3A_254, %sign3A_264 : i32
          %sign3A_266 = arith.extui %sign3A_265 : i1 to i32
          %sign3A_267 = arith.subi %sign3A_263, %sign3A_266 : i32
          %sign3A_268 = arith.constant 0 : i32
          %sign3A_269 = arith.cmpi sgt, %jit3A_259, %sign3A_268 : i32
          %sign3A_270 = arith.extui %sign3A_269 : i1 to i32
          %sign3A_271 = arith.constant 0 : i32
          %sign3A_272 = arith.cmpi slt, %jit3A_259, %sign3A_271 : i32
          %sign3A_273 = arith.extui %sign3A_272 : i1 to i32
          %sign3A_274 = arith.subi %sign3A_270, %sign3A_273 : i32
          %ne3A_275 = arith.cmpi ne, %sign3A_267, %sign3A_274 : i32
          %rem3A_276 = arith.remsi %add3A_254, %jit3A_259 : i32
          %ne3A_277 = arith.constant 0 : i32
          %ne3A_278 = arith.cmpi ne, %rem3A_276, %ne3A_277 : i32
          %and3A_279 = arith.andi %ne3A_275, %ne3A_278 : i1
          %sub3A_280 = arith.constant 1 : i32
          %sub3A_281 = arith.subi %div3A_260, %sub3A_280 : i32
          %select_n3A_282 = arith.select %and3A_279, %sub3A_281, %div3A_260 : i32
          %multiple_of3A_283 = tpu.assume_multiple %select_n3A_282, 8 : i32
          %dma_start3A_284 = arith.constant 0 : i32
          %dma_start3A_285 = tpu.memref_slice %arg3[%multiple_of3A_283, %dma_start3A_284] : memref<160000x128xi32, #tpu.memory_space<hbm>> -> memref<40x128xi32, #tpu.memory_space<hbm>>
          %dma_start3A_286 = arith.constant 0 : i32
          %dma_start3A_287 = tpu.memref_slice %arg3[%multiple_of3A_283, %dma_start3A_286] : memref<160000x128xi32, #tpu.memory_space<hbm>> -> memref<40x128xi32, #tpu.memory_space<hbm>>
          tpu.enqueue_dma source(%dma_start3A_287 : memref<40x128xi32, #tpu.memory_space<hbm>>) target(%arg15 : memref<40x128xi32, #tpu.memory_space<vmem>>) target_semaphore(%arg27 : memref<!tpu.dma_semaphore, #tpu.memory_space<semaphore_mem>>)
        } else {
        }
        %mul3A_178 = arith.constant 160000 : i32
        %mul3A_179 = arith.muli %arg0, %mul3A_178 : i32
        %mul3A_180 = arith.constant 16 : i32
        %mul3A_181 = arith.muli %add3A_160, %mul3A_180 : i32
        %add3A_182 = arith.addi %arg1, %mul3A_181 : i32
        %mul3A_183 = arith.constant 80 : i32
        %mul3A_184 = arith.muli %add3A_182, %mul3A_183 : i32
        %add3A_185 = arith.addi %mul3A_179, %mul3A_184 : i32
        %dma_wait3A_186 = tpu.memref_slice %arg5[%add3A_185] : memref<320000xi32, #tpu.memory_space<hbm>> -> memref<80xi32, #tpu.memory_space<hbm>>
        %dma_wait3A_187 = tpu.memref_slice %arg5[%add3A_185] : memref<320000xi32, #tpu.memory_space<hbm>> -> memref<80xi32, #tpu.memory_space<hbm>>
        tpu.wait_dma2 semaphore(%arg25 : memref<!tpu.dma_semaphore, #tpu.memory_space<semaphore_mem>>) src(%dma_wait3A_187 : memref<80xi32, #tpu.memory_space<hbm>>) dst(%arg13 : memref<80xi32, #tpu.memory_space<vmem>>)
        %mul3A_188 = arith.constant 160000 : i32
        %mul3A_189 = arith.muli %arg0, %mul3A_188 : i32
        %mul3A_190 = arith.constant 16 : i32
        %mul3A_191 = arith.muli %add3A_160, %mul3A_190 : i32
        %add3A_192 = arith.addi %arg1, %mul3A_191 : i32
        %mul3A_193 = arith.constant 80 : i32
        %mul3A_194 = arith.muli %add3A_192, %mul3A_193 : i32
        %add3A_195 = arith.addi %mul3A_189, %mul3A_194 : i32
        %jit3A_196 = arith.constant 2 : i32
        %div3A_197 = arith.divsi %add3A_195, %jit3A_196 : i32
        %sign3A_198 = arith.constant 0 : i32
        %sign3A_199 = arith.cmpi sgt, %add3A_195, %sign3A_198 : i32
        %sign3A_200 = arith.extui %sign3A_199 : i1 to i32
        %sign3A_201 = arith.constant 0 : i32
        %sign3A_202 = arith.cmpi slt, %add3A_195, %sign3A_201 : i32
        %sign3A_203 = arith.extui %sign3A_202 : i1 to i32
        %sign3A_204 = arith.subi %sign3A_200, %sign3A_203 : i32
        %sign3A_205 = arith.constant 0 : i32
        %sign3A_206 = arith.cmpi sgt, %jit3A_196, %sign3A_205 : i32
        %sign3A_207 = arith.extui %sign3A_206 : i1 to i32
        %sign3A_208 = arith.constant 0 : i32
        %sign3A_209 = arith.cmpi slt, %jit3A_196, %sign3A_208 : i32
        %sign3A_210 = arith.extui %sign3A_209 : i1 to i32
        %sign3A_211 = arith.subi %sign3A_207, %sign3A_210 : i32
        %ne3A_212 = arith.cmpi ne, %sign3A_204, %sign3A_211 : i32
        %rem3A_213 = arith.remsi %add3A_195, %jit3A_196 : i32
        %ne3A_214 = arith.constant 0 : i32
        %ne3A_215 = arith.cmpi ne, %rem3A_213, %ne3A_214 : i32
        %and3A_216 = arith.andi %ne3A_212, %ne3A_215 : i1
        %sub3A_217 = arith.constant 1 : i32
        %sub3A_218 = arith.subi %div3A_197, %sub3A_217 : i32
        %select_n3A_219 = arith.select %and3A_216, %sub3A_218, %div3A_197 : i32
        %multiple_of3A_220 = tpu.assume_multiple %select_n3A_219, 8 : i32
        %dma_wait3A_221 = arith.constant 0 : i32
        %dma_wait3A_222 = tpu.memref_slice %arg3[%multiple_of3A_220, %dma_wait3A_221] : memref<160000x128xi32, #tpu.memory_space<hbm>> -> memref<40x128xi32, #tpu.memory_space<hbm>>
        %dma_wait3A_223 = arith.constant 0 : i32
        %dma_wait3A_224 = tpu.memref_slice %arg3[%multiple_of3A_220, %dma_wait3A_223] : memref<160000x128xi32, #tpu.memory_space<hbm>> -> memref<40x128xi32, #tpu.memory_space<hbm>>
        tpu.wait_dma2 semaphore(%arg28 : memref<!tpu.dma_semaphore, #tpu.memory_space<semaphore_mem>>) src(%dma_wait3A_224 : memref<40x128xi32, #tpu.memory_space<hbm>>) dst(%arg16 : memref<40x128xi32, #tpu.memory_space<vmem>>)
        %dma_wait3A_225 = arith.constant 0 : i32
        %dma_wait3A_226 = arith.constant 0 : i32
        %dma_wait3A_227 = tpu.memref_slice %arg2[%dma_wait3A_225, %dma_wait3A_226] : memref<10000x128xf32, #tpu.memory_space<hbm>> -> memref<10000x128xf32, #tpu.memory_space<hbm>>
        tpu.wait_indirect_dma semaphore(%arg31 : memref<!tpu.dma_semaphore, #tpu.memory_space<semaphore_mem>>) src(%dma_wait3A_227 : memref<10000x128xf32, #tpu.memory_space<hbm>>) dst(%arg19 : memref<80x128xf32, #tpu.memory_space<vmem>>)
        %scan3A_228 = arith.constant 0 : i32
        %scan3A_229 = arith.constant 0 : i32
        %scan3A_230 = arith.constant 40 : i32
        %scan3A_231 = arith.addi %scan3A_229, %scan3A_230 : i32
        %scan3A_232 = arith.constant 1 : i32
        %scan3A_233 = scf.for %scan3A_245 = %scan3A_229 to %scan3A_231 step %scan3A_232 iter_args(%scan3A_246 = %scan3A_228) -> (i32)  : i32 {
          %get3A = arith.index_cast %scan3A_245 : i32 to index
          %get3A_247 = arith.constant 0 : index
          %get3A_248 = tpu.vector_load %arg16[%get3A, %get3A_247] {strides = array<i32>} : memref<40x128xi32, #tpu.memory_space<vmem>>, vector<1x16xi32>,
          %get3A_249 = vector.shape_cast %get3A_248 : vector<1x16xi32> to vector<16xi32>
          %shift_left3A = arith.constant 16 : i32
          %shift_left3A_250 = vector.broadcast %shift_left3A : i32 to vector<16xi32>
          %shift_left3A_251 = arith.shli %get3A_249, %shift_left3A_250 : vector<16xi32>
          %bitcast_convert_type3A = tpu.bitcast %shift_left3A_251 : vector<16xi32> -> vector<16xf32>
          %and3A_252 = arith.constant -65536 : i32
          %and3A_253 = vector.broadcast %and3A_252 : i32 to vector<16xi32>
          %and3A_254 = arith.andi %get3A_249, %and3A_253 : vector<16xi32>
          %bitcast_convert_type3A_255 = tpu.bitcast %and3A_254 : vector<16xi32> -> vector<16xf32>
          %get3A_256 = arith.index_cast %scan3A_245 : i32 to index
          %get3A_257 = arith.constant 0 : index
          %get3A_258 = tpu.vector_load %arg19[%get3A_256, %get3A_257] {strides = array<i32>} : memref<80x128xf32, #tpu.memory_space<vmem>>, vector<1x16xf32>,
          %get3A_259 = vector.shape_cast %get3A_258 : vector<1x16xf32> to vector<16xf32>
          %mul3A_260 = arith.mulf %get3A_259, %bitcast_convert_type3A : vector<16xf32>
          %swap3A = arith.index_cast %scan3A_245 : i32 to index
          %swap3A_261 = arith.constant 0 : index
          %swap3A_262 = tpu.vector_load %arg19[%swap3A, %swap3A_261] {strides = array<i32>} : memref<80x128xf32, #tpu.memory_space<vmem>>, vector<1x16xf32>,
          %swap3A_263 = vector.shape_cast %swap3A_262 : vector<1x16xf32> to vector<16xf32>
          %swap3A_264 = vector.shape_cast %mul3A_260 : vector<16xf32> to vector<1x16xf32>
          tpu.vector_store %arg19[%swap3A, %swap3A_261], %swap3A_264 {strides = array<i32>} : memref<80x128xf32, #tpu.memory_space<vmem>>, vector<1x16xf32>,
          %add3A_265 = arith.constant 40 : i32
          %add3A_266 = arith.addi %scan3A_245, %add3A_265 : i32
          %get3A_267 = arith.index_cast %add3A_266 : i32 to index
          %get3A_268 = arith.constant 0 : index
          %get3A_269 = tpu.vector_load %arg19[%get3A_267, %get3A_268] {strides = array<i32>} : memref<80x128xf32, #tpu.memory_space<vmem>>, vector<1x16xf32>,
          %get3A_270 = vector.shape_cast %get3A_269 : vector<1x16xf32> to vector<16xf32>
          %mul3A_271 = arith.mulf %get3A_270, %bitcast_convert_type3A_255 : vector<16xf32>
          %add3A_272 = arith.constant 40 : i32
          %add3A_273 = arith.addi %scan3A_245, %add3A_272 : i32
          %swap3A_274 = arith.index_cast %add3A_273 : i32 to index
          %swap3A_275 = arith.constant 0 : index
          %swap3A_276 = tpu.vector_load %arg19[%swap3A_274, %swap3A_275] {strides = array<i32>} : memref<80x128xf32, #tpu.memory_space<vmem>>, vector<1x16xf32>,
          %swap3A_277 = vector.shape_cast %swap3A_276 : vector<1x16xf32> to vector<16xf32>
          %swap3A_278 = vector.shape_cast %mul3A_271 : vector<16xf32> to vector<1x16xf32>
          tpu.vector_store %arg19[%swap3A_274, %swap3A_275], %swap3A_278 {strides = array<i32>} : memref<80x128xf32, #tpu.memory_space<vmem>>, vector<1x16xf32>,
          %get3A_279 = arith.index_cast %scan3A_245 : i32 to index
          %get3A_280 = arith.constant 16 : index
          %get3A_281 = tpu.vector_load %arg16[%get3A_279, %get3A_280] {strides = array<i32>} : memref<40x128xi32, #tpu.memory_space<vmem>>, vector<1x16xi32>,
          %get3A_282 = vector.shape_cast %get3A_281 : vector<1x16xi32> to vector<16xi32>
          %shift_left3A_283 = arith.constant 16 : i32
          %shift_left3A_284 = vector.broadcast %shift_left3A_283 : i32 to vector<16xi32>
          %shift_left3A_285 = arith.shli %get3A_282, %shift_left3A_284 : vector<16xi32>
          %bitcast_convert_type3A_286 = tpu.bitcast %shift_left3A_285 : vector<16xi32> -> vector<16xf32>
          %and3A_287 = arith.constant -65536 : i32
          %and3A_288 = vector.broadcast %and3A_287 : i32 to vector<16xi32>
          %and3A_289 = arith.andi %get3A_282, %and3A_288 : vector<16xi32>
          %bitcast_convert_type3A_290 = tpu.bitcast %and3A_289 : vector<16xi32> -> vector<16xf32>
          %get3A_291 = arith.index_cast %scan3A_245 : i32 to index
          %get3A_292 = arith.constant 16 : index
          %get3A_293 = tpu.vector_load %arg19[%get3A_291, %get3A_292] {strides = array<i32>} : memref<80x128xf32, #tpu.memory_space<vmem>>, vector<1x16xf32>,
          %get3A_294 = vector.shape_cast %get3A_293 : vector<1x16xf32> to vector<16xf32>
          %mul3A_295 = arith.mulf %get3A_294, %bitcast_convert_type3A_286 : vector<16xf32>
          %swap3A_296 = arith.index_cast %scan3A_245 : i32 to index
          %swap3A_297 = arith.constant 16 : index
          %swap3A_298 = tpu.vector_load %arg19[%swap3A_296, %swap3A_297] {strides = array<i32>} : memref<80x128xf32, #tpu.memory_space<vmem>>, vector<1x16xf32>,
          %swap3A_299 = vector.shape_cast %swap3A_298 : vector<1x16xf32> to vector<16xf32>
          %swap3A_300 = vector.shape_cast %mul3A_295 : vector<16xf32> to vector<1x16xf32>
          tpu.vector_store %arg19[%swap3A_296, %swap3A_297], %swap3A_300 {strides = array<i32>} : memref<80x128xf32, #tpu.memory_space<vmem>>, vector<1x16xf32>,
          %add3A_301 = arith.constant 40 : i32
          %add3A_302 = arith.addi %scan3A_245, %add3A_301 : i32
          %get3A_303 = arith.index_cast %add3A_302 : i32 to index
          %get3A_304 = arith.constant 16 : index
          %get3A_305 = tpu.vector_load %arg19[%get3A_303, %get3A_304] {strides = array<i32>} : memref<80x128xf32, #tpu.memory_space<vmem>>, vector<1x16xf32>,
          %get3A_306 = vector.shape_cast %get3A_305 : vector<1x16xf32> to vector<16xf32>
          %mul3A_307 = arith.mulf %get3A_306, %bitcast_convert_type3A_290 : vector<16xf32>
          %add3A_308 = arith.constant 40 : i32
          %add3A_309 = arith.addi %scan3A_245, %add3A_308 : i32
          %swap3A_310 = arith.index_cast %add3A_309 : i32 to index
          %swap3A_311 = arith.constant 16 : index
          %swap3A_312 = tpu.vector_load %arg19[%swap3A_310, %swap3A_311] {strides = array<i32>} : memref<80x128xf32, #tpu.memory_space<vmem>>, vector<1x16xf32>,
          %swap3A_313 = vector.shape_cast %swap3A_312 : vector<1x16xf32> to vector<16xf32>
          %swap3A_314 = vector.shape_cast %mul3A_307 : vector<16xf32> to vector<1x16xf32>
          tpu.vector_store %arg19[%swap3A_310, %swap3A_311], %swap3A_314 {strides = array<i32>} : memref<80x128xf32, #tpu.memory_space<vmem>>, vector<1x16xf32>,
          %get3A_315 = arith.index_cast %scan3A_245 : i32 to index
          %get3A_316 = arith.constant 32 : index
          %get3A_317 = tpu.vector_load %arg16[%get3A_315, %get3A_316] {strides = array<i32>} : memref<40x128xi32, #tpu.memory_space<vmem>>, vector<1x16xi32>,
          %get3A_318 = vector.shape_cast %get3A_317 : vector<1x16xi32> to vector<16xi32>
          %shift_left3A_319 = arith.constant 16 : i32
          %shift_left3A_320 = vector.broadcast %shift_left3A_319 : i32 to vector<16xi32>
          %shift_left3A_321 = arith.shli %get3A_318, %shift_left3A_320 : vector<16xi32>
          %bitcast_convert_type3A_322 = tpu.bitcast %shift_left3A_321 : vector<16xi32> -> vector<16xf32>
          %and3A_323 = arith.constant -65536 : i32
          %and3A_324 = vector.broadcast %and3A_323 : i32 to vector<16xi32>
          %and3A_325 = arith.andi %get3A_318, %and3A_324 : vector<16xi32>
          %bitcast_convert_type3A_326 = tpu.bitcast %and3A_325 : vector<16xi32> -> vector<16xf32>
          %get3A_327 = arith.index_cast %scan3A_245 : i32 to index
          %get3A_328 = arith.constant 32 : index
          %get3A_329 = tpu.vector_load %arg19[%get3A_327, %get3A_328] {strides = array<i32>} : memref<80x128xf32, #tpu.memory_space<vmem>>, vector<1x16xf32>,
          %get3A_330 = vector.shape_cast %get3A_329 : vector<1x16xf32> to vector<16xf32>
          %mul3A_331 = arith.mulf %get3A_330, %bitcast_convert_type3A_322 : vector<16xf32>
          %swap3A_332 = arith.index_cast %scan3A_245 : i32 to index
          %swap3A_333 = arith.constant 32 : index
          %swap3A_334 = tpu.vector_load %arg19[%swap3A_332, %swap3A_333] {strides = array<i32>} : memref<80x128xf32, #tpu.memory_space<vmem>>, vector<1x16xf32>,
          %swap3A_335 = vector.shape_cast %swap3A_334 : vector<1x16xf32> to vector<16xf32>
          %swap3A_336 = vector.shape_cast %mul3A_331 : vector<16xf32> to vector<1x16xf32>
          tpu.vector_store %arg19[%swap3A_332, %swap3A_333], %swap3A_336 {strides = array<i32>} : memref<80x128xf32, #tpu.memory_space<vmem>>, vector<1x16xf32>,
          %add3A_337 = arith.constant 40 : i32
          %add3A_338 = arith.addi %scan3A_245, %add3A_337 : i32
          %get3A_339 = arith.index_cast %add3A_338 : i32 to index
          %get3A_340 = arith.constant 32 : index
          %get3A_341 = tpu.vector_load %arg19[%get3A_339, %get3A_340] {strides = array<i32>} : memref<80x128xf32, #tpu.memory_space<vmem>>, vector<1x16xf32>,
          %get3A_342 = vector.shape_cast %get3A_341 : vector<1x16xf32> to vector<16xf32>
          %mul3A_343 = arith.mulf %get3A_342, %bitcast_convert_type3A_326 : vector<16xf32>
          %add3A_344 = arith.constant 40 : i32
          %add3A_345 = arith.addi %scan3A_245, %add3A_344 : i32
          %swap3A_346 = arith.index_cast %add3A_345 : i32 to index
          %swap3A_347 = arith.constant 32 : index
          %swap3A_348 = tpu.vector_load %arg19[%swap3A_346, %swap3A_347] {strides = array<i32>} : memref<80x128xf32, #tpu.memory_space<vmem>>, vector<1x16xf32>,
          %swap3A_349 = vector.shape_cast %swap3A_348 : vector<1x16xf32> to vector<16xf32>
          %swap3A_350 = vector.shape_cast %mul3A_343 : vector<16xf32> to vector<1x16xf32>
          tpu.vector_store %arg19[%swap3A_346, %swap3A_347], %swap3A_350 {strides = array<i32>} : memref<80x128xf32, #tpu.memory_space<vmem>>, vector<1x16xf32>,
          %get3A_351 = arith.index_cast %scan3A_245 : i32 to index
          %get3A_352 = arith.constant 48 : index
          %get3A_353 = tpu.vector_load %arg16[%get3A_351, %get3A_352] {strides = array<i32>} : memref<40x128xi32, #tpu.memory_space<vmem>>, vector<1x16xi32>,
          %get3A_354 = vector.shape_cast %get3A_353 : vector<1x16xi32> to vector<16xi32>
          %shift_left3A_355 = arith.constant 16 : i32
          %shift_left3A_356 = vector.broadcast %shift_left3A_355 : i32 to vector<16xi32>
          %shift_left3A_357 = arith.shli %get3A_354, %shift_left3A_356 : vector<16xi32>
          %bitcast_convert_type3A_358 = tpu.bitcast %shift_left3A_357 : vector<16xi32> -> vector<16xf32>
          %and3A_359 = arith.constant -65536 : i32
          %and3A_360 = vector.broadcast %and3A_359 : i32 to vector<16xi32>
          %and3A_361 = arith.andi %get3A_354, %and3A_360 : vector<16xi32>
          %bitcast_convert_type3A_362 = tpu.bitcast %and3A_361 : vector<16xi32> -> vector<16xf32>
          %get3A_363 = arith.index_cast %scan3A_245 : i32 to index
          %get3A_364 = arith.constant 48 : index
          %get3A_365 = tpu.vector_load %arg19[%get3A_363, %get3A_364] {strides = array<i32>} : memref<80x128xf32, #tpu.memory_space<vmem>>, vector<1x16xf32>,
          %get3A_366 = vector.shape_cast %get3A_365 : vector<1x16xf32> to vector<16xf32>
          %mul3A_367 = arith.mulf %get3A_366, %bitcast_convert_type3A_358 : vector<16xf32>
          %swap3A_368 = arith.index_cast %scan3A_245 : i32 to index
          %swap3A_369 = arith.constant 48 : index
          %swap3A_370 = tpu.vector_load %arg19[%swap3A_368, %swap3A_369] {strides = array<i32>} : memref<80x128xf32, #tpu.memory_space<vmem>>, vector<1x16xf32>,
          %swap3A_371 = vector.shape_cast %swap3A_370 : vector<1x16xf32> to vector<16xf32>
          %swap3A_372 = vector.shape_cast %mul3A_367 : vector<16xf32> to vector<1x16xf32>
          tpu.vector_store %arg19[%swap3A_368, %swap3A_369], %swap3A_372 {strides = array<i32>} : memref<80x128xf32, #tpu.memory_space<vmem>>, vector<1x16xf32>,
          %add3A_373 = arith.constant 40 : i32
          %add3A_374 = arith.addi %scan3A_245, %add3A_373 : i32
          %get3A_375 = arith.index_cast %add3A_374 : i32 to index
          %get3A_376 = arith.constant 48 : index
          %get3A_377 = tpu.vector_load %arg19[%get3A_375, %get3A_376] {strides = array<i32>} : memref<80x128xf32, #tpu.memory_space<vmem>>, vector<1x16xf32>,
          %get3A_378 = vector.shape_cast %get3A_377 : vector<1x16xf32> to vector<16xf32>
          %mul3A_379 = arith.mulf %get3A_378, %bitcast_convert_type3A_362 : vector<16xf32>
          %add3A_380 = arith.constant 40 : i32
          %add3A_381 = arith.addi %scan3A_245, %add3A_380 : i32
          %swap3A_382 = arith.index_cast %add3A_381 : i32 to index
          %swap3A_383 = arith.constant 48 : index
          %swap3A_384 = tpu.vector_load %arg19[%swap3A_382, %swap3A_383] {strides = array<i32>} : memref<80x128xf32, #tpu.memory_space<vmem>>, vector<1x16xf32>,
          %swap3A_385 = vector.shape_cast %swap3A_384 : vector<1x16xf32> to vector<16xf32>
          %swap3A_386 = vector.shape_cast %mul3A_379 : vector<16xf32> to vector<1x16xf32>
          tpu.vector_store %arg19[%swap3A_382, %swap3A_383], %swap3A_386 {strides = array<i32>} : memref<80x128xf32, #tpu.memory_space<vmem>>, vector<1x16xf32>,
          %get3A_387 = arith.index_cast %scan3A_245 : i32 to index
          %get3A_388 = arith.constant 64 : index
          %get3A_389 = tpu.vector_load %arg16[%get3A_387, %get3A_388] {strides = array<i32>} : memref<40x128xi32, #tpu.memory_space<vmem>>, vector<1x16xi32>,
          %get3A_390 = vector.shape_cast %get3A_389 : vector<1x16xi32> to vector<16xi32>
          %shift_left3A_391 = arith.constant 16 : i32
          %shift_left3A_392 = vector.broadcast %shift_left3A_391 : i32 to vector<16xi32>
          %shift_left3A_393 = arith.shli %get3A_390, %shift_left3A_392 : vector<16xi32>
          %bitcast_convert_type3A_394 = tpu.bitcast %shift_left3A_393 : vector<16xi32> -> vector<16xf32>
          %and3A_395 = arith.constant -65536 : i32
          %and3A_396 = vector.broadcast %and3A_395 : i32 to vector<16xi32>
          %and3A_397 = arith.andi %get3A_390, %and3A_396 : vector<16xi32>
          %bitcast_convert_type3A_398 = tpu.bitcast %and3A_397 : vector<16xi32> -> vector<16xf32>
          %get3A_399 = arith.index_cast %scan3A_245 : i32 to index
          %get3A_400 = arith.constant 64 : index
          %get3A_401 = tpu.vector_load %arg19[%get3A_399, %get3A_400] {strides = array<i32>} : memref<80x128xf32, #tpu.memory_space<vmem>>, vector<1x16xf32>,
          %get3A_402 = vector.shape_cast %get3A_401 : vector<1x16xf32> to vector<16xf32>
          %mul3A_403 = arith.mulf %get3A_402, %bitcast_convert_type3A_394 : vector<16xf32>
          %swap3A_404 = arith.index_cast %scan3A_245 : i32 to index
          %swap3A_405 = arith.constant 64 : index
          %swap3A_406 = tpu.vector_load %arg19[%swap3A_404, %swap3A_405] {strides = array<i32>} : memref<80x128xf32, #tpu.memory_space<vmem>>, vector<1x16xf32>,
          %swap3A_407 = vector.shape_cast %swap3A_406 : vector<1x16xf32> to vector<16xf32>
          %swap3A_408 = vector.shape_cast %mul3A_403 : vector<16xf32> to vector<1x16xf32>
          tpu.vector_store %arg19[%swap3A_404, %swap3A_405], %swap3A_408 {strides = array<i32>} : memref<80x128xf32, #tpu.memory_space<vmem>>, vector<1x16xf32>,
          %add3A_409 = arith.constant 40 : i32
          %add3A_410 = arith.addi %scan3A_245, %add3A_409 : i32
          %get3A_411 = arith.index_cast %add3A_410 : i32 to index
          %get3A_412 = arith.constant 64 : index
          %get3A_413 = tpu.vector_load %arg19[%get3A_411, %get3A_412] {strides = array<i32>} : memref<80x128xf32, #tpu.memory_space<vmem>>, vector<1x16xf32>,
          %get3A_414 = vector.shape_cast %get3A_413 : vector<1x16xf32> to vector<16xf32>
          %mul3A_415 = arith.mulf %get3A_414, %bitcast_convert_type3A_398 : vector<16xf32>
          %add3A_416 = arith.constant 40 : i32
          %add3A_417 = arith.addi %scan3A_245, %add3A_416 : i32
          %swap3A_418 = arith.index_cast %add3A_417 : i32 to index
          %swap3A_419 = arith.constant 64 : index
          %swap3A_420 = tpu.vector_load %arg19[%swap3A_418, %swap3A_419] {strides = array<i32>} : memref<80x128xf32, #tpu.memory_space<vmem>>, vector<1x16xf32>,
          %swap3A_421 = vector.shape_cast %swap3A_420 : vector<1x16xf32> to vector<16xf32>
          %swap3A_422 = vector.shape_cast %mul3A_415 : vector<16xf32> to vector<1x16xf32>
          tpu.vector_store %arg19[%swap3A_418, %swap3A_419], %swap3A_422 {strides = array<i32>} : memref<80x128xf32, #tpu.memory_space<vmem>>, vector<1x16xf32>,
          %get3A_423 = arith.index_cast %scan3A_245 : i32 to index
          %get3A_424 = arith.constant 80 : index
          %get3A_425 = tpu.vector_load %arg16[%get3A_423, %get3A_424] {strides = array<i32>} : memref<40x128xi32, #tpu.memory_space<vmem>>, vector<1x16xi32>,
          %get3A_426 = vector.shape_cast %get3A_425 : vector<1x16xi32> to vector<16xi32>
          %shift_left3A_427 = arith.constant 16 : i32
          %shift_left3A_428 = vector.broadcast %shift_left3A_427 : i32 to vector<16xi32>
          %shift_left3A_429 = arith.shli %get3A_426, %shift_left3A_428 : vector<16xi32>
          %bitcast_convert_type3A_430 = tpu.bitcast %shift_left3A_429 : vector<16xi32> -> vector<16xf32>
          %and3A_431 = arith.constant -65536 : i32
          %and3A_432 = vector.broadcast %and3A_431 : i32 to vector<16xi32>
          %and3A_433 = arith.andi %get3A_426, %and3A_432 : vector<16xi32>
          %bitcast_convert_type3A_434 = tpu.bitcast %and3A_433 : vector<16xi32> -> vector<16xf32>
          %get3A_435 = arith.index_cast %scan3A_245 : i32 to index
          %get3A_436 = arith.constant 80 : index
          %get3A_437 = tpu.vector_load %arg19[%get3A_435, %get3A_436] {strides = array<i32>} : memref<80x128xf32, #tpu.memory_space<vmem>>, vector<1x16xf32>,
          %get3A_438 = vector.shape_cast %get3A_437 : vector<1x16xf32> to vector<16xf32>
          %mul3A_439 = arith.mulf %get3A_438, %bitcast_convert_type3A_430 : vector<16xf32>
          %swap3A_440 = arith.index_cast %scan3A_245 : i32 to index
          %swap3A_441 = arith.constant 80 : index
          %swap3A_442 = tpu.vector_load %arg19[%swap3A_440, %swap3A_441] {strides = array<i32>} : memref<80x128xf32, #tpu.memory_space<vmem>>, vector<1x16xf32>,
          %swap3A_443 = vector.shape_cast %swap3A_442 : vector<1x16xf32> to vector<16xf32>
          %swap3A_444 = vector.shape_cast %mul3A_439 : vector<16xf32> to vector<1x16xf32>
          tpu.vector_store %arg19[%swap3A_440, %swap3A_441], %swap3A_444 {strides = array<i32>} : memref<80x128xf32, #tpu.memory_space<vmem>>, vector<1x16xf32>,
          %add3A_445 = arith.constant 40 : i32
          %add3A_446 = arith.addi %scan3A_245, %add3A_445 : i32
          %get3A_447 = arith.index_cast %add3A_446 : i32 to index
          %get3A_448 = arith.constant 80 : index
          %get3A_449 = tpu.vector_load %arg19[%get3A_447, %get3A_448] {strides = array<i32>} : memref<80x128xf32, #tpu.memory_space<vmem>>, vector<1x16xf32>,
          %get3A_450 = vector.shape_cast %get3A_449 : vector<1x16xf32> to vector<16xf32>
          %mul3A_451 = arith.mulf %get3A_450, %bitcast_convert_type3A_434 : vector<16xf32>
          %add3A_452 = arith.constant 40 : i32
          %add3A_453 = arith.addi %scan3A_245, %add3A_452 : i32
          %swap3A_454 = arith.index_cast %add3A_453 : i32 to index
          %swap3A_455 = arith.constant 80 : index
          %swap3A_456 = tpu.vector_load %arg19[%swap3A_454, %swap3A_455] {strides = array<i32>} : memref<80x128xf32, #tpu.memory_space<vmem>>, vector<1x16xf32>,
          %swap3A_457 = vector.shape_cast %swap3A_456 : vector<1x16xf32> to vector<16xf32>
          %swap3A_458 = vector.shape_cast %mul3A_451 : vector<16xf32> to vector<1x16xf32>
          tpu.vector_store %arg19[%swap3A_454, %swap3A_455], %swap3A_458 {strides = array<i32>} : memref<80x128xf32, #tpu.memory_space<vmem>>, vector<1x16xf32>,
          %get3A_459 = arith.index_cast %scan3A_245 : i32 to index
          %get3A_460 = arith.constant 96 : index
          %get3A_461 = tpu.vector_load %arg16[%get3A_459, %get3A_460] {strides = array<i32>} : memref<40x128xi32, #tpu.memory_space<vmem>>, vector<1x16xi32>,
          %get3A_462 = vector.shape_cast %get3A_461 : vector<1x16xi32> to vector<16xi32>
          %shift_left3A_463 = arith.constant 16 : i32
          %shift_left3A_464 = vector.broadcast %shift_left3A_463 : i32 to vector<16xi32>
          %shift_left3A_465 = arith.shli %get3A_462, %shift_left3A_464 : vector<16xi32>
          %bitcast_convert_type3A_466 = tpu.bitcast %shift_left3A_465 : vector<16xi32> -> vector<16xf32>
          %and3A_467 = arith.constant -65536 : i32
          %and3A_468 = vector.broadcast %and3A_467 : i32 to vector<16xi32>
          %and3A_469 = arith.andi %get3A_462, %and3A_468 : vector<16xi32>
          %bitcast_convert_type3A_470 = tpu.bitcast %and3A_469 : vector<16xi32> -> vector<16xf32>
          %get3A_471 = arith.index_cast %scan3A_245 : i32 to index
          %get3A_472 = arith.constant 96 : index
          %get3A_473 = tpu.vector_load %arg19[%get3A_471, %get3A_472] {strides = array<i32>} : memref<80x128xf32, #tpu.memory_space<vmem>>, vector<1x16xf32>,
          %get3A_474 = vector.shape_cast %get3A_473 : vector<1x16xf32> to vector<16xf32>
          %mul3A_475 = arith.mulf %get3A_474, %bitcast_convert_type3A_466 : vector<16xf32>
          %swap3A_476 = arith.index_cast %scan3A_245 : i32 to index
          %swap3A_477 = arith.constant 96 : index
          %swap3A_478 = tpu.vector_load %arg19[%swap3A_476, %swap3A_477] {strides = array<i32>} : memref<80x128xf32, #tpu.memory_space<vmem>>, vector<1x16xf32>,
          %swap3A_479 = vector.shape_cast %swap3A_478 : vector<1x16xf32> to vector<16xf32>
          %swap3A_480 = vector.shape_cast %mul3A_475 : vector<16xf32> to vector<1x16xf32>
          tpu.vector_store %arg19[%swap3A_476, %swap3A_477], %swap3A_480 {strides = array<i32>} : memref<80x128xf32, #tpu.memory_space<vmem>>, vector<1x16xf32>,
          %add3A_481 = arith.constant 40 : i32
          %add3A_482 = arith.addi %scan3A_245, %add3A_481 : i32
          %get3A_483 = arith.index_cast %add3A_482 : i32 to index
          %get3A_484 = arith.constant 96 : index
          %get3A_485 = tpu.vector_load %arg19[%get3A_483, %get3A_484] {strides = array<i32>} : memref<80x128xf32, #tpu.memory_space<vmem>>, vector<1x16xf32>,
          %get3A_486 = vector.shape_cast %get3A_485 : vector<1x16xf32> to vector<16xf32>
          %mul3A_487 = arith.mulf %get3A_486, %bitcast_convert_type3A_470 : vector<16xf32>
          %add3A_488 = arith.constant 40 : i32
          %add3A_489 = arith.addi %scan3A_245, %add3A_488 : i32
          %swap3A_490 = arith.index_cast %add3A_489 : i32 to index
          %swap3A_491 = arith.constant 96 : index
          %swap3A_492 = tpu.vector_load %arg19[%swap3A_490, %swap3A_491] {strides = array<i32>} : memref<80x128xf32, #tpu.memory_space<vmem>>, vector<1x16xf32>,
          %swap3A_493 = vector.shape_cast %swap3A_492 : vector<1x16xf32> to vector<16xf32>
          %swap3A_494 = vector.shape_cast %mul3A_487 : vector<16xf32> to vector<1x16xf32>
          tpu.vector_store %arg19[%swap3A_490, %swap3A_491], %swap3A_494 {strides = array<i32>} : memref<80x128xf32, #tpu.memory_space<vmem>>, vector<1x16xf32>,
          %get3A_495 = arith.index_cast %scan3A_245 : i32 to index
          %get3A_496 = arith.constant 112 : index
          %get3A_497 = tpu.vector_load %arg16[%get3A_495, %get3A_496] {strides = array<i32>} : memref<40x128xi32, #tpu.memory_space<vmem>>, vector<1x16xi32>,
          %get3A_498 = vector.shape_cast %get3A_497 : vector<1x16xi32> to vector<16xi32>
          %shift_left3A_499 = arith.constant 16 : i32
          %shift_left3A_500 = vector.broadcast %shift_left3A_499 : i32 to vector<16xi32>
          %shift_left3A_501 = arith.shli %get3A_498, %shift_left3A_500 : vector<16xi32>
          %bitcast_convert_type3A_502 = tpu.bitcast %shift_left3A_501 : vector<16xi32> -> vector<16xf32>
          %and3A_503 = arith.constant -65536 : i32
          %and3A_504 = vector.broadcast %and3A_503 : i32 to vector<16xi32>
          %and3A_505 = arith.andi %get3A_498, %and3A_504 : vector<16xi32>
          %bitcast_convert_type3A_506 = tpu.bitcast %and3A_505 : vector<16xi32> -> vector<16xf32>
          %get3A_507 = arith.index_cast %scan3A_245 : i32 to index
          %get3A_508 = arith.constant 112 : index
          %get3A_509 = tpu.vector_load %arg19[%get3A_507, %get3A_508] {strides = array<i32>} : memref<80x128xf32, #tpu.memory_space<vmem>>, vector<1x16xf32>,
          %get3A_510 = vector.shape_cast %get3A_509 : vector<1x16xf32> to vector<16xf32>
          %mul3A_511 = arith.mulf %get3A_510, %bitcast_convert_type3A_502 : vector<16xf32>
          %swap3A_512 = arith.index_cast %scan3A_245 : i32 to index
          %swap3A_513 = arith.constant 112 : index
          %swap3A_514 = tpu.vector_load %arg19[%swap3A_512, %swap3A_513] {strides = array<i32>} : memref<80x128xf32, #tpu.memory_space<vmem>>, vector<1x16xf32>,
          %swap3A_515 = vector.shape_cast %swap3A_514 : vector<1x16xf32> to vector<16xf32>
          %swap3A_516 = vector.shape_cast %mul3A_511 : vector<16xf32> to vector<1x16xf32>
          tpu.vector_store %arg19[%swap3A_512, %swap3A_513], %swap3A_516 {strides = array<i32>} : memref<80x128xf32, #tpu.memory_space<vmem>>, vector<1x16xf32>,
          %add3A_517 = arith.constant 40 : i32
          %add3A_518 = arith.addi %scan3A_245, %add3A_517 : i32
          %get3A_519 = arith.index_cast %add3A_518 : i32 to index
          %get3A_520 = arith.constant 112 : index
          %get3A_521 = tpu.vector_load %arg19[%get3A_519, %get3A_520] {strides = array<i32>} : memref<80x128xf32, #tpu.memory_space<vmem>>, vector<1x16xf32>,
          %get3A_522 = vector.shape_cast %get3A_521 : vector<1x16xf32> to vector<16xf32>
          %mul3A_523 = arith.mulf %get3A_522, %bitcast_convert_type3A_506 : vector<16xf32>
          %add3A_524 = arith.constant 40 : i32
          %add3A_525 = arith.addi %scan3A_245, %add3A_524 : i32
          %swap3A_526 = arith.index_cast %add3A_525 : i32 to index
          %swap3A_527 = arith.constant 112 : index
          %swap3A_528 = tpu.vector_load %arg19[%swap3A_526, %swap3A_527] {strides = array<i32>} : memref<80x128xf32, #tpu.memory_space<vmem>>, vector<1x16xf32>,
          %swap3A_529 = vector.shape_cast %swap3A_528 : vector<1x16xf32> to vector<16xf32>
          %swap3A_530 = vector.shape_cast %mul3A_523 : vector<16xf32> to vector<1x16xf32>
          tpu.vector_store %arg19[%swap3A_526, %swap3A_527], %swap3A_530 {strides = array<i32>} : memref<80x128xf32, #tpu.memory_space<vmem>>, vector<1x16xf32>,
          %scan3A_531 = arith.constant 0 : i32
          scf.yield %scan3A_531 : i32
        }
        %scan3A_234 = arith.constant 40 : i32
        %add3A_235 = arith.constant 2 : i32
        %add3A_236 = arith.addi %add3A_160, %add3A_235 : i32
        %lt3A_237 = arith.constant 125 : i32
        %lt3A_238 = arith.cmpi slt, %add3A_236, %lt3A_237 : i32
        %convert_element_type3A_239 = arith.extui %lt3A_238 : i1 to i32
        %cond3A_240 = arith.constant 0 : i32
        %cond3A_241 = arith.cmpi ne, %convert_element_type3A_239, %cond3A_240 : i32
        scf.if %cond3A_241 {
          %add3A_245 = arith.constant 2 : i32
          %add3A_246 = arith.addi %add3A_160, %add3A_245 : i32
          %mul3A_247 = arith.constant 160000 : i32
          %mul3A_248 = arith.muli %arg0, %mul3A_247 : i32
          %mul3A_249 = arith.constant 16 : i32
          %mul3A_250 = arith.muli %add3A_246, %mul3A_249 : i32
          %add3A_251 = arith.addi %arg1, %mul3A_250 : i32
          %mul3A_252 = arith.constant 80 : i32
          %mul3A_253 = arith.muli %add3A_251, %mul3A_252 : i32
          %add3A_254 = arith.addi %mul3A_248, %mul3A_253 : i32
          %dma_wait3A_255 = tpu.memref_slice %arg4[%add3A_254] : memref<320000xi32, #tpu.memory_space<hbm>> -> memref<80xi32, #tpu.memory_space<hbm>>
          %dma_wait3A_256 = tpu.memref_slice %arg4[%add3A_254] : memref<320000xi32, #tpu.memory_space<hbm>> -> memref<80xi32, #tpu.memory_space<hbm>>
          tpu.wait_dma2 semaphore(%arg21 : memref<!tpu.dma_semaphore, #tpu.memory_space<semaphore_mem>>) src(%dma_wait3A_256 : memref<80xi32, #tpu.memory_space<hbm>>) dst(%arg9 : memref<80xi32, #tpu.memory_space<vmem>>)
          %dma_start3A_257 = arith.constant 0 : i32
          %dma_start3A_258 = arith.constant 0 : i32
          %dma_start3A_259 = tpu.memref_slice %arg2[%dma_start3A_257, %dma_start3A_258] : memref<10000x128xf32, #tpu.memory_space<hbm>> -> memref<10000x128xf32, #tpu.memory_space<hbm>>
          tpu.enqueue_indirect_dma source(%dma_start3A_259 : memref<10000x128xf32, #tpu.memory_space<hbm>>) target(%arg18 : memref<80x128xf32, #tpu.memory_space<vmem>>) offsets(%arg9 : memref<80xi32, #tpu.memory_space<vmem>>) semaphore(%arg30 : memref<!tpu.dma_semaphore, #tpu.memory_space<semaphore_mem>>)
        } else {
        }
        %dma_start3A_242 = arith.constant 0 : i32
        %dma_start3A_243 = arith.constant 0 : i32
        %dma_start3A_244 = tpu.memref_slice %arg7[%dma_start3A_242, %dma_start3A_243] : memref<10000x128xf32, #tpu.memory_space<vmem_shared>> -> memref<10000x128xf32, #tpu.memory_space<vmem_shared>>
        tpu.enqueue_indirect_dma source(%arg19 : memref<80x128xf32, #tpu.memory_space<vmem>>) target(%dma_start3A_244 : memref<10000x128xf32, #tpu.memory_space<vmem_shared>>) offsets(%arg13 : memref<80xi32, #tpu.memory_space<vmem>>) semaphore(%arg34 : memref<!tpu.dma_semaphore, #tpu.memory_space<semaphore_mem>>) {add = true}
      } else {
      }
      %scan3A_166 = arith.constant 0 : i32
      scf.yield %scan3A_166 : i32
    }
    %scan3A_121 = arith.constant 42 : i32
    %dma_wait3A_122 = arith.constant 0 : i32
    %dma_wait3A_123 = arith.constant 0 : i32
    %dma_wait3A_124 = tpu.memref_slice %arg7[%dma_wait3A_122, %dma_wait3A_123] : memref<10000x128xf32, #tpu.memory_space<vmem_shared>> -> memref<10000x128xf32, #tpu.memory_space<vmem_shared>>
    tpu.wait_indirect_dma semaphore(%arg33 : memref<!tpu.dma_semaphore, #tpu.memory_space<semaphore_mem>>) src(%arg18 : memref<80x128xf32, #tpu.memory_space<vmem>>) dst(%dma_wait3A_124 : memref<10000x128xf32, #tpu.memory_space<vmem_shared>>)
    %barrier3A_125 = arith.constant 0 : index
    tpu.barrier barrier_id(%barrier3A_125)
    %mul3A_126 = arith.constant 10000 : i32
    %mul3A_127 = arith.muli %arg0, %mul3A_126 : i32
    %add3A_128 = arith.addi %mul3A_127, %multiple_of3A : i32
    %multiple_of3A_129 = tpu.assume_multiple %add3A_128, 8 : i32
    %lt3A = arith.constant 15 : i32
    %lt3A_130 = arith.cmpi slt, %arg1, %lt3A : i32
    %convert_element_type3A = arith.extui %lt3A_130 : i1 to i32
    %cond3A = arith.constant 0 : i32
    %cond3A_131 = arith.cmpi ne, %convert_element_type3A, %cond3A : i32
    scf.if %cond3A_131 {
      "tpu.region"() ({
        %run_scoped3A = tpu.sem_alloc : memref<!tpu.dma_semaphore, #tpu.memory_space<semaphore_mem>>
        %dma_start3A_137 = arith.constant 0 : i32
        %dma_start3A_138 = tpu.memref_slice %arg6[%multiple_of3A_129, %dma_start3A_137] : memref<20000x128xf32, #tpu.memory_space<hbm>> -> memref<624x128xf32, #tpu.memory_space<hbm>>
        %dma_start3A_139 = arith.constant 0 : i32
        %dma_start3A_140 = tpu.memref_slice %arg7[%multiple_of3A, %dma_start3A_139] : memref<10000x128xf32, #tpu.memory_space<vmem_shared>> -> memref<624x128xf32, #tpu.memory_space<vmem_shared>>
        tpu.enqueue_dma source(%dma_start3A_140 : memref<624x128xf32, #tpu.memory_space<vmem_shared>>) target(%dma_start3A_138 : memref<624x128xf32, #tpu.memory_space<hbm>>) target_semaphore(%run_scoped3A : memref<!tpu.dma_semaphore, #tpu.memory_space<semaphore_mem>>)
        %dma_wait3A_141 = arith.constant 0 : i32
        %dma_wait3A_142 = tpu.memref_slice %arg6[%multiple_of3A_129, %dma_wait3A_141] : memref<20000x128xf32, #tpu.memory_space<hbm>> -> memref<624x128xf32, #tpu.memory_space<hbm>>
        %dma_wait3A_143 = arith.constant 0 : i32
        %dma_wait3A_144 = tpu.memref_slice %arg7[%multiple_of3A, %dma_wait3A_143] : memref<10000x128xf32, #tpu.memory_space<vmem_shared>> -> memref<624x128xf32, #tpu.memory_space<vmem_shared>>
        tpu.wait_dma2 semaphore(%run_scoped3A : memref<!tpu.dma_semaphore, #tpu.memory_space<semaphore_mem>>) src(%dma_wait3A_144 : memref<624x128xf32, #tpu.memory_space<vmem_shared>>) dst(%dma_wait3A_142 : memref<624x128xf32, #tpu.memory_space<hbm>>)
        tpu.yield
      }) : () -> ()
    } else {
    }
    %eq3A_132 = arith.constant 15 : i32
    %eq3A_133 = arith.cmpi eq, %arg1, %eq3A_132 : i32
    %convert_element_type3A_134 = arith.extui %eq3A_133 : i1 to i32
    %cond3A_135 = arith.constant 0 : i32
    %cond3A_136 = arith.cmpi ne, %convert_element_type3A_134, %cond3A_135 : i32
    scf.if %cond3A_136 {
      "tpu.region"() ({
        %run_scoped3A = tpu.sem_alloc : memref<!tpu.dma_semaphore, #tpu.memory_space<semaphore_mem>>
        %dma_start3A_137 = arith.constant 0 : i32
        %dma_start3A_138 = tpu.memref_slice %arg6[%multiple_of3A_129, %dma_start3A_137] : memref<20000x128xf32, #tpu.memory_space<hbm>> -> memref<640x128xf32, #tpu.memory_space<hbm>>
        %dma_start3A_139 = arith.constant 0 : i32
        %dma_start3A_140 = tpu.memref_slice %arg7[%multiple_of3A, %dma_start3A_139] : memref<10000x128xf32, #tpu.memory_space<vmem_shared>> -> memref<640x128xf32, #tpu.memory_space<vmem_shared>>
        tpu.enqueue_dma source(%dma_start3A_140 : memref<640x128xf32, #tpu.memory_space<vmem_shared>>) target(%dma_start3A_138 : memref<640x128xf32, #tpu.memory_space<hbm>>) target_semaphore(%run_scoped3A : memref<!tpu.dma_semaphore, #tpu.memory_space<semaphore_mem>>)
        %dma_wait3A_141 = arith.constant 0 : i32
        %dma_wait3A_142 = tpu.memref_slice %arg6[%multiple_of3A_129, %dma_wait3A_141] : memref<20000x128xf32, #tpu.memory_space<hbm>> -> memref<640x128xf32, #tpu.memory_space<hbm>>
        %dma_wait3A_143 = arith.constant 0 : i32
        %dma_wait3A_144 = tpu.memref_slice %arg7[%multiple_of3A, %dma_wait3A_143] : memref<10000x128xf32, #tpu.memory_space<vmem_shared>> -> memref<640x128xf32, #tpu.memory_space<vmem_shared>>
        tpu.wait_dma2 semaphore(%run_scoped3A : memref<!tpu.dma_semaphore, #tpu.memory_space<semaphore_mem>>) src(%dma_wait3A_144 : memref<640x128xf32, #tpu.memory_space<vmem_shared>>) dst(%dma_wait3A_142 : memref<640x128xf32, #tpu.memory_space<hbm>>)
        tpu.yield
      }) : () -> ()
    } else {
    }
    return
  }
}

module attributes {stable_mosaic.version = 14 : i64} {
  func.func @_x_body(%arg0: i32, %arg1: memref<2000x128xf32, #tpu.memory_space<vmem>>, %arg2: memref<128x128xf32, #tpu.memory_space<vmem>>, %arg3: memref<2000x128xf32, #tpu.memory_space<vmem>>) attributes {dimension_semantics = [#tpu.dimension_semantics<arbitrary>], iteration_bounds = array<i64: 5>, scalar_prefetch = 0 : i64, scratch_operands = 0 : i64, tpu.core_type = #tpu.core_type<tc>, window_params = [{transform_indices = @transform_0, window_bounds = array<i64: 2000, 128>}, {pipeline_mode = #tpu.pipeline_mode<synchronous>, transform_indices = @transform_1, window_bounds = array<i64: 128, 128>}, {transform_indices = @transform_2, window_bounds = array<i64: 2000, 128>}]} {
    %get3A = arith.constant 0 : index
    %get3A_0 = arith.constant 0 : index
    %get3A_1 = vector.load %arg1[%get3A, %get3A_0] : memref<2000x128xf32, #tpu.memory_space<vmem>>, vector<2000x128xf32>
    %get3A_2 = arith.constant 0 : index
    %get3A_3 = arith.constant 0 : index
    %get3A_4 = vector.load %arg2[%get3A_2, %get3A_3] : memref<128x128xf32, #tpu.memory_space<vmem>>, vector<128x128xf32>
    %dot_general3A = arith.constant dense<0.000000e+00> : vector<2000x128xf32>
    %dot_general3A_5 = tpu.matmul %get3A_1, %get3A_4, %dot_general3A {dimension_numbers = #tpu.dot_dimension_numbers<[1], [0], [0], [1], [0, 0, 1, 1], [], []>, transpose_lhs_hint = false} : vector<2000x128xf32>, vector<128x128xf32>, vector<2000x128xf32> -> vector<2000x128xf32>
    %mul3A = arith.constant 0.0883883461 : f32
    %mul3A_6 = vector.broadcast %mul3A : f32 to vector<2000x128xf32>
    %mul3A_7 = arith.mulf %dot_general3A_5, %mul3A_6 : vector<2000x128xf32>
    %swap3A = arith.constant 0 : index
    %swap3A_8 = arith.constant 0 : index
    %swap3A_9 = vector.load %arg3[%swap3A, %swap3A_8] : memref<2000x128xf32, #tpu.memory_space<vmem>>, vector<2000x128xf32>
    tpu.vector_store %arg3[%swap3A, %swap3A_8], %mul3A_7 {strides = array<i32>} : memref<2000x128xf32, #tpu.memory_space<vmem>>, vector<2000x128xf32>,
    return
  }
  func.func @transform_0(%arg0: i32) -> (i32, i32) {
    %c0_i32 = arith.constant 0 : i32
    %c0_i32_0 = arith.constant 0 : i32
    return %arg0, %c0_i32 : i32, i32
  }
  func.func @transform_1(%arg0: i32) -> (i32, i32) {
    %c0_i32 = arith.constant 0 : i32
    %c0_i32_0 = arith.constant 0 : i32
    %c0_i32_1 = arith.constant 0 : i32
    return %c0_i32, %c0_i32_0 : i32, i32
  }
  func.func @transform_2(%arg0: i32) -> (i32, i32) {
    %c0_i32 = arith.constant 0 : i32
    %c0_i32_0 = arith.constant 0 : i32
    return %arg0, %c0_i32 : i32, i32
  }
}

module attributes {stable_mosaic.version = 14 : i64} {
  func.func @_cw_body(%arg0: i32, %arg1: memref<16x3200xf32, #tpu.memory_space<vmem>>, %arg2: memref<1x25x128xf32, #tpu.memory_space<vmem>>, %arg3: memref<8x16xf32, #tpu.memory_space<vmem>>, %arg4: memref<8x128xf32, #tpu.memory_space<vmem>>, %arg5: memref<1600x128xi32, #tpu.memory_space<vmem>>) attributes {dimension_semantics = [#tpu.dimension_semantics<arbitrary>], iteration_bounds = array<i64: 100>, scalar_prefetch = 0 : i64, scratch_operands = 0 : i64, tpu.core_type = #tpu.core_type<tc>, window_params = [{transform_indices = @transform_0, window_bounds = array<i64: 16, 3200>}, {transform_indices = @transform_1, window_bounds = array<i64: 1, 25, 128>}, {pipeline_mode = #tpu.pipeline_mode<synchronous>, transform_indices = @transform_2, window_bounds = array<i64: 8, 16>}, {pipeline_mode = #tpu.pipeline_mode<synchronous>, transform_indices = @transform_3, window_bounds = array<i64: 8, 128>}, {transform_indices = @transform_4, window_bounds = array<i64: 1600, 128>}]} {
    %get3A = arith.constant 0 : index
    %get3A_0 = arith.constant 0 : index
    %get3A_1 = vector.load %arg1[%get3A, %get3A_0] : memref<16x3200xf32, #tpu.memory_space<vmem>>, vector<16x3200xf32>
    %transpose3A = tpu.transpose %get3A_1, [1, 0] : vector<16x3200xf32> -> vector<3200x16xf32>
    %get3A_2 = arith.constant 0 : index
    %get3A_3 = arith.constant 0 : index
    %get3A_4 = vector.load %arg3[%get3A_2, %get3A_3] : memref<8x16xf32, #tpu.memory_space<vmem>>, vector<8x16xf32>
    %dot_general3A = arith.constant dense<0.000000e+00> : vector<3200x8xf32>
    %dot_general3A_5 = tpu.matmul %transpose3A, %get3A_4, %dot_general3A {dimension_numbers = #tpu.dot_dimension_numbers<[1], [1], [0], [0], [0, 0, 1, 0], [], []>, transpose_lhs_hint = false} : vector<3200x16xf32>, vector<8x16xf32>, vector<3200x8xf32> -> vector<3200x8xf32>
    %mul3A = arith.constant 2.500000e-01 : f32
    %mul3A_6 = vector.broadcast %mul3A : f32 to vector<3200x8xf32>
    %mul3A_7 = arith.mulf %dot_general3A_5, %mul3A_6 : vector<3200x8xf32>
    %custom_jvp_call3A = arith.constant 0.000000e+00 : f32
    %max3A = vector.broadcast %custom_jvp_call3A : f32 to vector<3200x8xf32>
    %max3A_8 = arith.maximumf %mul3A_7, %max3A : vector<3200x8xf32>
    %sub3A = vector.broadcast %custom_jvp_call3A : f32 to vector<3200x8xf32>
    %sub3A_9 = arith.subf %mul3A_7, %sub3A : vector<3200x8xf32>
    %ne3A = arith.cmpf one, %sub3A_9, %sub3A_9 : vector<3200x8xf32>
    %add3A = vector.broadcast %custom_jvp_call3A : f32 to vector<3200x8xf32>
    %add3A_10 = arith.addf %mul3A_7, %add3A : vector<3200x8xf32>
    %abs3A = math.absf %sub3A_9 : vector<3200x8xf32>
    %neg3A = arith.constant 0.000000e+00 : f32
    %neg3A_11 = vector.broadcast %neg3A : f32 to vector<3200x8xf32>
    %neg3A_12 = arith.subf %neg3A_11, %abs3A : vector<3200x8xf32>
    %exp3A = math.exp %neg3A_12 : vector<3200x8xf32>
    %log1p3A = math.log1p %exp3A : vector<3200x8xf32>
    %add3A_13 = arith.addf %max3A_8, %log1p3A : vector<3200x8xf32>
    %select_n3A = arith.select %ne3A, %add3A_10, %add3A_13 : vector<3200x8xi1>, vector<3200x8xf32>
    %sub3A_14 = arith.constant 0.693147182 : f32
    %sub3A_15 = vector.broadcast %sub3A_14 : f32 to vector<3200x8xf32>
    %sub3A_16 = arith.subf %select_n3A, %sub3A_15 : vector<3200x8xf32>
    %get3A_17 = arith.constant 0 : index
    %get3A_18 = arith.constant 0 : index
    %get3A_19 = vector.load %arg4[%get3A_17, %get3A_18] : memref<8x128xf32, #tpu.memory_space<vmem>>, vector<8x128xf32>
    %dot_general3A_20 = arith.constant dense<0.000000e+00> : vector<3200x128xf32>
    %dot_general3A_21 = tpu.matmul %sub3A_16, %get3A_19, %dot_general3A_20 {dimension_numbers = #tpu.dot_dimension_numbers<[1], [0], [0], [1], [0, 0, 1, 1], [], []>, transpose_lhs_hint = false} : vector<3200x8xf32>, vector<8x128xf32>, vector<3200x128xf32> -> vector<3200x128xf32>
    %mul3A_22 = arith.constant 0.353553385 : f32
    %mul3A_23 = vector.broadcast %mul3A_22 : f32 to vector<3200x128xf32>
    %mul3A_24 = arith.mulf %dot_general3A_21, %mul3A_23 : vector<3200x128xf32>
    %get3A_25 = arith.constant 0 : index
    %get3A_26 = arith.constant 0 : index
    %get3A_27 = arith.constant 0 : index
    %get3A_28 = vector.load %arg2[%get3A_25, %get3A_26, %get3A_27] : memref<1x25x128xf32, #tpu.memory_space<vmem>>, vector<1x25x128xf32>
    %get3A_29 = vector.shape_cast %get3A_28 : vector<1x25x128xf32> to vector<25x128xf32>
    %transpose3A_30 = tpu.transpose %get3A_29, [1, 0] : vector<25x128xf32> -> vector<128x25xf32>
    %slice3A = vector.extract_strided_slice %transpose3A_30 {offsets = [0, 0], sizes = [128, 1], strides = [1, 1]} : vector<128x25xf32> to vector<128x1xf32>
    %slice3A_31 = vector.extract_strided_slice %transpose3A_30 {offsets = [0, 1], sizes = [128, 1], strides = [1, 1]} : vector<128x25xf32> to vector<128x1xf32>
    %slice3A_32 = vector.extract_strided_slice %transpose3A_30 {offsets = [0, 2], sizes = [128, 1], strides = [1, 1]} : vector<128x25xf32> to vector<128x1xf32>
    %slice3A_33 = vector.extract_strided_slice %transpose3A_30 {offsets = [0, 3], sizes = [128, 1], strides = [1, 1]} : vector<128x25xf32> to vector<128x1xf32>
    %slice3A_34 = vector.extract_strided_slice %transpose3A_30 {offsets = [0, 4], sizes = [128, 1], strides = [1, 1]} : vector<128x25xf32> to vector<128x1xf32>
    %slice3A_35 = vector.extract_strided_slice %transpose3A_30 {offsets = [0, 5], sizes = [128, 1], strides = [1, 1]} : vector<128x25xf32> to vector<128x1xf32>
    %slice3A_36 = vector.extract_strided_slice %transpose3A_30 {offsets = [0, 6], sizes = [128, 1], strides = [1, 1]} : vector<128x25xf32> to vector<128x1xf32>
    %slice3A_37 = vector.extract_strided_slice %transpose3A_30 {offsets = [0, 7], sizes = [128, 1], strides = [1, 1]} : vector<128x25xf32> to vector<128x1xf32>
    %slice3A_38 = vector.extract_strided_slice %transpose3A_30 {offsets = [0, 8], sizes = [128, 1], strides = [1, 1]} : vector<128x25xf32> to vector<128x1xf32>
    %slice3A_39 = vector.extract_strided_slice %transpose3A_30 {offsets = [0, 9], sizes = [128, 1], strides = [1, 1]} : vector<128x25xf32> to vector<128x1xf32>
    %slice3A_40 = vector.extract_strided_slice %transpose3A_30 {offsets = [0, 10], sizes = [128, 1], strides = [1, 1]} : vector<128x25xf32> to vector<128x1xf32>
    %slice3A_41 = vector.extract_strided_slice %transpose3A_30 {offsets = [0, 11], sizes = [128, 1], strides = [1, 1]} : vector<128x25xf32> to vector<128x1xf32>
    %slice3A_42 = vector.extract_strided_slice %transpose3A_30 {offsets = [0, 12], sizes = [128, 1], strides = [1, 1]} : vector<128x25xf32> to vector<128x1xf32>
    %slice3A_43 = vector.extract_strided_slice %transpose3A_30 {offsets = [0, 13], sizes = [128, 1], strides = [1, 1]} : vector<128x25xf32> to vector<128x1xf32>
    %slice3A_44 = vector.extract_strided_slice %transpose3A_30 {offsets = [0, 14], sizes = [128, 1], strides = [1, 1]} : vector<128x25xf32> to vector<128x1xf32>
    %slice3A_45 = vector.extract_strided_slice %transpose3A_30 {offsets = [0, 15], sizes = [128, 1], strides = [1, 1]} : vector<128x25xf32> to vector<128x1xf32>
    %slice3A_46 = vector.extract_strided_slice %transpose3A_30 {offsets = [0, 16], sizes = [128, 1], strides = [1, 1]} : vector<128x25xf32> to vector<128x1xf32>
    %slice3A_47 = vector.extract_strided_slice %transpose3A_30 {offsets = [0, 17], sizes = [128, 1], strides = [1, 1]} : vector<128x25xf32> to vector<128x1xf32>
    %slice3A_48 = vector.extract_strided_slice %transpose3A_30 {offsets = [0, 18], sizes = [128, 1], strides = [1, 1]} : vector<128x25xf32> to vector<128x1xf32>
    %slice3A_49 = vector.extract_strided_slice %transpose3A_30 {offsets = [0, 19], sizes = [128, 1], strides = [1, 1]} : vector<128x25xf32> to vector<128x1xf32>
    %slice3A_50 = vector.extract_strided_slice %transpose3A_30 {offsets = [0, 20], sizes = [128, 1], strides = [1, 1]} : vector<128x25xf32> to vector<128x1xf32>
    %slice3A_51 = vector.extract_strided_slice %transpose3A_30 {offsets = [0, 21], sizes = [128, 1], strides = [1, 1]} : vector<128x25xf32> to vector<128x1xf32>
    %slice3A_52 = vector.extract_strided_slice %transpose3A_30 {offsets = [0, 22], sizes = [128, 1], strides = [1, 1]} : vector<128x25xf32> to vector<128x1xf32>
    %slice3A_53 = vector.extract_strided_slice %transpose3A_30 {offsets = [0, 23], sizes = [128, 1], strides = [1, 1]} : vector<128x25xf32> to vector<128x1xf32>
    %slice3A_54 = vector.extract_strided_slice %transpose3A_30 {offsets = [0, 24], sizes = [128, 1], strides = [1, 1]} : vector<128x25xf32> to vector<128x1xf32>
    %concatenate3A = tpu.concatenate %slice3A, %slice3A_31, %slice3A_32, %slice3A_33, %slice3A_34, %slice3A_35, %slice3A_36, %slice3A_37, %slice3A_38, %slice3A_39, %slice3A_40, %slice3A_41, %slice3A_42, %slice3A_43, %slice3A_44, %slice3A_45, %slice3A_46, %slice3A_47, %slice3A_48, %slice3A_49, %slice3A_50, %slice3A_51, %slice3A_52, %slice3A_53, %slice3A_54 in 0 : vector<128x1xf32>, vector<128x1xf32>, vector<128x1xf32>, vector<128x1xf32>, vector<128x1xf32>, vector<128x1xf32>, vector<128x1xf32>, vector<128x1xf32>, vector<128x1xf32>, vector<128x1xf32>, vector<128x1xf32>, vector<128x1xf32>, vector<128x1xf32>, vector<128x1xf32>, vector<128x1xf32>, vector<128x1xf32>, vector<128x1xf32>, vector<128x1xf32>, vector<128x1xf32>, vector<128x1xf32>, vector<128x1xf32>, vector<128x1xf32>, vector<128x1xf32>, vector<128x1xf32>, vector<128x1xf32> -> vector<3200x1xf32>
    %mul3A_55 = vector.broadcast %concatenate3A : vector<3200x1xf32> to vector<3200x128xf32>
    %mul3A_56 = arith.mulf %mul3A_24, %mul3A_55 : vector<3200x128xf32>
    %reshape3A = vector.shape_cast %mul3A_56 : vector<3200x128xf32> to vector<40x80x128xf32>
    %slice3A_57 = vector.extract_strided_slice %reshape3A {offsets = [0, 0, 0], sizes = [40, 40, 128], strides = [1, 1, 1]} : vector<40x80x128xf32> to vector<40x40x128xf32>
    %bitcast_convert_type3A = tpu.bitcast %slice3A_57 : vector<40x40x128xf32> -> vector<40x40x128xi32>
    %slice3A_58 = vector.extract_strided_slice %reshape3A {offsets = [0, 40, 0], sizes = [40, 40, 128], strides = [1, 1, 1]} : vector<40x80x128xf32> to vector<40x40x128xf32>
    %bitcast_convert_type3A_59 = tpu.bitcast %slice3A_58 : vector<40x40x128xf32> -> vector<40x40x128xi32>
    %add3A_60 = arith.constant 32768 : i32
    %add3A_61 = vector.broadcast %add3A_60 : i32 to vector<40x40x128xi32>
    %add3A_62 = arith.addi %bitcast_convert_type3A, %add3A_61 : vector<40x40x128xi32>
    %shift_right_logical3A = arith.constant 16 : i32
    %shift_right_logical3A_63 = vector.broadcast %shift_right_logical3A : i32 to vector<40x40x128xi32>
    %shift_right_logical3A_64 = arith.shrui %add3A_62, %shift_right_logical3A_63 : vector<40x40x128xi32>
    %add3A_65 = arith.constant 32768 : i32
    %add3A_66 = vector.broadcast %add3A_65 : i32 to vector<40x40x128xi32>
    %add3A_67 = arith.addi %bitcast_convert_type3A_59, %add3A_66 : vector<40x40x128xi32>
    %and3A = arith.constant -65536 : i32
    %and3A_68 = vector.broadcast %and3A : i32 to vector<40x40x128xi32>
    %and3A_69 = arith.andi %add3A_67, %and3A_68 : vector<40x40x128xi32>
    %or3A = arith.ori %shift_right_logical3A_64, %and3A_69 : vector<40x40x128xi32>
    %reshape3A_70 = vector.shape_cast %or3A : vector<40x40x128xi32> to vector<1600x128xi32>
    %bitcast_convert_type3A_71 = tpu.bitcast %reshape3A_70 : vector<1600x128xi32> -> vector<1600x128xi32>
    %swap3A = arith.constant 0 : index
    %swap3A_72 = arith.constant 0 : index
    %swap3A_73 = vector.load %arg5[%swap3A, %swap3A_72] : memref<1600x128xi32, #tpu.memory_space<vmem>>, vector<1600x128xi32>
    tpu.vector_store %arg5[%swap3A, %swap3A_72], %bitcast_convert_type3A_71 {strides = array<i32>} : memref<1600x128xi32, #tpu.memory_space<vmem>>, vector<1600x128xi32>,
    return
  }
  func.func @transform_0(%arg0: i32) -> (i32, i32) {
    %c0_i32 = arith.constant 0 : i32
    %c0_i32_0 = arith.constant 0 : i32
    return %c0_i32, %arg0 : i32, i32
  }
  func.func @transform_1(%arg0: i32) -> (i32, i32, i32) {
    %c0_i32 = arith.constant 0 : i32
    %c0_i32_0 = arith.constant 0 : i32
    %c0_i32_1 = arith.constant 0 : i32
    return %arg0, %c0_i32, %c0_i32_0 : i32, i32, i32
  }
  func.func @transform_2(%arg0: i32) -> (i32, i32) {
    %c0_i32 = arith.constant 0 : i32
    %c0_i32_0 = arith.constant 0 : i32
    %c0_i32_1 = arith.constant 0 : i32
    return %c0_i32, %c0_i32_0 : i32, i32
  }
  func.func @transform_3(%arg0: i32) -> (i32, i32) {
    %c0_i32 = arith.constant 0 : i32
    %c0_i32_0 = arith.constant 0 : i32
    %c0_i32_1 = arith.constant 0 : i32
    return %c0_i32, %c0_i32_0 : i32, i32
  }
  func.func @transform_4(%arg0: i32) -> (i32, i32) {
    %c0_i32 = arith.constant 0 : i32
    %c0_i32_0 = arith.constant 0 : i32
    return %arg0, %c0_i32 : i32, i32
  }
}

module attributes {stable_mosaic.version = 14 : i64} {
  func.func @_post_body(%arg0: i32, %arg1: memref<2000x128xf32, #tpu.memory_space<vmem>>, %arg2: memref<2000x128xf32, #tpu.memory_space<vmem>>, %arg3: memref<2000x128xf32, #tpu.memory_space<vmem>>, %arg4: memref<2000x8xf32, #tpu.memory_space<vmem>>, %arg5: memref<128x128xf32, #tpu.memory_space<vmem>>, %arg6: memref<128x8x128xf32, #tpu.memory_space<vmem>>, %arg7: memref<2000x128xf32, #tpu.memory_space<vmem>>) attributes {dimension_semantics = [#tpu.dimension_semantics<arbitrary>], iteration_bounds = array<i64: 5>, scalar_prefetch = 0 : i64, scratch_operands = 0 : i64, tpu.core_type = #tpu.core_type<tc>, window_params = [{transform_indices = @transform_0, window_bounds = array<i64: 2000, 128>}, {transform_indices = @transform_1, window_bounds = array<i64: 2000, 128>}, {transform_indices = @transform_2, window_bounds = array<i64: 2000, 128>}, {transform_indices = @transform_3, window_bounds = array<i64: 2000, 8>}, {pipeline_mode = #tpu.pipeline_mode<synchronous>, transform_indices = @transform_4, window_bounds = array<i64: 128, 128>}, {pipeline_mode = #tpu.pipeline_mode<synchronous>, transform_indices = @transform_5, window_bounds = array<i64: 128, 8, 128>}, {transform_indices = @transform_6, window_bounds = array<i64: 2000, 128>}]} {
    %get3A = arith.constant 0 : index
    %get3A_0 = arith.constant 0 : index
    %get3A_1 = vector.load %arg1[%get3A, %get3A_0] : memref<2000x128xf32, #tpu.memory_space<vmem>>, vector<2000x128xf32>
    %get3A_2 = arith.constant 0 : index
    %get3A_3 = arith.constant 0 : index
    %get3A_4 = vector.load %arg2[%get3A_2, %get3A_3] : memref<2000x128xf32, #tpu.memory_space<vmem>>, vector<2000x128xf32>
    %add3A = arith.addf %get3A_1, %get3A_4 : vector<2000x128xf32>
    %mul3A = arith.constant 0.176776692 : f32
    %mul3A_5 = vector.broadcast %mul3A : f32 to vector<2000x128xf32>
    %mul3A_6 = arith.mulf %add3A, %mul3A_5 : vector<2000x128xf32>
    %get3A_7 = arith.constant 0 : index
    %get3A_8 = arith.constant 0 : index
    %get3A_9 = vector.load %arg5[%get3A_7, %get3A_8] : memref<128x128xf32, #tpu.memory_space<vmem>>, vector<128x128xf32>
    %dot_general3A = arith.constant dense<0.000000e+00> : vector<2000x128xf32>
    %dot_general3A_10 = tpu.matmul %mul3A_6, %get3A_9, %dot_general3A {dimension_numbers = #tpu.dot_dimension_numbers<[1], [0], [0], [1], [0, 0, 1, 1], [], []>, transpose_lhs_hint = false} : vector<2000x128xf32>, vector<128x128xf32>, vector<2000x128xf32> -> vector<2000x128xf32>
    %mul3A_11 = arith.constant 0.0883883461 : f32
    %mul3A_12 = vector.broadcast %mul3A_11 : f32 to vector<2000x128xf32>
    %mul3A_13 = arith.mulf %dot_general3A_10, %mul3A_12 : vector<2000x128xf32>
    %get3A_14 = arith.constant 0 : index
    %get3A_15 = arith.constant 0 : index
    %get3A_16 = vector.load %arg3[%get3A_14, %get3A_15] : memref<2000x128xf32, #tpu.memory_space<vmem>>, vector<2000x128xf32>
    %get3A_17 = arith.constant 0 : index
    %get3A_18 = arith.constant 0 : index
    %get3A_19 = vector.load %arg4[%get3A_17, %get3A_18] : memref<2000x8xf32, #tpu.memory_space<vmem>>, vector<2000x8xf32>
    %broadcast_in_dim3A = arith.constant 0.000000e+00 : f32
    %broadcast_in_dim3A_20 = vector.broadcast %broadcast_in_dim3A : f32 to vector<2000x128xf32>
    %get3A_21 = arith.constant 0 : index
    %get3A_22 = arith.constant 0 : index
    %get3A_23 = arith.constant 0 : index
    %get3A_24 = vector.load %arg6[%get3A_21, %get3A_22, %get3A_23] : memref<128x8x128xf32, #tpu.memory_space<vmem>>, vector<128x1x128xf32>
    %get3A_25 = vector.shape_cast %get3A_24 : vector<128x1x128xf32> to vector<128x128xf32>
    %dot_general3A_26 = arith.constant dense<0.000000e+00> : vector<2000x128xf32>
    %dot_general3A_27 = tpu.matmul %get3A_16, %get3A_25, %dot_general3A_26 {dimension_numbers = #tpu.dot_dimension_numbers<[1], [0], [0], [1], [0, 0, 1, 1], [], []>, transpose_lhs_hint = false} : vector<2000x128xf32>, vector<128x128xf32>, vector<2000x128xf32> -> vector<2000x128xf32>
    %slice3A = vector.extract_strided_slice %get3A_19 {offsets = [0, 0], sizes = [2000, 1], strides = [1, 1]} : vector<2000x8xf32> to vector<2000x1xf32>
    %mul3A_28 = vector.broadcast %slice3A : vector<2000x1xf32> to vector<2000x128xf32>
    %mul3A_29 = arith.mulf %mul3A_28, %dot_general3A_27 : vector<2000x128xf32>
    %add3A_30 = arith.addf %broadcast_in_dim3A_20, %mul3A_29 : vector<2000x128xf32>
    %get3A_31 = arith.constant 0 : index
    %get3A_32 = arith.constant 1 : index
    %get3A_33 = arith.constant 0 : index
    %get3A_34 = vector.load %arg6[%get3A_31, %get3A_32, %get3A_33] : memref<128x8x128xf32, #tpu.memory_space<vmem>>, vector<128x1x128xf32>
    %get3A_35 = vector.shape_cast %get3A_34 : vector<128x1x128xf32> to vector<128x128xf32>
    %dot_general3A_36 = arith.constant dense<0.000000e+00> : vector<2000x128xf32>
    %dot_general3A_37 = tpu.matmul %get3A_16, %get3A_35, %dot_general3A_36 {dimension_numbers = #tpu.dot_dimension_numbers<[1], [0], [0], [1], [0, 0, 1, 1], [], []>, transpose_lhs_hint = false} : vector<2000x128xf32>, vector<128x128xf32>, vector<2000x128xf32> -> vector<2000x128xf32>
    %slice3A_38 = vector.extract_strided_slice %get3A_19 {offsets = [0, 1], sizes = [2000, 1], strides = [1, 1]} : vector<2000x8xf32> to vector<2000x1xf32>
    %mul3A_39 = vector.broadcast %slice3A_38 : vector<2000x1xf32> to vector<2000x128xf32>
    %mul3A_40 = arith.mulf %mul3A_39, %dot_general3A_37 : vector<2000x128xf32>
    %add3A_41 = arith.addf %add3A_30, %mul3A_40 : vector<2000x128xf32>
    %get3A_42 = arith.constant 0 : index
    %get3A_43 = arith.constant 2 : index
    %get3A_44 = arith.constant 0 : index
    %get3A_45 = vector.load %arg6[%get3A_42, %get3A_43, %get3A_44] : memref<128x8x128xf32, #tpu.memory_space<vmem>>, vector<128x1x128xf32>
    %get3A_46 = vector.shape_cast %get3A_45 : vector<128x1x128xf32> to vector<128x128xf32>
    %dot_general3A_47 = arith.constant dense<0.000000e+00> : vector<2000x128xf32>
    %dot_general3A_48 = tpu.matmul %get3A_16, %get3A_46, %dot_general3A_47 {dimension_numbers = #tpu.dot_dimension_numbers<[1], [0], [0], [1], [0, 0, 1, 1], [], []>, transpose_lhs_hint = false} : vector<2000x128xf32>, vector<128x128xf32>, vector<2000x128xf32> -> vector<2000x128xf32>
    %slice3A_49 = vector.extract_strided_slice %get3A_19 {offsets = [0, 2], sizes = [2000, 1], strides = [1, 1]} : vector<2000x8xf32> to vector<2000x1xf32>
    %mul3A_50 = vector.broadcast %slice3A_49 : vector<2000x1xf32> to vector<2000x128xf32>
    %mul3A_51 = arith.mulf %mul3A_50, %dot_general3A_48 : vector<2000x128xf32>
    %add3A_52 = arith.addf %add3A_41, %mul3A_51 : vector<2000x128xf32>
    %get3A_53 = arith.constant 0 : index
    %get3A_54 = arith.constant 3 : index
    %get3A_55 = arith.constant 0 : index
    %get3A_56 = vector.load %arg6[%get3A_53, %get3A_54, %get3A_55] : memref<128x8x128xf32, #tpu.memory_space<vmem>>, vector<128x1x128xf32>
    %get3A_57 = vector.shape_cast %get3A_56 : vector<128x1x128xf32> to vector<128x128xf32>
    %dot_general3A_58 = arith.constant dense<0.000000e+00> : vector<2000x128xf32>
    %dot_general3A_59 = tpu.matmul %get3A_16, %get3A_57, %dot_general3A_58 {dimension_numbers = #tpu.dot_dimension_numbers<[1], [0], [0], [1], [0, 0, 1, 1], [], []>, transpose_lhs_hint = false} : vector<2000x128xf32>, vector<128x128xf32>, vector<2000x128xf32> -> vector<2000x128xf32>
    %slice3A_60 = vector.extract_strided_slice %get3A_19 {offsets = [0, 3], sizes = [2000, 1], strides = [1, 1]} : vector<2000x8xf32> to vector<2000x1xf32>
    %mul3A_61 = vector.broadcast %slice3A_60 : vector<2000x1xf32> to vector<2000x128xf32>
    %mul3A_62 = arith.mulf %mul3A_61, %dot_general3A_59 : vector<2000x128xf32>
    %add3A_63 = arith.addf %add3A_52, %mul3A_62 : vector<2000x128xf32>
    %get3A_64 = arith.constant 0 : index
    %get3A_65 = arith.constant 4 : index
    %get3A_66 = arith.constant 0 : index
    %get3A_67 = vector.load %arg6[%get3A_64, %get3A_65, %get3A_66] : memref<128x8x128xf32, #tpu.memory_space<vmem>>, vector<128x1x128xf32>
    %get3A_68 = vector.shape_cast %get3A_67 : vector<128x1x128xf32> to vector<128x128xf32>
    %dot_general3A_69 = arith.constant dense<0.000000e+00> : vector<2000x128xf32>
    %dot_general3A_70 = tpu.matmul %get3A_16, %get3A_68, %dot_general3A_69 {dimension_numbers = #tpu.dot_dimension_numbers<[1], [0], [0], [1], [0, 0, 1, 1], [], []>, transpose_lhs_hint = false} : vector<2000x128xf32>, vector<128x128xf32>, vector<2000x128xf32> -> vector<2000x128xf32>
    %slice3A_71 = vector.extract_strided_slice %get3A_19 {offsets = [0, 4], sizes = [2000, 1], strides = [1, 1]} : vector<2000x8xf32> to vector<2000x1xf32>
    %mul3A_72 = vector.broadcast %slice3A_71 : vector<2000x1xf32> to vector<2000x128xf32>
    %mul3A_73 = arith.mulf %mul3A_72, %dot_general3A_70 : vector<2000x128xf32>
    %add3A_74 = arith.addf %add3A_63, %mul3A_73 : vector<2000x128xf32>
    %get3A_75 = arith.constant 0 : index
    %get3A_76 = arith.constant 5 : index
    %get3A_77 = arith.constant 0 : index
    %get3A_78 = vector.load %arg6[%get3A_75, %get3A_76, %get3A_77] : memref<128x8x128xf32, #tpu.memory_space<vmem>>, vector<128x1x128xf32>
    %get3A_79 = vector.shape_cast %get3A_78 : vector<128x1x128xf32> to vector<128x128xf32>
    %dot_general3A_80 = arith.constant dense<0.000000e+00> : vector<2000x128xf32>
    %dot_general3A_81 = tpu.matmul %get3A_16, %get3A_79, %dot_general3A_80 {dimension_numbers = #tpu.dot_dimension_numbers<[1], [0], [0], [1], [0, 0, 1, 1], [], []>, transpose_lhs_hint = false} : vector<2000x128xf32>, vector<128x128xf32>, vector<2000x128xf32> -> vector<2000x128xf32>
    %slice3A_82 = vector.extract_strided_slice %get3A_19 {offsets = [0, 5], sizes = [2000, 1], strides = [1, 1]} : vector<2000x8xf32> to vector<2000x1xf32>
    %mul3A_83 = vector.broadcast %slice3A_82 : vector<2000x1xf32> to vector<2000x128xf32>
    %mul3A_84 = arith.mulf %mul3A_83, %dot_general3A_81 : vector<2000x128xf32>
    %add3A_85 = arith.addf %add3A_74, %mul3A_84 : vector<2000x128xf32>
    %get3A_86 = arith.constant 0 : index
    %get3A_87 = arith.constant 6 : index
    %get3A_88 = arith.constant 0 : index
    %get3A_89 = vector.load %arg6[%get3A_86, %get3A_87, %get3A_88] : memref<128x8x128xf32, #tpu.memory_space<vmem>>, vector<128x1x128xf32>
    %get3A_90 = vector.shape_cast %get3A_89 : vector<128x1x128xf32> to vector<128x128xf32>
    %dot_general3A_91 = arith.constant dense<0.000000e+00> : vector<2000x128xf32>
    %dot_general3A_92 = tpu.matmul %get3A_16, %get3A_90, %dot_general3A_91 {dimension_numbers = #tpu.dot_dimension_numbers<[1], [0], [0], [1], [0, 0, 1, 1], [], []>, transpose_lhs_hint = false} : vector<2000x128xf32>, vector<128x128xf32>, vector<2000x128xf32> -> vector<2000x128xf32>
    %slice3A_93 = vector.extract_strided_slice %get3A_19 {offsets = [0, 6], sizes = [2000, 1], strides = [1, 1]} : vector<2000x8xf32> to vector<2000x1xf32>
    %mul3A_94 = vector.broadcast %slice3A_93 : vector<2000x1xf32> to vector<2000x128xf32>
    %mul3A_95 = arith.mulf %mul3A_94, %dot_general3A_92 : vector<2000x128xf32>
    %add3A_96 = arith.addf %add3A_85, %mul3A_95 : vector<2000x128xf32>
    %get3A_97 = arith.constant 0 : index
    %get3A_98 = arith.constant 7 : index
    %get3A_99 = arith.constant 0 : index
    %get3A_100 = vector.load %arg6[%get3A_97, %get3A_98, %get3A_99] : memref<128x8x128xf32, #tpu.memory_space<vmem>>, vector<128x1x128xf32>
    %get3A_101 = vector.shape_cast %get3A_100 : vector<128x1x128xf32> to vector<128x128xf32>
    %dot_general3A_102 = arith.constant dense<0.000000e+00> : vector<2000x128xf32>
    %dot_general3A_103 = tpu.matmul %get3A_16, %get3A_101, %dot_general3A_102 {dimension_numbers = #tpu.dot_dimension_numbers<[1], [0], [0], [1], [0, 0, 1, 1], [], []>, transpose_lhs_hint = false} : vector<2000x128xf32>, vector<128x128xf32>, vector<2000x128xf32> -> vector<2000x128xf32>
    %slice3A_104 = vector.extract_strided_slice %get3A_19 {offsets = [0, 7], sizes = [2000, 1], strides = [1, 1]} : vector<2000x8xf32> to vector<2000x1xf32>
    %mul3A_105 = vector.broadcast %slice3A_104 : vector<2000x1xf32> to vector<2000x128xf32>
    %mul3A_106 = arith.mulf %mul3A_105, %dot_general3A_103 : vector<2000x128xf32>
    %add3A_107 = arith.addf %add3A_96, %mul3A_106 : vector<2000x128xf32>
    %mul3A_108 = arith.constant 3.125000e-02 : f32
    %mul3A_109 = vector.broadcast %mul3A_108 : f32 to vector<2000x128xf32>
    %mul3A_110 = arith.mulf %add3A_107, %mul3A_109 : vector<2000x128xf32>
    %add3A_111 = arith.addf %mul3A_13, %mul3A_110 : vector<2000x128xf32>
    %custom_jvp_call3A = arith.constant 0.000000e+00 : f32
    %max3A = vector.broadcast %custom_jvp_call3A : f32 to vector<2000x128xf32>
    %max3A_112 = arith.maximumf %add3A_111, %max3A : vector<2000x128xf32>
    %sub3A = vector.broadcast %custom_jvp_call3A : f32 to vector<2000x128xf32>
    %sub3A_113 = arith.subf %add3A_111, %sub3A : vector<2000x128xf32>
    %ne3A = arith.cmpf one, %sub3A_113, %sub3A_113 : vector<2000x128xf32>
    %add3A_114 = vector.broadcast %custom_jvp_call3A : f32 to vector<2000x128xf32>
    %add3A_115 = arith.addf %add3A_111, %add3A_114 : vector<2000x128xf32>
    %abs3A = math.absf %sub3A_113 : vector<2000x128xf32>
    %neg3A = arith.constant 0.000000e+00 : f32
    %neg3A_116 = vector.broadcast %neg3A : f32 to vector<2000x128xf32>
    %neg3A_117 = arith.subf %neg3A_116, %abs3A : vector<2000x128xf32>
    %exp3A = math.exp %neg3A_117 : vector<2000x128xf32>
    %log1p3A = math.log1p %exp3A : vector<2000x128xf32>
    %add3A_118 = arith.addf %max3A_112, %log1p3A : vector<2000x128xf32>
    %select_n3A = arith.select %ne3A, %add3A_115, %add3A_118 : vector<2000x128xi1>, vector<2000x128xf32>
    %sub3A_119 = arith.constant 0.693147182 : f32
    %sub3A_120 = vector.broadcast %sub3A_119 : f32 to vector<2000x128xf32>
    %sub3A_121 = arith.subf %select_n3A, %sub3A_120 : vector<2000x128xf32>
    %add3A_122 = arith.addf %get3A_16, %sub3A_121 : vector<2000x128xf32>
    %swap3A = arith.constant 0 : index
    %swap3A_123 = arith.constant 0 : index
    %swap3A_124 = vector.load %arg7[%swap3A, %swap3A_123] : memref<2000x128xf32, #tpu.memory_space<vmem>>, vector<2000x128xf32>
    tpu.vector_store %arg7[%swap3A, %swap3A_123], %add3A_122 {strides = array<i32>} : memref<2000x128xf32, #tpu.memory_space<vmem>>, vector<2000x128xf32>,
    return
  }
  func.func @transform_0(%arg0: i32) -> (i32, i32) {
    %c0_i32 = arith.constant 0 : i32
    %c0_i32_0 = arith.constant 0 : i32
    return %arg0, %c0_i32 : i32, i32
  }
  func.func @transform_1(%arg0: i32) -> (i32, i32) {
    %add3A = arith.constant 5 : i32
    %add3A_0 = arith.addi %arg0, %add3A : i32
    %c0_i32 = arith.constant 0 : i32
    %c0_i32_1 = arith.constant 0 : i32
    return %add3A_0, %c0_i32 : i32, i32
  }
  func.func @transform_2(%arg0: i32) -> (i32, i32) {
    %c0_i32 = arith.constant 0 : i32
    %c0_i32_0 = arith.constant 0 : i32
    return %arg0, %c0_i32 : i32, i32
  }
  func.func @transform_3(%arg0: i32) -> (i32, i32) {
    %c0_i32 = arith.constant 0 : i32
    %c0_i32_0 = arith.constant 0 : i32
    return %arg0, %c0_i32 : i32, i32
  }
  func.func @transform_4(%arg0: i32) -> (i32, i32) {
    %c0_i32 = arith.constant 0 : i32
    %c0_i32_0 = arith.constant 0 : i32
    %c0_i32_1 = arith.constant 0 : i32
    return %c0_i32, %c0_i32_0 : i32, i32
  }
  func.func @transform_5(%arg0: i32) -> (i32, i32, i32) {
    %c0_i32 = arith.constant 0 : i32
    %c0_i32_0 = arith.constant 0 : i32
    %c0_i32_1 = arith.constant 0 : i32
    %c0_i32_2 = arith.constant 0 : i32
    return %c0_i32, %c0_i32_0, %c0_i32_1 : i32, i32, i32
  }
  func.func @transform_6(%arg0: i32) -> (i32, i32) {
    %c0_i32 = arith.constant 0 : i32
    %c0_i32_0 = arith.constant 0 : i32
    return %arg0, %c0_i32 : i32, i32
  }
}

</mosaic_0001>

<sc_bundles>
// kernel: kernel.6.cloned.1.call-start
scs
__scs_entry_jumppad:
0x0: {  	(pc) =	sbr.rel $0x88, $3  }
0x1: {  	(tag) =	ssettag $0x0;
	lr =	simm.s32 $0x1  }
0x2: {  	[smem:$0x3F97] =	sst lr;
	_ =	strace $0xD0000000  }
0x3: {  	_ = 	snop  }
0x4: {  	_ = 	snop  }
0x5: {  	_ = 	snop  }
0x6: {  	_ = 	snop  }
0x7: {  	_ = 	snop  }
__scs_overlays_trampoline_lowered:
0x8: {  	[smem:$0x3FA6] =	sst s0  }
0x9: {  	[smem:$0x3FA7] =	sst s1  }
0xa: {  	[smem:$0x3FA8] =	sst s2  }
0xb: {  	[smem:$0x3FA9] =	sst s3  }
0xc: {  	[smem:$0x3FAA] =	sst s4  }
0xd: {  	[smem:$0x3FAB] =	sst s5  }
0xe: {  	[smem:$0x3FAC] =	sst s6  }
0xf: {  	[smem:$0x3FAD] =	sst s7  }
0x10: {  	[smem:$0x3FAE] =	sst s8  }
0x11: {  	[smem:$0x3FAF] =	sst s9;
	s0 =	simm.s32 @!p0 $0x0  }
0x12: {  	s1 =	sld [smem:$0x3F95];
	s0 =	simm.s32 @p0 $0x1  }
0x13: {  	[smem:$0x3FB0] =	sst s0;
	s0 =	simm.s32 @!p1 $0x0  }
0x14: {  	s2 =	sld [smem:$0x3F94];
	s0 =	simm.s32 @p1 $0x1  }
0x15: {  	[smem:$0x3FB1] =	sst s0;
	s0 =	simm.s32 @!p2 $0x0  }
0x16: {  	s3 =	sld [smem:$0x3FDB];
	s0 =	simm.s32 @p2 $0x1  }
0x17: {  	s4 =	simm.s32 $0x1BF5;
	[smem:$0x3FB3] =	sst s0  }
0x18: {  	s0 =	sld [smem:$0x3F96];
	_ =	swait.ge [sflag:s4], $0x0  }
0x19: {  	s7 =	sld [smem:$0x3F97]  }
0x1a: {  	s8 =	sadd.s32 $0xFFFFE003, lr  }
0x1b: {  	s9 =	sadd.s32 $0xFFFFFEF7, lr;
	s5 =	simm.s32 $0xFFFFFFFF;
	p2 =	slt.u32 s8, $0xFFFFF086  }
0x1c: {  	p1 =	slt.u32 s9, $0xF7A;
	s5 =	simm.s32 @!p2 $0x0  }
0x1d: {  	s5 =	simm.s32 @p1 $0x1;
	p0 =	seq.s32 s7, s2  }
0x1e: {  	s7 =	smul.u32 @!p0 $0xF7A, s2;
	p2 =	seq.s32 @!p0 s5, $0x0  }
0x1f: {  	s9 =	smul.u32 $0xF7A, s1;
	s8 =	simm.s32 @!p0 $0x1BF5;
	p2 =	por !p2, p0  }
0x20: {  	[sflag:s8] =	ssyncset.s32 @!p0 $0xFFFFF086;
	s6 =	sadd.s32 @!p0 s3, s7;
	s7 =	simm.s32 @!p0 $0x108  }
0x21: {  	s3 =	sadd.s32 s3, s9;
	s6 =	sadd.s32 @!p0 $0x88, s6;
	s7 =	simm.s32 @p2 $0x1082  }
0x22: {  	[simem:s7], [sflag:s8] =	dma.local @!p0 [hbm:s6], $0xF7A  }
0x23: {  	s9 =	sor.u32 $0xD0000000, s2;
	s6 =	simm.s32 $0x108;
	_ =	swait.ge @!p0 [sflag:s8], $0x0  }
0x24: {  	s3 =	sadd.s32 $0x88, s3;
	s6 =	simm.s32 @!p1 $0x1082;
	[sflag:s4] =	ssyncset.s32 $0xFFFFF086  }
0x25: {  	[simem:s6], [sflag:s4] =	dma.local [hbm:s3], $0xF7A  }
0x26: {  	[smem:$0x3F97] =	sst s1;
	(tag) =	ssettag s2;
	_ =	strace s9  }
0x27: {  	s1 =	sld [smem:$0x3FA7]  }
0x28: {  	s2 =	sld [smem:$0x3FA8]  }
0x29: {  	s4 =	sld [smem:$0x3FAA]  }
0x2a: {  	p0 =	seq.s32 s5, $0x0;
	s5 =	sld [smem:$0x3FAB]  }
0x2b: {  	s6 =	sld [smem:$0x3FAC]  }
0x2c: {  	s7 =	sld [smem:$0x3FAD]  }
0x2d: {  	s3 =	simm.s32 $0x108;
	s8 =	sld [smem:$0x3FAE]  }
0x2e: {  	s3 =	simm.s32 @!p0 $0x1082;
	s9 =	sld [smem:$0x3FAF]  }
0x2f: {  	lr =	sadd.s32 s0, s3;
	s0 =	sld [smem:$0x3FA6]  }
0x30: {  	s3 =	sld [smem:$0x3FA9]  }
0x31: {  	[smem:$0x3FB2] =	sst s10  }
0x32: {  	s10 =	sld [smem:$0x3FB0];
	_ =	sdelay $0x3  }
0x33: {  	p0 =	seq.s32 s10, $0x1;
	s10 =	sld [smem:$0x3FB2];
	_ =	sdelay $0x3  }
0x34: {  	[smem:$0x3FB2] =	sst s10  }
0x35: {  	s10 =	sld [smem:$0x3FB1];
	_ =	sdelay $0x3  }
0x36: {  	p1 =	seq.s32 s10, $0x1;
	s10 =	sld [smem:$0x3FB2];
	_ =	sdelay $0x3  }
0x37: {  	[smem:$0x3FB2] =	sst s10  }
0x38: {  	s10 =	sld [smem:$0x3FB3]  }
0x39: {  	_ = 	snop;
	(pc) =	sbr.ind lr, $3  }
0x3a: {  	_ = 	snop  }
0x3b: {  	_ = 	snop  }
0x3c: {  	p2 =	seq.s32 s10, $0x1;
	s10 =	sld [smem:$0x3FB2]  }
0x3d: {  	_ =	shalt  }
0x3e: {  	_ =	shalt  }
0x3f: {  	_ =	shalt  }
0x40: {  	_ =	shalt  }
0x41: {  	_ =	shalt  }
0x42: {  	_ =	shalt  }
0x43: {  	_ =	shalt  }
0x44: {  	_ =	shalt  }
0x45: {  	_ =	shalt  }
0x46: {  	_ =	shalt  }
0x47: {  	_ =	shalt  }
0x48: {  	_ =	shalt  }
0x49: {  	_ =	shalt  }
0x4a: {  	_ =	shalt  }
0x4b: {  	_ =	shalt  }
0x4c: {  	_ =	shalt  }
0x4d: {  	_ =	shalt  }
0x4e: {  	_ =	shalt  }
0x4f: {  	_ =	shalt  }
0x50: {  	_ =	shalt  }
0x51: {  	_ =	shalt  }
0x52: {  	_ =	shalt  }
0x53: {  	_ =	shalt  }
0x54: {  	_ =	shalt  }
0x55: {  	_ =	shalt  }
0x56: {  	_ =	shalt  }
0x57: {  	_ =	shalt  }
0x58: {  	_ =	shalt  }
0x59: {  	_ =	shalt  }
0x5a: {  	_ =	shalt  }
0x5b: {  	_ =	shalt  }
0x5c: {  	_ =	shalt  }
0x5d: {  	_ =	shalt  }
0x5e: {  	_ =	shalt  }
0x5f: {  	_ =	shalt  }
0x60: {  	_ =	shalt  }
0x61: {  	_ =	shalt  }
0x62: {  	_ =	shalt  }
0x63: {  	_ =	shalt  }
0x64: {  	_ =	shalt  }
0x65: {  	_ =	shalt  }
0x66: {  	_ =	shalt  }
0x67: {  	_ =	shalt  }
0x68: {  	_ =	shalt  }
0x69: {  	_ =	shalt  }
0x6a: {  	_ =	shalt  }
0x6b: {  	_ =	shalt  }
0x6c: {  	_ =	shalt  }
0x6d: {  	_ =	shalt  }
0x6e: {  	_ =	shalt  }
0x6f: {  	_ =	shalt  }
0x70: {  	_ =	shalt  }
0x71: {  	_ =	shalt  }
0x72: {  	_ =	shalt  }
0x73: {  	_ =	shalt  }
0x74: {  	_ =	shalt  }
0x75: {  	_ =	shalt  }
0x76: {  	_ =	shalt  }
0x77: {  	_ =	shalt  }
0x78: {  	_ =	shalt  }
0x79: {  	_ =	shalt  }
0x7a: {  	_ =	shalt  }
0x7b: {  	_ =	shalt  }
0x7c: {  	_ =	shalt  }
0x7d: {  	_ =	shalt  }
0x7e: {  	_ =	shalt  }
0x7f: {  	_ =	shalt  }
0x80: {  	_ =	shalt  }
0x81: {  	_ =	shalt  }
0x82: {  	_ =	shalt  }
0x83: {  	_ =	shalt  }
0x84: {  	_ =	shalt  }
0x85: {  	_ =	shalt  }
0x86: {  	_ =	shalt  }
0x87: {  	_ =	shalt  }
.Lfunc_end0:
.L_simem_size_0:
called_computation_lowered:
.L_overlay_start_0:
0x88: {  	s2 =	sld [smem:$0x3FD9]  }
0x89: {  	s3 =	sld [smem:$0x3FFE];
	_ =	sdelay $0x1  }
0x8a: {  	s1 =	srdreg.scid  }
0x8b: {  	s0 =	sand.u32 $0x1, s1  }
0x8c: {  	s17 =	sshll.u32 s0, $0xA;
	s2 =	sadd.s32 s3, s2  }
0x8d: {  	s2 =	sadd.s32 s2, s17  }
0x8e: {  	[smem:$0x3FBE] =	sst s2  }
0x8f: {  	_ = 	snop  }
0x90: {  	s2 =	sld [smem:$0x3FD0];
	(tm) =	ssettm $0x1  }
0x91: {  	s18 =	sld [smem:$0x3FFB];
	_ =	sdelay $0x3  }
0x92: {  	_ =	strace s18  }
0x93: {  	s3 =	sld [smem:$0x3FFC];
	_ =	sdelay $0x3  }
0x94: {  	_ =	strace s3  }
0x95: {  	s3 =	sld [smem:$0x3FFD];
	_ =	sdelay $0x3  }
0x96: {  	_ =	strace s3  }
0x97: {  	_ =	strace $0x8FFFFFFF  }
0x98: {  	s19 =	sld [smem:$0x3FDB];
	_ =	sdelay $0x1  }
0x99: {  	s4 =	simm.s32 $_scs_section_size  }
0x9a: {  	s5 =	simm.s32 $_size__tile_overlayer_lowered;
	s6 =	simm.s32 $_tile_overlayer_lowered  }
0x9b: {  	s22 =	simm.s32 $0x1BFF;
	s21 =	sshll.u32 s6, $0x1;
	s3 =	sadd.s32 s4, s19  }
0x9c: {  	s7 =	simm.s32 $0x0;
	s20 =	sshll.u32 s5, $0x1;
	s5 =	sadd.s32 s21, s3  }
0x9d: {  	[timem:s7], [sflag:s22] =	dma.local [hbm:s5], s20  }
0x9e: {  	_ =	swait.ge [sflag:s22], s20  }
0x9f: {  	s4 =	ssub.s32 $0x0, s20;
	[sflag:s22] =	ssyncset.done $0x0  }
0xa0: {  	[sflag:s22] =	ssyncadd.s32 s4;
	_ =	sdelay $0x1  }
0xa1: {  	s23 =	simm.s32 $0x1B8B  }
0xa2: {  	_ =	swait.ge [sflag:s23], $0x1  }
0xa3: {  	[sflag:s23] =	ssyncset.done $0x0  }
0xa4: {  	s25 =	simm.s32 $0x1B8E;
	s24 =	sld [smem:$0x3FFE];
	[sflag:s23] =	ssyncadd.s32 $0xFFFFFFFF  }
0xa5: {  	s26 =	simm.s32 $execute0_lowered;
	[smem:$0x3FD2] =	sst s25  }
0xa6: {  	s5 =	sshll.u32 s26, $0x1;
	_ =	strace $0x80000046;
	[dreg:$0x1] =	wrdreg $0xFFFFFFFF  }
0xa7: {  	s28 =	simm.s32 $_size_execute0_lowered;
	s3 =	sadd.s32 s3, s5;
	[dreg:$0x0] =	wrdreg $0x0  }
0xa8: {  	s5 =	sshll.u32 s28, $0x1;
	[dreg:$0x2] =	wrdreg s3  }
0xa9: {  	[dreg:$0x3] =	wrdreg s5  }
0xaa: {  	[dreg:$0x4] =	wrdreg $0xC0  }
0xab: {  	_ =	task [dreg:s7], $0x5FFFF  }
0xac: {  	[dreg:$0x1] =	wrdreg $0xFFFFFFFF  }
0xad: {  	[dreg:$0x0] =	wrdreg $0x60  }
0xae: {  	[dreg:$0x2] =	wrdreg s2  }
0xaf: {  	[dreg:$0x3] =	wrdreg s24  }
0xb0: {  	[dreg:$0x4] =	wrdreg $0x0  }
0xb1: {  	[dreg:$0x5] =	wrdreg $0x9  }
0xb2: {  	_ =	task.clear_ibuf [dreg:s7], $0x6FFFF;
	_ =	strace $0x90000046  }
0xb3: {  	s29 =	simm.s32 $0x9;
	_ =	strace $0x80000048  }
0xb4: {  	_ =	swait.ge [sflag:s29], $0x1  }
0xb5: {  	[sflag:s29] =	ssyncadd.s32 $0xFFFFFFFF  }
0xb6: {  	_ =	strace $0x90000048  }
0xb7: {  	_ =	sfence  }
0xb8: {  	s30 =	sld [smem:$0x0];
	_ =	sdelay $0x2  }
0xb9: {  	s31 =	sshll.u32 s1, $0xD;
	s1 =	sshrl.u32 s1, $0x2  }
0xba: {  	s3 =	sand.u32 $0x4000, s31;
	s1 =	sadd.s32 s1, s30  }
0xbb: {  	s0 =	sor.u32 s3, s0;
	s1 =	sshll.u32 s1, $0x11  }
0xbc: {  	s0 =	sor.u32 s1, s0  }
0xbd: {  	s0 =	sadd.s32 $0x8F2B, s0  }
0xbe: {  	[sflag:s0] =	ssyncadd.remote.s32 $0x1  }
0xbf: {  	_ =	sfence.sel $0xFFFF  }
0xc0: {  	[dreg:$0x0] =	wrdreg $0xFFFFFFFF;
	(pc) =	sbr.abs _section_cstart, $3  }
0xc1: {  	[dreg:$0x1] =	wrdreg $0xFFFFFFFF  }
0xc2: {  	_ =	task.clear_ibuf [dreg:s7], $0x2FFFF;
	_ =	strace $0x9FFFFFFF  }
0xc3: {  	(tm) =	ssettm $0x7FFFFFFF  }
tec
execute0_lowered:
.L_overlay_start_1:
0x0: {  	(tag) =	ssettag $0x1  }
0x1: {  	s1 =	rddreg [dreg:$0x0]  }
0x2: {  	s0 =	rddreg [dreg:$0x1]  }
0x3: {  	s3 =	rddreg [dreg:$0x2];
	s5 =	simm.s32 $0x0  }
0x4: {  	s2 =	srdreg.scid;
	s4 =	stileid.u32;
	s12 =	simm.s32 $0x28  }
0x5: {  	s29 =	simm.s32 $0x1;
	s30 =	simm.s32 $0x50;
	s28 =	simm.s32 $0x2  }
0x6: {  	s13 =	simm.s32 $0xA;
	s14 =	simm.s32 $0x5;
	[smem:$0x7FF] =	sst s5  }
0x7: {  	s2 =	sand.u32 $0x1, s2;
	s8 =	smul.u32 $0x270, s4;
	s5 =	sadd.s32 $0x14800, s0  }
0x8: {  	s6 =	sadd.s32 $0xAA00, s0;
	s7 =	sadd.s32 $0xC00, s0;
	s11 =	smul.u32 $0x50, s4  }
0x9: {  	s20 =	smul.u32 $0x4E000, s4;
	p0 =	seq.s32 s4, $0xF;
	s31 =	sor.u32 $0x20, s4  }
0xa: {  	s18 =	sor.u32 $0x30, s4;
	s4 =	sor.u32 $0x40, s4;
	_ =	strace $0x80000047  }
0xb: {  	s9 =	smul.u32 $0x2710, s2;
	s10 =	ssub.s32 $0x2, s2;
	[dreg:$0xc] =	wrdreg s31  }
0xc: {  	s12 =	simm.s32 @!p0 $0x27;
	[dreg:$0xd] =	wrdreg s4;
	s16 =	sshrl.u32 s10, $0x1  }
0xd: {  	[dreg:$0x4] =	wrdreg s12;
	s12 =	simm.s32 $0x7;
	s9 =	sadd.s32 s8, s9  }
0xe: {  	s8 =	smul.u32 $0x27100, s2;
	s17 =	ssub.s32 s10, s16;
	s16 =	simm.s32 $0xB  }
0xf: {  	s15 =	sshll.u32 s9, $0x4;
	s9 =	sshrl.u32 s20, $0x2;
	s2 =	smax.u32 s17, $0x1  }
0x10: {  	s20 =	simm.s32 $0x9;
	s17 =	simm.s32 $0x0;
	s0 =	sadd.s32 s15, s0  }
0x11: {  	s21 =	sadd.s32 s11, s8;
	s19 =	sadd.s32 s9, s3;
	[dreg:$0xf] =	wrdreg s2  }
0x12: {  	s2 =	simm.s32 $0x19F80;
	s15 =	simm.s32 $0x8;
	s11 =	sshrl.u32 s21, $0x3  }
0x13: {  	s23 =	sadd.s32 $0x500, s21;
	s0 =	sadd.s32 $0x285800, s0;
	[dreg:$0x5] =	wrdreg s19  }
0x14: {  	s10 =	sshll.u32 s21, $0x3;
	s22 =	sadd.s32 s6, s11;
	[dreg:$0xe] =	wrdreg s0  }
0x15: {  	s21 =	simm.s32 $0xE;
	s11 =	sadd.s32 s7, s11;
	[dreg:$0x6] =	wrdreg s22  }
0x16: {  	s24 =	sshrl.u32 s23, $0x3;
	s10 =	sadd.s32 s5, s10;
	[dreg:$0x7] =	wrdreg s11  }
0x17: {  	s9 =	sshll.u32 s23, $0x3;
	[dreg:$0x8] =	wrdreg s10;
	s25 =	sadd.s32 s6, s24  }
.Ltmp0:
0x18: {  	s26 =	sadd.s32 s7, s24;
	[dreg:$0x9] =	wrdreg s25;
	(pc) =	sbr.rel .LBB2_1-.Ltmp0, $4  }
0x19: {  	s0 =	sadd.s32 $0x124800, s3;
	s9 =	sadd.s32 s5, s9;
	[dreg:$0xa] =	wrdreg s26  }
0x1a: {  	s23 =	simm.s32 $0x10;
	s0 =	sshrl.u32 @p0 s0, $0x3;
	[dreg:$0xb] =	wrdreg s9  }
0x1b: {  	s22 =	simm.s32 $0x17780;
	s11 =	simm.s32 $0x4;
	[dreg:$0x10] =	wrdreg s0  }
0x1c: {  	v0 =	vimm.f32 $0.0e+00;
	s0 =	simm.s32 $0x13A80;
	s25 =	simm.s32 $0x6;
	s9 =	simm.s32 $0xC  }
.LBB2_16:
0x1d: {  	_ =	swait.ge [sflag:s21], $0x2800  }
0x1e: {  	[sflag:s21] =	ssyncset.done $0x0  }
0x1f: {  	[sflag:s21] =	ssyncadd.s32 $0xFFFFD800  }
0x20: {  	[bflag:$0x0] =	sbarrier.arrive $0xFFFF  }
0x21: {  	s17 =	rddreg [dreg:$0xe]  }
0x22: {  	s4 =	simm.s32 @p0 $0x1FD0;
	s10 =	rddreg [dreg:$0x10]  }
0x23: {  	[hbm:s17], [sflag:s4] =	dma.local @p0 [spmem:s10], $0x2800  }
0x24: {  	s4 =	simm.s32 @p0 $0x10  }
0x25: {  	s10 =	stileid.u32;
	_ =	swait.ge @p0 [sflag:s4], $0x2800  }
0x26: {  	s10 =	sshll.u32 @!p0 s10, $0x6;
	[sflag:s4] =	ssyncset.done @p0 $0x0;
	s19 =	rddreg [dreg:$0x5]  }
0x27: {  	[sflag:s4] =	ssyncadd.s32 @p0 $0xFFFFD800;
	s4 =	sor.u32 @!p0 $0x1C10, s10;
	s10 =	sshrl.u32 @!p0 s19, $0x3  }
0x28: {  	[hbm:s17], [sflag:s4] =	dma.local @!p0 [spmem:s10], $0x2700  }
0x29: {  	s4 =	simm.s32 @!p0 $0x10  }
0x2a: {  	_ =	swait.ge @!p0 [sflag:s4], $0x2700  }
0x2b: {  	s26 =	rddreg [dreg:$0x11]  }
0x2c: {  	s31 =	rddreg [dreg:$0xf];
	s17 =	sadd.s32 $0x1, s26  }
0x2d: {  	p1 =	sne.s32 s17, s31  }
.Ltmp1:
0x2e: {  	_ = 	snop;
	(pc) =	sbr.rel @!p1 .LBB2_17-.Ltmp1, $3  }
0x2f: {  	_ =	sdelay $0x1  }
0x30: {  	[sflag:s4] =	ssyncset.done @!p0 $0x0  }
0x31: {  	[sflag:s4] =	ssyncadd.s32 @!p0 $0xFFFFD900  }
.LBB2_1:
0x32: {  	[dreg:$0x11] =	wrdreg s17;
	s17 =	simm.s32 $0x0;
	s24 =	simm.s32 $0x200  }
.LBB2_2:
0x33: {  	p1 =	sne.s32 s24, $0x1E00;
	[tilespmem:s17+$0x177F0] =	vst v0  }
0x34: {  	[tilespmem:s17+$0x17780] =	vst v0  }
0x35: {  	[tilespmem:s17+$0x17790] =	vst v0  }
.Ltmp2:
0x36: {  	[tilespmem:s17+$0x177A0] =	vst v0;
	(pc) =	sbr.rel @p1 .LBB2_2-.Ltmp2, $4  }
0x37: {  	[tilespmem:s17+$0x177B0] =	vst v0  }
0x38: {  	[tilespmem:s17+$0x177C0] =	vst v0  }
0x39: {  	[tilespmem:s17+$0x177D0] =	vst v0  }
0x3a: {  	[tilespmem:s17+$0x177E0] =	vst v0;
	s17 =	sshra.s32 s24, $0x2;
	s24 =	sadd.s32 $0x200, s24  }
0x3b: {  	[tilespmem:s17+$0x177F0] =	vst v0  }
0x3c: {  	[tilespmem:s17+$0x17780] =	vst v0  }
0x3d: {  	[tilespmem:s17+$0x17790] =	vst v0  }
0x3e: {  	[tilespmem:s17+$0x177A0] =	vst v0  }
0x3f: {  	[tilespmem:s17+$0x177B0] =	vst v0;
	s4 =	rddreg [dreg:$0x4]  }
0x40: {  	[tilespmem:s17+$0x177C0] =	vst v0;
	p1 =	sne.s32 s4, $0x1  }
.Ltmp3:
0x41: {  	[tilespmem:s17+$0x177D0] =	vst v0;
	(pc) =	sbr.rel @!p1 .LBB2_5-.Ltmp3, $4  }
0x42: {  	[tilespmem:s17+$0x177E0] =	vst v0  }
0x43: {  	[spmem:s19] =	stream.linear.scatter [tilespmem:s22], [sflag:$0x10], $0x800, $0x38;
	[tilespmem:$0x1EF80] =	vst v63  }
0x44: {  	_ =	swait.ge [sflag:s23], $0x800  }
0x45: {  	s24 =	smov.u32 s19;
	s17 =	sadd.s32 $0xFFFFFFFF, s4;
	[sflag:s23] =	ssyncset.done $0x0  }
.LBB2_4:
0x46: {  	p1 =	sne.s32 s17, $0x1;
	[sflag:s23] =	ssyncadd.s32 $0xFFFFF800;
	s24 =	sadd.s32 $0x800, s24  }
.Ltmp4:
0x47: {  	s17 =	sadd.s32 $0xFFFFFFFF, s17;
	(pc) =	sbr.rel @p1 .LBB2_4-.Ltmp4, $4  }
0x48: {  	_ = 	snop  }
0x49: {  	[spmem:s24] =	stream.linear.scatter [tilespmem:s22], [sflag:$0x10], $0x800, $0x38;
	[tilespmem:$0x1EF80] =	vst v63  }
0x4a: {  	_ =	swait.ge [sflag:s23], $0x800  }
0x4b: {  	[sflag:s23] =	ssyncset.done $0x0  }
.LBB2_5:
0x4c: {  	[sflag:s23] =	ssyncadd.s32 $0xFFFFF800  }
0x4d: {  	[bflag:$0x0] =	sbarrier.arrive $0xFFFF  }
0x4e: {  	s26 =	simm.s32 $0x0;
	s10 =	simm.s32 $0x13880;
	s4 =	rddreg [dreg:$0x6]  }
0x4f: {  	[tilespmem:s10], [sflag:$0x1] =	stream.linear.gather [hbm4b:s4+s26], $0x50, $0x38;
	[tilespmem:$0x1EF80] =	vst v63  }
0x50: {  	s17 =	simm.s32 $0x13A00;
	s19 =	rddreg [dreg:$0x7]  }
0x51: {  	[tilespmem:s17], [sflag:$0x4] =	stream.linear.gather [hbm4b:s19+s26], $0x50, $0x38;
	[tilespmem:$0x1EF80] =	vst v63  }
0x52: {  	s31 =	simm.s32 $0x13B80;
	s24 =	rddreg [dreg:$0x8]  }
0x53: {  	[tilespmem:s31], [sflag:$0x7] =	stream.linear.gather [hbm4b:s24+s26], $0x1400, $0x38;
	[tilespmem:$0x1EF80] =	vst v63  }
0x54: {  	_ =	swait.ge [sflag:s29], $0x50  }
0x55: {  	[sflag:s29] =	ssyncset.done $0x0  }
0x56: {  	[sflag:s29] =	ssyncadd.s32 $0xFFFFFFB0  }
0x57: {  	[tilespmem:s22], [sflag:$0xA] =	stream.indirect.gather [hbm4b:s1+s30], $0x80, s10, s30, $0xb8;
	[tilespmem:$0x1EF80] =	vst v63  }
0x58: {  	s17 =	rddreg [dreg:$0x9];
	s10 =	simm.s32 $0x13900  }
0x59: {  	[tilespmem:s10], [sflag:$0x2] =	stream.linear.gather [hbm4b:s17+s26], $0x50, $0x38;
	[tilespmem:$0x1EF80] =	vst v63  }
0x5a: {  	s19 =	rddreg [dreg:$0xa]  }
0x5b: {  	[tilespmem:s0], [sflag:$0x5] =	stream.linear.gather [hbm4b:s19+s26], $0x50, $0x38;
	[tilespmem:$0x1EF80] =	vst v63  }
0x5c: {  	s31 =	simm.s32 $0x14F80;
	s24 =	rddreg [dreg:$0xb]  }
0x5d: {  	[tilespmem:s31], [sflag:$0x8] =	stream.linear.gather [hbm4b:s24+s26], $0x1400, $0x38;
	[tilespmem:$0x1EF80] =	vst v63  }
.Ltmp5:
0x5e: {  	_ = 	snop;
	(pc) =	sbr.rel .LBB2_6-.Ltmp5, $4  }
0x5f: {  	_ =	swait.ge [sflag:s28], $0x50  }
0x60: {  	[sflag:s28] =	ssyncset.done $0x0  }
0x61: {  	[sflag:s28] =	ssyncadd.s32 $0xFFFFFFB0  }
0x62: {  	[tilespmem:s2], [sflag:$0xB] =	stream.indirect.gather [hbm4b:s1+s30], $0x80, s10, s30, $0xb8;
	[tilespmem:$0x1EF80] =	vst v63  }
.LBB2_11:
0x63: {  	[spmem:s3] =	stream.indirect.scatter.add.f32 [tilespmem:s2], [sflag:$0xE], $0x80, s0, s30, $0xb8;
	[tilespmem:$0x1EF80] =	vst v63  }
.LBB2_15:
0x64: {  	s26 =	sadd.s32 $0x1, s26  }
0x65: {  	p1 =	sne.s32 s26, $0x2A  }
.Ltmp6:
0x66: {  	_ = 	snop;
	(pc) =	sbr.rel @!p1 .LBB2_16-.Ltmp6, $1  }
0x67: {  	_ =	sdelay $0x3  }
.LBB2_6:
0x68: {  	p1 =	seq.s32 s26, $0x0  }
0x69: {  	s17 =	simm.s32 @!p1 $0xF  }
0x6a: {  	p2 =	seq.s32 @!p1 s26, $0x29;
	_ =	swait.ge @!p1 [sflag:s17], $0x2800  }
0x6b: {  	p2 =	por p1, !p2;
	[sflag:s17] =	ssyncset.done @!p1 $0x0  }
0x6c: {  	[sflag:s17] =	ssyncadd.s32 @!p1 $0xFFFFD800;
	s17 =	smul.u32 @p2 $0x30, s26  }
0x6d: {  	s4 =	rddreg @p2 [dreg:$0xc]  }
0x6e: {  	s17 =	sadd.s32 @p2 s4, s17  }
0x6f: {  	s17 =	smul.u32 @p2 $0x50, s17;
	_ =	sdelay $0x1  }
0x70: {  	s17 =	sadd.s32 @p2 s8, s17  }
0x71: {  	s24 =	sshrl.u32 @p2 s17, $0x3  }
0x72: {  	s10 =	simm.s32 @p2 $0x13980;
	s4 =	simm.s32 @p2 $0x0;
	s19 =	sadd.s32 @p2 s6, s24  }
0x73: {  	[tilespmem:s10], [sflag:$0x3] =	stream.linear.gather @p2 [hbm4b:s19+s4], $0x50, $0x38;
	[tilespmem:$0x1EF80] =	vst v63  }
0x74: {  	s17 =	sshll.u32 @p2 s17, $0x3;
	s19 =	sadd.s32 @p2 s7, s24;
	s10 =	simm.s32 @p2 $0x13B00  }
0x75: {  	[tilespmem:s10], [sflag:$0x6] =	stream.linear.gather @p2 [hbm4b:s19+s4], $0x50, $0x38;
	[tilespmem:$0x1EF80] =	vst v63  }
0x76: {  	s17 =	sadd.s32 @p2 s5, s17;
	s10 =	simm.s32 @p2 $0x16380  }
0x77: {  	[tilespmem:s10], [sflag:$0x9] =	stream.linear.gather @p2 [hbm4b:s17+s4], $0x1400, $0x38;
	[tilespmem:$0x1EF80] =	vst v63  }
0x78: {  	_ =	swait.ge [sflag:s11], $0x50  }
0x79: {  	[sflag:s11] =	ssyncset.done $0x0  }
0x7a: {  	[sflag:s11] =	ssyncadd.s32 $0xFFFFFFB0  }
0x7b: {  	_ =	swait.ge [sflag:s12], $0x1400  }
0x7c: {  	[sflag:s12] =	ssyncset.done $0x0  }
0x7d: {  	[sflag:s12] =	ssyncadd.s32 $0xFFFFEC00  }
0x7e: {  	_ =	swait.ge [sflag:s13], $0x2800  }
0x7f: {  	[sflag:s13] =	ssyncset.done $0x0  }
0x80: {  	s24 =	simm.s32 $0x0;
	[sflag:s13] =	ssyncadd.s32 $0xFFFFD800  }
0x81: {  	v4 =	vld [tilespmem:s24+$0x13B80]  }
0x82: {  	v5 =	vld [tilespmem:s24+$0x13B90]  }
0x83: {  	v6 =	vld [tilespmem:s24+$0x13BA0]  }
0x84: {  	v8 =	vld [tilespmem:s24+$0x13BB0]  }
0x85: {  	v9 =	vld [tilespmem:s24+$0x13BC0]  }
0x86: {  	v3 =	vld [tilespmem:s24+$0x13BD0]  }
0x87: {  	v7 =	vld [tilespmem:s24+$0x17780]  }
0x88: {  	v10 =	vld [tilespmem:s24+$0x18B80]  }
0x89: {  	v2 =	vld [tilespmem:s24+$0x13BE0]  }
0x8a: {  	v11 =	vld [tilespmem:s24+$0x17790]  }
0x8b: {  	v12 =	vld [tilespmem:s24+$0x18B90];
	v13 =	vshll.u32 v4, $0x10  }
0x8c: {  	v14 =	vld [tilespmem:s24+$0x177A0];
	v4 =	vand.u32 $0xFFFF0000, v4;
	v7 =	vmul.f32 v13, v7  }
0x8d: {  	v1 =	vld [tilespmem:s24+$0x13BF0];
	v4 =	vmul.f32 v4, v10  }
0x8e: {  	v62 =	vld [tilespmem:s24+$0x18BA0];
	[tilespmem:s24+$0x17780] =	vst v7;
	v7 =	vshll.u32 v5, $0x10  }
0x8f: {  	v15 =	vld [tilespmem:s24+$0x177B0];
	[tilespmem:s24+$0x18B80] =	vst v4;
	v4 =	vand.u32 $0xFFFF0000, v5;
	v7 =	vmul.f32 v7, v11  }
0x90: {  	v10 =	vld [tilespmem:s24+$0x18BB0];
	v5 =	vshll.u32 v6, $0x10;
	v4 =	vmul.f32 v4, v12  }
0x91: {  	v16 =	vld [tilespmem:s24+$0x177C0];
	v11 =	vmul.f32 v5, v14;
	[tilespmem:s24+$0x17790] =	vst v7  }
0x92: {  	v7 =	vld [tilespmem:s24+$0x18BC0];
	[tilespmem:s24+$0x18B90] =	vst v4;
	v4 =	vand.u32 $0xFFFF0000, v6  }
0x93: {  	v5 =	vld [tilespmem:s24+$0x177D0];
	[tilespmem:s24+$0x177A0] =	vst v11;
	v11 =	vshll.u32 v8, $0x10;
	v4 =	vmul.f32 v4, v62  }
0x94: {  	v6 =	vld [tilespmem:s24+$0x18BD0];
	v8 =	vand.u32 $0xFFFF0000, v8;
	v11 =	vmul.f32 v11, v15  }
0x95: {  	p1 =	por @!p1 $0x1, $0x1;
	v63 =	vshll.u32 v9, $0x10;
	v10 =	vmul.f32 v8, v10;
	[tilespmem:s24+$0x18BA0] =	vst v4;
	v4 =	vld [tilespmem:s24+$0x177E0]  }
0x96: {  	p1 =	por @p2 $0x0, $0x0;
	s17 =	simm.s32 $0x200;
	v8 =	vld [tilespmem:s24+$0x18BE0];
	[tilespmem:s24+$0x177B0] =	vst v11;
	v11 =	vand.u32 $0xFFFF0000, v9;
	v9 =	vmul.f32 v63, v16  }
.LBB2_7:
0x97: {  	p2 =	sne.s32 s17, $0x4E00;
	[tilespmem:s24+$0x18BB0] =	vst v10;
	v7 =	vmul.f32 v11, v7;
	v10 =	vshll.u32 v3, $0x10;
	v11 =	vld [tilespmem:s24+$0x177F0]  }
0x98: {  	s19 =	sshra.s32 s17, $0x2;
	v3 =	vand.u32 $0xFFFF0000, v3;
	[tilespmem:s24+$0x177C0] =	vst v9;
	v5 =	vmul.f32 v10, v5;
	v9 =	vld [tilespmem:s24+$0x18BF0]  }
0x99: {  	v10 =	vld [tilespmem:s19+$0x13B80];
	[tilespmem:s24+$0x18BC0] =	vst v7;
	v3 =	vmul.f32 v3, v6;
	v6 =	vshll.u32 v2, $0x10  }
0x9a: {  	v2 =	vand.u32 $0xFFFF0000, v2;
	v7 =	vld [tilespmem:s19+$0x13B90];
	[tilespmem:s24+$0x177D0] =	vst v5;
	v4 =	vmul.f32 v6, v4  }
0x9b: {  	v5 =	vld [tilespmem:s19+$0x13BA0];
	[tilespmem:s24+$0x18BD0] =	vst v3;
	v2 =	vmul.f32 v2, v8;
	v3 =	vshll.u32 v1, $0x10  }
0x9c: {  	v1 =	vand.u32 $0xFFFF0000, v1;
	v6 =	vld [tilespmem:s19+$0x13BB0];
	[tilespmem:s24+$0x177E0] =	vst v4;
	v4 =	vmul.f32 v3, v11  }
0x9d: {  	v8 =	vld [tilespmem:s19+$0x13BC0];
	[tilespmem:s24+$0x18BE0] =	vst v2;
	v1 =	vmul.f32 v1, v9  }
0x9e: {  	v3 =	vld [tilespmem:s19+$0x13BD0];
	[tilespmem:s24+$0x177F0] =	vst v4  }
0x9f: {  	v2 =	vld [tilespmem:s19+$0x13BE0];
	[tilespmem:s24+$0x18BF0] =	vst v1;
	s24 =	smov.u32 s19  }
0xa0: {  	v1 =	vld [tilespmem:s24+$0x13BF0]  }
0xa1: {  	v4 =	vld [tilespmem:s24+$0x17780]  }
0xa2: {  	v9 =	vld [tilespmem:s24+$0x18B80]  }
0xa3: {  	v11 =	vld [tilespmem:s24+$0x17790]  }
0xa4: {  	v12 =	vld [tilespmem:s24+$0x18B90]  }
0xa5: {  	v13 =	vshll.u32 v10, $0x10;
	v14 =	vld [tilespmem:s24+$0x177A0]  }
0xa6: {  	v10 =	vand.u32 $0xFFFF0000, v10;
	v4 =	vmul.f32 v13, v4;
	v13 =	vld [tilespmem:s24+$0x18BA0]  }
0xa7: {  	v9 =	vmul.f32 v10, v9;
	v10 =	vshll.u32 v7, $0x10;
	v15 =	vld [tilespmem:s24+$0x177B0]  }
0xa8: {  	[tilespmem:s24+$0x17780] =	vst v4;
	v4 =	vand.u32 $0xFFFF0000, v7;
	v7 =	vmul.f32 v10, v11;
	v10 =	vld [tilespmem:s24+$0x18BB0]  }
0xa9: {  	[tilespmem:s24+$0x18B80] =	vst v9;
	v4 =	vmul.f32 v4, v12;
	v9 =	vshll.u32 v5, $0x10;
	v12 =	vld [tilespmem:s24+$0x177C0]  }
.Ltmp7:
0xaa: {  	v5 =	vand.u32 $0xFFFF0000, v5;
	[tilespmem:s24+$0x17790] =	vst v7;
	v9 =	vmul.f32 v9, v14;
	v7 =	vld [tilespmem:s24+$0x18BC0];
	(pc) =	sbr.rel @p2 .LBB2_7-.Ltmp7, $4  }
0xab: {  	v11 =	vshll.u32 v6, $0x10;
	[tilespmem:s24+$0x18B90] =	vst v4;
	v4 =	vmul.f32 v5, v13;
	v5 =	vld [tilespmem:s24+$0x177D0]  }
0xac: {  	[tilespmem:s24+$0x177A0] =	vst v9;
	v9 =	vand.u32 $0xFFFF0000, v6;
	v11 =	vmul.f32 v11, v15;
	v6 =	vld [tilespmem:s24+$0x18BD0]  }
0xad: {  	[tilespmem:s24+$0x18BA0] =	vst v4;
	v10 =	vmul.f32 v9, v10;
	v9 =	vshll.u32 v8, $0x10;
	v4 =	vld [tilespmem:s24+$0x177E0]  }
0xae: {  	s17 =	sadd.s32 $0x200, s17;
	[tilespmem:s24+$0x177B0] =	vst v11;
	v11 =	vand.u32 $0xFFFF0000, v8;
	v9 =	vmul.f32 v9, v12;
	v8 =	vld [tilespmem:s24+$0x18BE0]  }
0xaf: {  	[tilespmem:s24+$0x18BB0] =	vst v10;
	v10 =	vld [tilespmem:s24+$0x177F0];
	v7 =	vmul.f32 v11, v7;
	v11 =	vshll.u32 v3, $0x10  }
0xb0: {  	v3 =	vand.u32 $0xFFFF0000, v3;
	[tilespmem:s24+$0x177C0] =	vst v9;
	v5 =	vmul.f32 v11, v5;
	v9 =	vld [tilespmem:s24+$0x18BF0]  }
0xb1: {  	[tilespmem:s24+$0x18BC0] =	vst v7;
	v3 =	vmul.f32 v3, v6;
	v6 =	vshll.u32 v2, $0x10  }
0xb2: {  	v2 =	vand.u32 $0xFFFF0000, v2;
	[tilespmem:s24+$0x177D0] =	vst v5;
	v4 =	vmul.f32 v6, v4  }
0xb3: {  	[tilespmem:s24+$0x18BD0] =	vst v3;
	v2 =	vmul.f32 v2, v8;
	v3 =	vshll.u32 v1, $0x10  }
0xb4: {  	v1 =	vand.u32 $0xFFFF0000, v1;
	[tilespmem:s24+$0x177E0] =	vst v4;
	v3 =	vmul.f32 v3, v10  }
0xb5: {  	[tilespmem:s24+$0x18BE0] =	vst v2;
	v1 =	vmul.f32 v1, v9  }
0xb6: {  	[tilespmem:s24+$0x177F0] =	vst v3  }
0xb7: {  	s17 =	simm.s32 @p1 $0x50;
	s19 =	simm.s32 @p1 $0x13A00;
	[tilespmem:s24+$0x18BF0] =	vst v1;
	s24 =	simm.s32 @p1 $0x17780  }
0xb8: {  	[spmem:s3] =	stream.indirect.scatter.add.f32 @p1 [tilespmem:s24], [sflag:$0xD], $0x80, s19, s17, $0xb8;
	[tilespmem:$0x1EF80] =	vst v63  }
0xb9: {  	s17 =	simm.s32 @p1 $0xD  }
0xba: {  	_ =	swait.ge @p1 [sflag:s17], $0x2800  }
0xbb: {  	[sflag:s17] =	ssyncset.done @p1 $0x0  }
0xbc: {  	[sflag:s17] =	ssyncadd.s32 @p1 $0xFFFFD800;
	s17 =	simm.s32 @!p1 $0x3  }
0xbd: {  	_ =	swait.ge @!p1 [sflag:s17], $0x50  }
0xbe: {  	s10 =	smul.u32 @!p1 $0x30, s26;
	s19 =	simm.s32 @!p1 $0x13980;
	[sflag:s17] =	ssyncset.done @!p1 $0x0  }
0xbf: {  	s24 =	simm.s32 @!p1 $0x1C780;
	[sflag:s17] =	ssyncadd.s32 @!p1 $0xFFFFFFB0;
	s17 =	simm.s32 @!p1 $0x50  }
0xc0: {  	[tilespmem:s24], [sflag:$0xC] =	stream.indirect.gather @!p1 [hbm4b:s1+s17], $0x80, s19, s17, $0xb8;
	[tilespmem:$0x1EF80] =	vst v63  }
0xc1: {  	s10 =	sadd.s32 @!p1 s18, s10;
	s19 =	simm.s32 @!p1 $0x13A00;
	s24 =	simm.s32 @!p1 $0x17780  }
0xc2: {  	[spmem:s3] =	stream.indirect.scatter.add.f32 @!p1 [tilespmem:s24], [sflag:$0xD], $0x80, s19, s17, $0xb8;
	[tilespmem:$0x1EF80] =	vst v63  }
0xc3: {  	s10 =	smul.u32 @!p1 $0x50, s10;
	s17 =	simm.s32 @!p1 $0xD  }
0xc4: {  	_ =	swait.ge @!p1 [sflag:s17], $0x2800  }
0xc5: {  	s10 =	sadd.s32 @!p1 s8, s10;
	[sflag:s17] =	ssyncset.done @!p1 $0x0  }
0xc6: {  	[sflag:s17] =	ssyncadd.s32 @!p1 $0xFFFFD800;
	s17 =	sshrl.u32 @!p1 s10, $0x3  }
0xc7: {  	s31 =	simm.s32 @!p1 $0x0;
	s4 =	simm.s32 @!p1 $0x13880;
	s24 =	sadd.s32 @!p1 s6, s17  }
0xc8: {  	[tilespmem:s4], [sflag:$0x1] =	stream.linear.gather @!p1 [hbm4b:s24+s31], $0x50, $0x38;
	[tilespmem:$0x1EF80] =	vst v63  }
0xc9: {  	s4 =	sadd.s32 @!p1 s7, s17  }
0xca: {  	[tilespmem:s19], [sflag:$0x4] =	stream.linear.gather @!p1 [hbm4b:s4+s31], $0x50, $0x38;
	[tilespmem:$0x1EF80] =	vst v63  }
0xcb: {  	s4 =	sshll.u32 @!p1 s10, $0x3  }
0xcc: {  	s10 =	simm.s32 @!p1 $0x13B80;
	s4 =	sadd.s32 @!p1 s5, s4  }
0xcd: {  	[tilespmem:s10], [sflag:$0x7] =	stream.linear.gather @!p1 [hbm4b:s4+s31], $0x1400, $0x38;
	[tilespmem:$0x1EF80] =	vst v63  }
0xce: {  	_ =	swait.ge [sflag:s14], $0x50  }
0xcf: {  	[sflag:s14] =	ssyncset.done $0x0  }
0xd0: {  	[sflag:s14] =	ssyncadd.s32 $0xFFFFFFB0  }
0xd1: {  	_ =	swait.ge [sflag:s15], $0x1400  }
0xd2: {  	[sflag:s15] =	ssyncset.done $0x0  }
0xd3: {  	[sflag:s15] =	ssyncadd.s32 $0xFFFFEC00  }
0xd4: {  	_ =	swait.ge [sflag:s16], $0x2800  }
0xd5: {  	[sflag:s16] =	ssyncset.done $0x0  }
0xd6: {  	s24 =	simm.s32 $0x0;
	[sflag:s16] =	ssyncadd.s32 $0xFFFFD800  }
0xd7: {  	v4 =	vld [tilespmem:s24+$0x14F80]  }
0xd8: {  	v5 =	vld [tilespmem:s24+$0x14F90]  }
0xd9: {  	v6 =	vld [tilespmem:s24+$0x14FA0]  }
0xda: {  	v8 =	vld [tilespmem:s24+$0x14FB0]  }
0xdb: {  	v9 =	vld [tilespmem:s24+$0x14FC0]  }
0xdc: {  	v3 =	vld [tilespmem:s24+$0x14FD0]  }
0xdd: {  	v7 =	vld [tilespmem:s24+$0x19F80]  }
0xde: {  	v10 =	vld [tilespmem:s24+$0x1B380]  }
0xdf: {  	v2 =	vld [tilespmem:s24+$0x14FE0]  }
0xe0: {  	v11 =	vld [tilespmem:s24+$0x19F90]  }
0xe1: {  	v12 =	vld [tilespmem:s24+$0x1B390];
	v13 =	vshll.u32 v4, $0x10  }
0xe2: {  	v14 =	vld [tilespmem:s24+$0x19FA0];
	v4 =	vand.u32 $0xFFFF0000, v4;
	v7 =	vmul.f32 v13, v7  }
0xe3: {  	v1 =	vld [tilespmem:s24+$0x14FF0];
	v4 =	vmul.f32 v4, v10  }
0xe4: {  	v62 =	vld [tilespmem:s24+$0x1B3A0];
	[tilespmem:s24+$0x19F80] =	vst v7;
	v7 =	vshll.u32 v5, $0x10  }
0xe5: {  	v15 =	vld [tilespmem:s24+$0x19FB0];
	[tilespmem:s24+$0x1B380] =	vst v4;
	v4 =	vand.u32 $0xFFFF0000, v5;
	v7 =	vmul.f32 v7, v11  }
0xe6: {  	v10 =	vld [tilespmem:s24+$0x1B3B0];
	v5 =	vshll.u32 v6, $0x10;
	v4 =	vmul.f32 v4, v12  }
0xe7: {  	v16 =	vld [tilespmem:s24+$0x19FC0];
	v11 =	vmul.f32 v5, v14;
	[tilespmem:s24+$0x19F90] =	vst v7  }
0xe8: {  	v7 =	vld [tilespmem:s24+$0x1B3C0];
	[tilespmem:s24+$0x1B390] =	vst v4;
	v4 =	vand.u32 $0xFFFF0000, v6  }
0xe9: {  	v5 =	vld [tilespmem:s24+$0x19FD0];
	[tilespmem:s24+$0x19FA0] =	vst v11;
	v11 =	vshll.u32 v8, $0x10;
	v4 =	vmul.f32 v4, v62  }
0xea: {  	v6 =	vld [tilespmem:s24+$0x1B3D0];
	v8 =	vand.u32 $0xFFFF0000, v8;
	v11 =	vmul.f32 v11, v15  }
0xeb: {  	v63 =	vshll.u32 v9, $0x10;
	v10 =	vmul.f32 v8, v10;
	[tilespmem:s24+$0x1B3A0] =	vst v4;
	v4 =	vld [tilespmem:s24+$0x19FE0]  }
0xec: {  	s17 =	simm.s32 $0x200;
	v8 =	vld [tilespmem:s24+$0x1B3E0];
	[tilespmem:s24+$0x19FB0] =	vst v11;
	v11 =	vand.u32 $0xFFFF0000, v9;
	v9 =	vmul.f32 v63, v16  }
.LBB2_9:
0xed: {  	p2 =	sne.s32 s17, $0x4E00;
	[tilespmem:s24+$0x1B3B0] =	vst v10;
	v7 =	vmul.f32 v11, v7;
	v10 =	vshll.u32 v3, $0x10;
	v11 =	vld [tilespmem:s24+$0x19FF0]  }
0xee: {  	s4 =	sshra.s32 s17, $0x2;
	v3 =	vand.u32 $0xFFFF0000, v3;
	[tilespmem:s24+$0x19FC0] =	vst v9;
	v5 =	vmul.f32 v10, v5;
	v9 =	vld [tilespmem:s24+$0x1B3F0]  }
0xef: {  	v10 =	vld [tilespmem:s4+$0x14F80];
	[tilespmem:s24+$0x1B3C0] =	vst v7;
	v3 =	vmul.f32 v3, v6;
	v6 =	vshll.u32 v2, $0x10  }
0xf0: {  	v2 =	vand.u32 $0xFFFF0000, v2;
	v7 =	vld [tilespmem:s4+$0x14F90];
	[tilespmem:s24+$0x19FD0] =	vst v5;
	v4 =	vmul.f32 v6, v4  }
0xf1: {  	v5 =	vld [tilespmem:s4+$0x14FA0];
	[tilespmem:s24+$0x1B3D0] =	vst v3;
	v2 =	vmul.f32 v2, v8;
	v3 =	vshll.u32 v1, $0x10  }
0xf2: {  	v1 =	vand.u32 $0xFFFF0000, v1;
	v6 =	vld [tilespmem:s4+$0x14FB0];
	[tilespmem:s24+$0x19FE0] =	vst v4;
	v4 =	vmul.f32 v3, v11  }
0xf3: {  	v8 =	vld [tilespmem:s4+$0x14FC0];
	[tilespmem:s24+$0x1B3E0] =	vst v2;
	v1 =	vmul.f32 v1, v9  }
0xf4: {  	v3 =	vld [tilespmem:s4+$0x14FD0];
	[tilespmem:s24+$0x19FF0] =	vst v4  }
0xf5: {  	v2 =	vld [tilespmem:s4+$0x14FE0];
	[tilespmem:s24+$0x1B3F0] =	vst v1;
	s24 =	smov.u32 s4  }
0xf6: {  	v1 =	vld [tilespmem:s24+$0x14FF0]  }
0xf7: {  	v4 =	vld [tilespmem:s24+$0x19F80]  }
0xf8: {  	v9 =	vld [tilespmem:s24+$0x1B380]  }
0xf9: {  	v11 =	vld [tilespmem:s24+$0x19F90]  }
0xfa: {  	v12 =	vld [tilespmem:s24+$0x1B390]  }
0xfb: {  	v13 =	vshll.u32 v10, $0x10;
	v14 =	vld [tilespmem:s24+$0x19FA0]  }
0xfc: {  	v10 =	vand.u32 $0xFFFF0000, v10;
	v4 =	vmul.f32 v13, v4;
	v13 =	vld [tilespmem:s24+$0x1B3A0]  }
0xfd: {  	v9 =	vmul.f32 v10, v9;
	v10 =	vshll.u32 v7, $0x10;
	v15 =	vld [tilespmem:s24+$0x19FB0]  }
0xfe: {  	[tilespmem:s24+$0x19F80] =	vst v4;
	v4 =	vand.u32 $0xFFFF0000, v7;
	v7 =	vmul.f32 v10, v11;
	v10 =	vld [tilespmem:s24+$0x1B3B0]  }
0xff: {  	[tilespmem:s24+$0x1B380] =	vst v9;
	v4 =	vmul.f32 v4, v12;
	v9 =	vshll.u32 v5, $0x10;
	v12 =	vld [tilespmem:s24+$0x19FC0]  }
.Ltmp8:
0x100: {  	v5 =	vand.u32 $0xFFFF0000, v5;
	[tilespmem:s24+$0x19F90] =	vst v7;
	v9 =	vmul.f32 v9, v14;
	v7 =	vld [tilespmem:s24+$0x1B3C0];
	(pc) =	sbr.rel @p2 .LBB2_9-.Ltmp8, $4  }
0x101: {  	v11 =	vshll.u32 v6, $0x10;
	[tilespmem:s24+$0x1B390] =	vst v4;
	v4 =	vmul.f32 v5, v13;
	v5 =	vld [tilespmem:s24+$0x19FD0]  }
0x102: {  	[tilespmem:s24+$0x19FA0] =	vst v9;
	v9 =	vand.u32 $0xFFFF0000, v6;
	v11 =	vmul.f32 v11, v15;
	v6 =	vld [tilespmem:s24+$0x1B3D0]  }
0x103: {  	[tilespmem:s24+$0x1B3A0] =	vst v4;
	v10 =	vmul.f32 v9, v10;
	v9 =	vshll.u32 v8, $0x10;
	v4 =	vld [tilespmem:s24+$0x19FE0]  }
0x104: {  	s17 =	sadd.s32 $0x200, s17;
	[tilespmem:s24+$0x19FB0] =	vst v11;
	v11 =	vand.u32 $0xFFFF0000, v8;
	v9 =	vmul.f32 v9, v12;
	v8 =	vld [tilespmem:s24+$0x1B3E0]  }
0x105: {  	[tilespmem:s24+$0x1B3B0] =	vst v10;
	v60 =	vld [tilespmem:s24+$0x19FF0];
	v7 =	vmul.f32 v11, v7;
	v61 =	vshll.u32 v3, $0x10  }
0x106: {  	v3 =	vand.u32 $0xFFFF0000, v3;
	v62 =	vld [tilespmem:s24+$0x1B3F0];
	[tilespmem:s24+$0x19FC0] =	vst v9;
	v5 =	vmul.f32 v61, v5  }
0x107: {  	v63 =	vshll.u32 v2, $0x10;
	[tilespmem:s24+$0x1B3C0] =	vst v7;
	v3 =	vmul.f32 v3, v6  }
0x108: {  	v2 =	vand.u32 $0xFFFF0000, v2;
	[tilespmem:s24+$0x19FD0] =	vst v5;
	v4 =	vmul.f32 v63, v4  }
.Ltmp9:
0x109: {  	[tilespmem:s24+$0x1B3D0] =	vst v3;
	v2 =	vmul.f32 v2, v8;
	v3 =	vshll.u32 v1, $0x10;
	(pc) =	sbr.rel @p1 .LBB2_11-.Ltmp9, $4  }
0x10a: {  	v1 =	vand.u32 $0xFFFF0000, v1;
	[tilespmem:s24+$0x19FE0] =	vst v4;
	v3 =	vmul.f32 v3, v60  }
0x10b: {  	v1 =	vmul.f32 v1, v62;
	[tilespmem:s24+$0x1B3E0] =	vst v2  }
0x10c: {  	[tilespmem:s24+$0x19FF0] =	vst v3  }
0x10d: {  	[tilespmem:s24+$0x1B3F0] =	vst v1  }
0x10e: {  	_ =	swait.ge [sflag:s29], $0x50;
	s4 =	smul.u32 $0x30, s26  }
0x10f: {  	[sflag:s29] =	ssyncset.done $0x0;
	s24 =	rddreg [dreg:$0xd]  }
0x110: {  	s10 =	simm.s32 $0x13880;
	[sflag:s29] =	ssyncadd.s32 $0xFFFFFFB0;
	s4 =	sadd.s32 s24, s4  }
0x111: {  	[tilespmem:s22], [sflag:$0xA] =	stream.indirect.gather [hbm4b:s1+s30], $0x80, s10, s30, $0xb8;
	[tilespmem:$0x1EF80] =	vst v63  }
0x112: {  	s4 =	smul.u32 $0x50, s4  }
0x113: {  	[spmem:s3] =	stream.indirect.scatter.add.f32 [tilespmem:s2], [sflag:$0xE], $0x80, s0, s30, $0xb8;
	[tilespmem:$0x1EF80] =	vst v63  }
0x114: {  	s4 =	sadd.s32 s8, s4;
	_ =	swait.ge [sflag:s21], $0x2800  }
0x115: {  	s19 =	simm.s32 $0x0;
	s31 =	sshrl.u32 s4, $0x3;
	[sflag:s21] =	ssyncset.done $0x0  }
0x116: {  	s24 =	simm.s32 $0x13900;
	s17 =	sadd.s32 s6, s31;
	[sflag:s21] =	ssyncadd.s32 $0xFFFFD800  }
0x117: {  	[tilespmem:s24], [sflag:$0x2] =	stream.linear.gather [hbm4b:s17+s19], $0x50, $0x38;
	[tilespmem:$0x1EF80] =	vst v63  }
0x118: {  	s4 =	sshll.u32 s4, $0x3;
	s10 =	sadd.s32 s7, s31  }
0x119: {  	[tilespmem:s0], [sflag:$0x5] =	stream.linear.gather [hbm4b:s10+s19], $0x50, $0x38;
	[tilespmem:$0x1EF80] =	vst v63  }
0x11a: {  	s4 =	sadd.s32 s5, s4;
	s31 =	simm.s32 $0x14F80  }
0x11b: {  	[tilespmem:s31], [sflag:$0x8] =	stream.linear.gather [hbm4b:s4+s19], $0x1400, $0x38;
	[tilespmem:$0x1EF80] =	vst v63  }
0x11c: {  	_ =	swait.ge [sflag:s25], $0x50  }
0x11d: {  	[sflag:s25] =	ssyncset.done $0x0  }
0x11e: {  	[sflag:s25] =	ssyncadd.s32 $0xFFFFFFB0  }
0x11f: {  	_ =	swait.ge [sflag:s20], $0x1400  }
0x120: {  	[sflag:s20] =	ssyncset.done $0x0  }
0x121: {  	[sflag:s20] =	ssyncadd.s32 $0xFFFFEC00  }
0x122: {  	_ =	swait.ge [sflag:s9], $0x2800  }
0x123: {  	[sflag:s9] =	ssyncset.done $0x0  }
0x124: {  	s24 =	simm.s32 $0x0;
	[sflag:s9] =	ssyncadd.s32 $0xFFFFD800  }
0x125: {  	v4 =	vld [tilespmem:s24+$0x16380]  }
0x126: {  	v5 =	vld [tilespmem:s24+$0x16390]  }
0x127: {  	v6 =	vld [tilespmem:s24+$0x163A0]  }
0x128: {  	v8 =	vld [tilespmem:s24+$0x163B0]  }
0x129: {  	v9 =	vld [tilespmem:s24+$0x163C0]  }
0x12a: {  	v3 =	vld [tilespmem:s24+$0x163D0]  }
0x12b: {  	v7 =	vld [tilespmem:s24+$0x1C780]  }
0x12c: {  	v10 =	vld [tilespmem:s24+$0x1DB80]  }
0x12d: {  	v2 =	vld [tilespmem:s24+$0x163E0]  }
0x12e: {  	v11 =	vld [tilespmem:s24+$0x1C790]  }
0x12f: {  	v12 =	vld [tilespmem:s24+$0x1DB90];
	v13 =	vshll.u32 v4, $0x10  }
0x130: {  	v14 =	vld [tilespmem:s24+$0x1C7A0];
	v4 =	vand.u32 $0xFFFF0000, v4;
	v7 =	vmul.f32 v13, v7  }
0x131: {  	v1 =	vld [tilespmem:s24+$0x163F0];
	v4 =	vmul.f32 v4, v10  }
0x132: {  	v62 =	vld [tilespmem:s24+$0x1DBA0];
	[tilespmem:s24+$0x1C780] =	vst v7;
	v7 =	vshll.u32 v5, $0x10  }
0x133: {  	v15 =	vld [tilespmem:s24+$0x1C7B0];
	[tilespmem:s24+$0x1DB80] =	vst v4;
	v4 =	vand.u32 $0xFFFF0000, v5;
	v7 =	vmul.f32 v7, v11  }
0x134: {  	v10 =	vld [tilespmem:s24+$0x1DBB0];
	v5 =	vshll.u32 v6, $0x10;
	v4 =	vmul.f32 v4, v12  }
0x135: {  	v16 =	vld [tilespmem:s24+$0x1C7C0];
	v11 =	vmul.f32 v5, v14;
	[tilespmem:s24+$0x1C790] =	vst v7  }
0x136: {  	v7 =	vld [tilespmem:s24+$0x1DBC0];
	[tilespmem:s24+$0x1DB90] =	vst v4;
	v4 =	vand.u32 $0xFFFF0000, v6  }
0x137: {  	v5 =	vld [tilespmem:s24+$0x1C7D0];
	[tilespmem:s24+$0x1C7A0] =	vst v11;
	v11 =	vshll.u32 v8, $0x10;
	v4 =	vmul.f32 v4, v62  }
0x138: {  	v6 =	vld [tilespmem:s24+$0x1DBD0];
	v8 =	vand.u32 $0xFFFF0000, v8;
	v11 =	vmul.f32 v11, v15  }
0x139: {  	v63 =	vshll.u32 v9, $0x10;
	v10 =	vmul.f32 v8, v10;
	[tilespmem:s24+$0x1DBA0] =	vst v4;
	v4 =	vld [tilespmem:s24+$0x1C7E0]  }
0x13a: {  	s17 =	simm.s32 $0x200;
	v8 =	vld [tilespmem:s24+$0x1DBE0];
	[tilespmem:s24+$0x1C7B0] =	vst v11;
	v11 =	vand.u32 $0xFFFF0000, v9;
	v9 =	vmul.f32 v63, v16  }
.LBB2_13:
0x13b: {  	p1 =	sne.s32 s17, $0x4E00;
	[tilespmem:s24+$0x1DBB0] =	vst v10;
	v7 =	vmul.f32 v11, v7;
	v10 =	vshll.u32 v3, $0x10;
	v11 =	vld [tilespmem:s24+$0x1C7F0]  }
0x13c: {  	s4 =	sshra.s32 s17, $0x2;
	v3 =	vand.u32 $0xFFFF0000, v3;
	[tilespmem:s24+$0x1C7C0] =	vst v9;
	v5 =	vmul.f32 v10, v5;
	v9 =	vld [tilespmem:s24+$0x1DBF0]  }
0x13d: {  	v10 =	vld [tilespmem:s4+$0x16380];
	[tilespmem:s24+$0x1DBC0] =	vst v7;
	v3 =	vmul.f32 v3, v6;
	v6 =	vshll.u32 v2, $0x10  }
0x13e: {  	v2 =	vand.u32 $0xFFFF0000, v2;
	v7 =	vld [tilespmem:s4+$0x16390];
	[tilespmem:s24+$0x1C7D0] =	vst v5;
	v4 =	vmul.f32 v6, v4  }
0x13f: {  	v5 =	vld [tilespmem:s4+$0x163A0];
	[tilespmem:s24+$0x1DBD0] =	vst v3;
	v2 =	vmul.f32 v2, v8;
	v3 =	vshll.u32 v1, $0x10  }
0x140: {  	v1 =	vand.u32 $0xFFFF0000, v1;
	v6 =	vld [tilespmem:s4+$0x163B0];
	[tilespmem:s24+$0x1C7E0] =	vst v4;
	v4 =	vmul.f32 v3, v11  }
0x141: {  	v8 =	vld [tilespmem:s4+$0x163C0];
	[tilespmem:s24+$0x1DBE0] =	vst v2;
	v1 =	vmul.f32 v1, v9  }
0x142: {  	v3 =	vld [tilespmem:s4+$0x163D0];
	[tilespmem:s24+$0x1C7F0] =	vst v4  }
0x143: {  	v2 =	vld [tilespmem:s4+$0x163E0];
	[tilespmem:s24+$0x1DBF0] =	vst v1;
	s24 =	smov.u32 s4  }
0x144: {  	v1 =	vld [tilespmem:s24+$0x163F0]  }
0x145: {  	v4 =	vld [tilespmem:s24+$0x1C780]  }
0x146: {  	v9 =	vld [tilespmem:s24+$0x1DB80]  }
0x147: {  	v11 =	vld [tilespmem:s24+$0x1C790]  }
0x148: {  	v12 =	vld [tilespmem:s24+$0x1DB90]  }
0x149: {  	v13 =	vshll.u32 v10, $0x10;
	v14 =	vld [tilespmem:s24+$0x1C7A0]  }
0x14a: {  	v10 =	vand.u32 $0xFFFF0000, v10;
	v4 =	vmul.f32 v13, v4;
	v13 =	vld [tilespmem:s24+$0x1DBA0]  }
0x14b: {  	v9 =	vmul.f32 v10, v9;
	v10 =	vshll.u32 v7, $0x10;
	v15 =	vld [tilespmem:s24+$0x1C7B0]  }
0x14c: {  	[tilespmem:s24+$0x1C780] =	vst v4;
	v4 =	vand.u32 $0xFFFF0000, v7;
	v7 =	vmul.f32 v10, v11;
	v10 =	vld [tilespmem:s24+$0x1DBB0]  }
0x14d: {  	[tilespmem:s24+$0x1DB80] =	vst v9;
	v4 =	vmul.f32 v4, v12;
	v9 =	vshll.u32 v5, $0x10;
	v12 =	vld [tilespmem:s24+$0x1C7C0]  }
.Ltmp10:
0x14e: {  	v5 =	vand.u32 $0xFFFF0000, v5;
	[tilespmem:s24+$0x1C790] =	vst v7;
	v9 =	vmul.f32 v9, v14;
	v7 =	vld [tilespmem:s24+$0x1DBC0];
	(pc) =	sbr.rel @p1 .LBB2_13-.Ltmp10, $4  }
0x14f: {  	v11 =	vshll.u32 v6, $0x10;
	[tilespmem:s24+$0x1DB90] =	vst v4;
	v4 =	vmul.f32 v5, v13;
	v5 =	vld [tilespmem:s24+$0x1C7D0]  }
0x150: {  	[tilespmem:s24+$0x1C7A0] =	vst v9;
	v9 =	vand.u32 $0xFFFF0000, v6;
	v11 =	vmul.f32 v11, v15;
	v6 =	vld [tilespmem:s24+$0x1DBD0]  }
0x151: {  	[tilespmem:s24+$0x1DBA0] =	vst v4;
	v10 =	vmul.f32 v9, v10;
	v9 =	vshll.u32 v8, $0x10;
	v4 =	vld [tilespmem:s24+$0x1C7E0]  }
0x152: {  	s17 =	sadd.s32 $0x200, s17;
	[tilespmem:s24+$0x1C7B0] =	vst v11;
	v11 =	vand.u32 $0xFFFF0000, v8;
	v9 =	vmul.f32 v9, v12;
	v8 =	vld [tilespmem:s24+$0x1DBE0]  }
0x153: {  	[tilespmem:s24+$0x1DBB0] =	vst v10;
	v60 =	vld [tilespmem:s24+$0x1C7F0];
	v7 =	vmul.f32 v11, v7;
	v61 =	vshll.u32 v3, $0x10  }
0x154: {  	v3 =	vand.u32 $0xFFFF0000, v3;
	v62 =	vld [tilespmem:s24+$0x1DBF0];
	[tilespmem:s24+$0x1C7C0] =	vst v9;
	v5 =	vmul.f32 v61, v5  }
0x155: {  	v63 =	vshll.u32 v2, $0x10;
	[tilespmem:s24+$0x1DBC0] =	vst v7;
	v3 =	vmul.f32 v3, v6  }
0x156: {  	v2 =	vand.u32 $0xFFFF0000, v2;
	[tilespmem:s24+$0x1C7D0] =	vst v5;
	v4 =	vmul.f32 v63, v4  }
0x157: {  	[tilespmem:s24+$0x1DBD0] =	vst v3;
	v2 =	vmul.f32 v2, v8;
	v3 =	vshll.u32 v1, $0x10  }
0x158: {  	v1 =	vand.u32 $0xFFFF0000, v1;
	[tilespmem:s24+$0x1C7E0] =	vst v4;
	v3 =	vmul.f32 v3, v60  }
0x159: {  	v1 =	vmul.f32 v1, v62;
	[tilespmem:s24+$0x1DBE0] =	vst v2  }
0x15a: {  	[tilespmem:s24+$0x1C7F0] =	vst v3  }
0x15b: {  	[tilespmem:s24+$0x1DBF0] =	vst v1  }
0x15c: {  	_ =	swait.ge [sflag:s28], $0x50  }
.Ltmp11:
0x15d: {  	[sflag:s28] =	ssyncset.done $0x0;
	(pc) =	sbr.rel .LBB2_15-.Ltmp11, $4  }
0x15e: {  	s4 =	simm.s32 $0x13900;
	[sflag:s28] =	ssyncadd.s32 $0xFFFFFFB0  }
0x15f: {  	[tilespmem:s2], [sflag:$0xB] =	stream.indirect.gather [hbm4b:s1+s30], $0x80, s4, s30, $0xb8;
	[tilespmem:$0x1EF80] =	vst v63  }
0x160: {  	s31 =	simm.s32 $0x13B00;
	s10 =	simm.s32 $0x1C780  }
0x161: {  	[spmem:s3] =	stream.indirect.scatter.add.f32 [tilespmem:s10], [sflag:$0xF], $0x80, s31, s30, $0xb8;
	[tilespmem:$0x1EF80] =	vst v63  }
.LBB2_17:
0x162: {  	_ =	sfence.sel $0x180000  }
0x163: {  	[bflag:$0x0] =	sbarrier.arrive $0xFFFF  }
0x164: {  	_ =	strace $0x90000047  }
0x165: {  	s0 =	stileid.u32;
	[bflag:$0x2] =	sbarrier.arrive $0xFFFF  }
0x166: {  	p0 =	sne.s32 s0, $0x0;
	s0 =	rddreg [dreg:$0x3]  }
0x167: {  	s0 =	sadd.s32 @!p0 $0x100000, s0  }
0x168: {  	[sflag:s0] =	ssyncadd.tile.s32 @!p0 $0x1;
	_ =	shalt  }
.Lfunc_end2:
_tile_overlayer_lowered:
.L_overlay_start_2:
0x169: {  	(tag) =	ssettag $0x2  }
0x16a: {  	s0 =	rddreg [dreg:$0x0];
	s2 =	stileid.u32  }
0x16b: {  	s1 =	rddreg [dreg:$0x1];
	p0 =	sne.s32 s2, $0x0  }
0x16c: {  	s3 =	rddreg [dreg:$0x2];
	[bflag:$0x3] =	sbarrier.arrive $0xFFFF;
	s2 =	simm.s32 @!p0 $0x1C10  }
0x16d: {  	[timem:s3], [sflag:s2] =	dma.local @!p0 [hbm:s0], s1  }
0x16e: {  	s0 =	simm.s32 @!p0 $0x10  }
0x16f: {  	_ =	swait.ge @!p0 [sflag:s0], s1  }
0x170: {  	s1 =	ssub.s32 @!p0 $0x0, s1;
	[sflag:s0] =	ssyncset.done @!p0 $0x0  }
0x171: {  	[sflag:s0] =	ssyncadd.s32 @!p0 s1  }
0x172: {  	[bflag:$0x3] =	sbarrier.arrive $0xFFFF  }
0x173: {  	_ =	shalt  }

</sc_bundles>
